<compile_context>
chip_gen: v7x
topology: tpu7x:2x2x1
jax: 0.10.2.dev20260603
libtpu: 0.0.44.dev20260713+nightly
codegen_flags: <defaults>
</compile_context>

<pallas_src>
import functools

import jax
import jax.numpy as jnp
from jax import lax
from jax.experimental import pallas as pl
from jax.experimental.pallas import tpu as pltpu
from jax.experimental.pallas import tpu_sc as plsc

N, E, D, K2, H = 10000, 320000, 64, 64, 4
NC, NS = 2, 16
NW = NC * NS
F32 = jnp.float32

_INV_SQRT_BN = 1.0 / (1.0 + 1e-5) ** 0.5


def _softplus(x):
    return jnp.maximum(x, 0.0) + jnp.log1p(jnp.exp(-jnp.abs(x)))


def _elu(x):
    return jnp.where(x > 0, x, jnp.exp(x) - 1.0)


def _mesh():
    return plsc.VectorSubcoreMesh(core_axis_name="c", subcore_axis_name="s",
                                  num_cores=NC, num_subcores=NS)


def _mesh1():
    return plsc.VectorSubcoreMesh(core_axis_name="c", subcore_axis_name="s",
                                  num_cores=1, num_subcores=NS)


def _sc_gather_half(table128, idx, half):
    nrows = idx.shape[0] // 2
    per_w = nrows // NS
    WN = 400
    nw = per_w // WN

    def body(table_h, idx_h, out_h, idxv, rv0, rv1, semg, semo0, semo1):
        sid = lax.axis_index("s")
        base = half * nrows + sid * per_w

        def pair(t, _):
            for b, rv, semo in ((0, rv0, semo0), (1, rv1, semo1)):
                g = 2 * t + b
                off = base + g * WN

                @pl.when(g >= 2)
                def _():
                    pltpu.make_async_copy(
                        rv, out_h.at[pl.ds(off - half * nrows, WN), :],
                        semo).wait()

                pltpu.sync_copy(idx_h.at[pl.ds(off, WN)], idxv)
                pltpu.async_copy(table_h.at[idxv], rv, semg).wait()
                pltpu.async_copy(rv, out_h.at[pl.ds(off - half * nrows, WN), :],
                                 semo)
            return 0

        lax.fori_loop(0, nw // 2, pair, 0)
        pltpu.make_async_copy(rv0, out_h.at[pl.ds(0, WN), :], semo0).wait()
        pltpu.make_async_copy(rv1, out_h.at[pl.ds(0, WN), :], semo1).wait()

    return pl.kernel(
        body,
        out_type=jax.ShapeDtypeStruct((nrows, 128), F32),
        mesh=_mesh1(),
        scratch_types=[
            pltpu.VMEM((WN,), jnp.int32),
            pltpu.VMEM((WN, 128), F32),
            pltpu.VMEM((WN, 128), F32),
            pltpu.SemaphoreType.DMA,
            pltpu.SemaphoreType.DMA,
            pltpu.SemaphoreType.DMA,
        ],
    )(table128, idx)


def _sc_segsum(alpha_flat, idx4, m16):
    tot = alpha_flat.shape[0]
    per_w = tot // NW
    WN = 2000
    nw = per_w // WN
    acc_n = 4 * N

    def body(a_h, i_h, m_h, out_h, av, iv, mv, acc):
        cid = lax.axis_index("c")
        sid = lax.axis_index("s")
        wid = sid * NC + cid
        pltpu.sync_copy(m_h, mv)
        mvec = mv[...]

        def zb(j, _):
            av[pl.ds(j * 16, 16)] = jnp.zeros((16,), F32)
            return 0
        lax.fori_loop(0, WN // 16, zb, 0)

        @pl.when(sid < 10)
        def _():
            def zc(k, _):
                pltpu.sync_copy(av, acc.at[pl.ds(sid * 4000 + k * WN, WN)])
                return 0
            lax.fori_loop(0, 2, zc, 0)

        plsc.subcore_barrier()

        def win(k, _):
            off = wid * per_w + k * WN
            pltpu.sync_copy(a_h.at[pl.ds(off, WN)], av)
            pltpu.sync_copy(i_h.at[pl.ds(off, WN)], iv)

            def inner(j, _):
                x = av[pl.ds(j * 16, 16)]
                av[pl.ds(j * 16, 16)] = jnp.exp(x - mvec)
                return 0
            lax.fori_loop(0, WN // 16, inner, 0)
            pltpu.sync_copy(av, acc.at[iv], add=True)
            return 0
        lax.fori_loop(0, nw, win, 0)

        plsc.subcore_barrier()

        @pl.when(sid < 10)
        def _():
            def oc(k, _):
                o = sid * 4000 + k * WN
                pltpu.sync_copy(acc.at[pl.ds(o, WN)], av)
                pltpu.sync_copy(av, out_h.at[pl.ds(cid * acc_n + o, WN)])
                return 0
            lax.fori_loop(0, 2, oc, 0)

    return pl.kernel(
        body,
        out_type=jax.ShapeDtypeStruct((NC * acc_n,), F32),
        mesh=_mesh(),
        scratch_types=[
            pltpu.VMEM((WN,), F32),
            pltpu.VMEM((WN,), jnp.int32),
            pltpu.VMEM((16,), F32),
            pltpu.VMEM_SHARED((acc_n,), F32),
        ],
    )(alpha_flat, idx4, m16)


def _sc_gather_s(s_partial, idx4):
    tot = idx4.shape[0]
    per_w = tot // NW
    WN = 2000
    nw = per_w // WN
    acc_n = s_partial.shape[0] // NC

    def body(sp_h, i_h, out_h, b0, b1, iv, sv, ssh, sem):
        sid = lax.axis_index("s")
        wid = sid * NC + lax.axis_index("c")

        @pl.when(sid < 10)
        def _():
            pltpu.sync_copy(sp_h.at[pl.ds(sid * 4000, 4000)], b0)
            pltpu.sync_copy(sp_h.at[pl.ds(acc_n + sid * 4000, 4000)], b1)

            def addl(j, _):
                b0[pl.ds(j * 16, 16)] = (b0[pl.ds(j * 16, 16)] +
                                         b1[pl.ds(j * 16, 16)])
                return 0
            lax.fori_loop(0, 4000 // 16, addl, 0)
            pltpu.sync_copy(b0, ssh.at[pl.ds(sid * 4000, 4000)])

        plsc.subcore_barrier()

        def win(k, _):
            off = wid * per_w + k * WN
            pltpu.sync_copy(i_h.at[pl.ds(off, WN)], iv)
            pltpu.async_copy(ssh.at[iv], sv, sem).wait()
            pltpu.sync_copy(sv, out_h.at[pl.ds(off, WN)])
            return 0
        lax.fori_loop(0, nw, win, 0)

    return pl.kernel(
        body,
        out_type=jax.ShapeDtypeStruct((tot,), F32),
        mesh=_mesh(),
        scratch_types=[
            pltpu.VMEM((4000,), F32),
            pltpu.VMEM((4000,), F32),
            pltpu.VMEM((WN,), jnp.int32),
            pltpu.VMEM((WN,), F32),
            pltpu.VMEM_SHARED((4 * N,), F32),
            pltpu.SemaphoreType.DMA,
        ],
    )(s_partial, idx4)


def _sc_scatter_rows(z128, src):
    per_w = E // NW
    WN = 200
    nw = per_w // WN

    def body(z_h, s_h, out_h, zv, iv, acc):
        cid = lax.axis_index("c")
        sid = lax.axis_index("s")
        wid = sid * NC + cid

        def zb(j, _):
            zv[j // 8, pl.ds((j % 8) * 16, 16)] = jnp.zeros((16,), F32)
            return 0
        lax.fori_loop(0, WN * 8, zb, 0)

        def zc(k, _):
            pltpu.sync_copy(zv, acc.at[pl.ds(sid * 624 + k * WN, WN), :])
            return 0
        lax.fori_loop(0, 3, zc, 0)

        @pl.when(sid < 15)
        def _():
            pltpu.sync_copy(zv.at[pl.ds(0, 24), :],
                            acc.at[pl.ds(sid * 624 + 600, 24), :])

        @pl.when(sid == 15)
        def _():
            pltpu.sync_copy(zv.at[pl.ds(0, 40), :],
                            acc.at[pl.ds(9960, 40), :])

        plsc.subcore_barrier()

        def win(k, _):
            off = wid * per_w + k * WN
            pltpu.sync_copy(z_h.at[pl.ds(off, WN), :], zv)
            pltpu.sync_copy(s_h.at[pl.ds(off, WN)], iv)
            pltpu.sync_copy(zv, acc.at[iv], add=True)
            return 0
        lax.fori_loop(0, nw, win, 0)

        plsc.subcore_barrier()

        def oc(k, _):
            o = sid * 624 + k * WN
            pltpu.sync_copy(acc.at[pl.ds(o, WN), :], zv)
            pltpu.sync_copy(zv, out_h.at[cid, pl.ds(o, WN), :])
            return 0
        lax.fori_loop(0, 3, oc, 0)

        @pl.when(sid < 15)
        def _():
            pltpu.sync_copy(acc.at[pl.ds(sid * 624 + 600, 24), :],
                            zv.at[pl.ds(0, 24), :])
            pltpu.sync_copy(zv.at[pl.ds(0, 24), :],
                            out_h.at[cid, pl.ds(sid * 624 + 600, 24), :])

        @pl.when(sid == 15)
        def _():
            pltpu.sync_copy(acc.at[pl.ds(9960, 40), :],
                            zv.at[pl.ds(0, 40), :])
            pltpu.sync_copy(zv.at[pl.ds(0, 40), :],
                            out_h.at[cid, pl.ds(9960, 40), :])

    return pl.kernel(
        body,
        out_type=jax.ShapeDtypeStruct((NC, N, 128), F32),
        mesh=_mesh(),
        scratch_types=[
            pltpu.VMEM((WN, 128), F32),
            pltpu.VMEM((WN,), jnp.int32),
            pltpu.VMEM_SHARED((N, 128), F32),
        ],
    )(z128, src)


_BE = 2000
_NB = E // _BE


def _tc_main_body(ni_r, nj_r, xr_r, xc_r, rij_r, pw_r, ea_r,
                  wgm_r, w2g_r, w2_r, w_r, ai_r, aj_r,
                  alpha_r, p_r, pz2_r, m_r):
    i = pl.program_id(0)
    ni = ni_r[:, :64]
    nj = nj_r[:, :64]
    r = rij_r[...]
    r = r + (r == 0).astype(F32) * 1e-8
    delta = (ni - nj) / r
    fe = jnp.concatenate([ni, nj, delta], axis=1)
    gm = jnp.dot(fe, wgm_r[...], preferred_element_type=F32)
    pgate = jax.nn.sigmoid(gm[:, :64]) * _elu(gm[:, 64:])
    pw = pw_r[...]
    gate = jax.nn.sigmoid(jnp.dot(pw, w2g_r[...], preferred_element_type=F32))
    z2 = jnp.dot(pw * gate, w2_r[...], preferred_element_type=F32)
    ea = ea_r[...]
    w = w_r[...]
    hi = _softplus(jnp.dot(jnp.concatenate([xr_r[:, :64], ea], axis=1), w,
                           preferred_element_type=F32))
    hj = _softplus(jnp.dot(jnp.concatenate([xc_r[:, :64], ea], axis=1), w,
                           preferred_element_type=F32))
    ap = (jnp.dot(hi, ai_r[...], preferred_element_type=F32) +
          jnp.dot(hj, aj_r[...], preferred_element_type=F32))
    a = _softplus(_softplus(ap) * _INV_SQRT_BN)
    alpha_r[...] = a
    p_r[...] = pgate
    pz2_r[...] = pgate * z2
    mb = jnp.full((8, 128), jnp.max(a), F32)
    m_r[...] = jnp.where(i == 0, mb, jnp.maximum(m_r[...], mb))


def _tc_main(g0, g1, rij2, pw, ea, wgm, w2g, w2, w, ai, aj):
    be = pl.BlockSpec((_BE, 64), lambda i: (i, 0))
    full = lambda shape: pl.BlockSpec(shape, lambda i: tuple(0 for _ in shape))
    return pl.pallas_call(
        _tc_main_body,
        grid=(_NB,),
        in_specs=[
            pl.BlockSpec((_BE, 128), lambda i: (i, 0)),
            pl.BlockSpec((_BE, 128), lambda i: (i + _NB, 0)),
            pl.BlockSpec((_BE, 128), lambda i: (i, 0)),
            pl.BlockSpec((_BE, 128), lambda i: (i + _NB, 0)),
            pl.BlockSpec((_BE, 1), lambda i: (i, 0)),
            be, be,
            full((192, 128)), full((64, 64)), full((64, 64)),
            full((128, 256)), full((256, 4)), full((256, 4)),
        ],
        out_specs=[
            pl.BlockSpec((_BE, 4), lambda i: (i, 0)),
            be, be,
            pl.BlockSpec((8, 128), lambda i: (0, 0)),
        ],
        out_shape=[
            jax.ShapeDtypeStruct((E, 4), F32),
            jax.ShapeDtypeStruct((E, 64), F32),
            jax.ShapeDtypeStruct((E, 64), F32),
            jax.ShapeDtypeStruct((8, 128), F32),
        ],
    )(g0, g0, g1, g1, rij2, pw, ea, wgm, w2g, w2, w, ai, aj)


def _tc_final_body(xc_r, ea_r, al_r, sr_r, p_r, pz2_r, m_r, w_r, z_r):
    m = jnp.max(m_r[...])
    an = jnp.exp(al_r[...] - m) / (sr_r[...] + 1e-16)
    hj = _softplus(jnp.dot(jnp.concatenate([xc_r[:, :64], ea_r[...]], axis=1),
                           w_r[...], preferred_element_type=F32))
    z1 = hj[:, 0:64] * an[:, 0:1]
    for h in range(1, H):
        z1 = z1 + hj[:, h * 64:(h + 1) * 64] * an[:, h:h + 1]
    z = p_r[...] * (0.25 * z1) + pz2_r[...]
    z_r[...] = jnp.concatenate([z, jnp.zeros_like(z)], axis=1)


def _tc_final(g1, ea, alpha, srow, p, pz2, m, w):
    be = pl.BlockSpec((_BE, 64), lambda i: (i, 0))
    b4 = pl.BlockSpec((_BE, 4), lambda i: (i, 0))
    return pl.pallas_call(
        _tc_final_body,
        grid=(_NB,),
        in_specs=[
            pl.BlockSpec((_BE, 128), lambda i: (i + _NB, 0)),
            be, b4, b4, be, be,
            pl.BlockSpec((8, 128), lambda i: (0, 0)),
            pl.BlockSpec((128, 256), lambda i: (0, 0)),
        ],
        out_specs=pl.BlockSpec((_BE, 128), lambda i: (i, 0)),
        out_shape=jax.ShapeDtypeStruct((E, 128), F32),
    )(g1, ea, alpha, srow, p, pz2, m, w)


def _tc_add_body(x_r, p_r, o_r):
    o_r[...] = x_r[...] + p_r[0, :, :64] + p_r[1, :, :64]


def _tc_add(x, parts):
    BN = 2000
    return pl.pallas_call(
        _tc_add_body,
        grid=(N // BN,),
        in_specs=[
            pl.BlockSpec((BN, 64), lambda i: (i, 0)),
            pl.BlockSpec((NC, BN, 128), lambda i: (0, i, 0)),
        ],
        out_specs=pl.BlockSpec((BN, 64), lambda i: (i, 0)),
        out_shape=jax.ShapeDtypeStruct((N, 64), F32),
    )(x, parts)


def kernel(input, nodes, edge_sources, edge_targets, rij, plane_wave,
           edge_attr, edge_index, W_agat, att, lin_gate_w, lin_mlp_w,
           lin2_w, lin2_gate_w):
    x = input
    row = edge_index[0].astype(jnp.int32)
    col = edge_index[1].astype(jnp.int32)
    es = edge_sources.astype(jnp.int32)
    et = edge_targets.astype(jnp.int32)

    idx_all = jnp.concatenate([es, et, row, col])
    table128 = jnp.concatenate([x, jnp.zeros_like(x)], axis=1)
    g0 = _sc_gather_half(table128, idx_all, 0)
    g1 = _sc_gather_half(table128, idx_all, 1)

    wgm = jnp.concatenate([lin_gate_w.T, lin_mlp_w.T], axis=1)
    w2g = lin2_gate_w.T
    w2 = lin2_w.T
    af = att.reshape(H, 2 * D)
    rows_hd = jnp.arange(H * D, dtype=jnp.int32)
    cols_h = jnp.repeat(jnp.arange(H, dtype=jnp.int32), D)
    ai = jnp.zeros((H * D, H), F32).at[rows_hd, cols_h].set(af[:, :D].reshape(-1))
    aj = jnp.zeros((H * D, H), F32).at[rows_hd, cols_h].set(af[:, D:].reshape(-1))

    alpha, p, pz2, m = _tc_main(g0, g1, rij.reshape(E, 1), plane_wave,
                                edge_attr, wgm, w2g, w2, W_agat, ai, aj)

    idx4 = (row * 4)[:, None] + jnp.arange(4, dtype=jnp.int32)[None, :]
    idx4 = idx4.reshape(-1)
    m16 = jnp.full((16,), m[0, 0], F32)

    sp = _sc_segsum(alpha.reshape(-1), idx4, m16)
    srow = _sc_gather_s(sp, idx4)

    z = _tc_final(g1, edge_attr, alpha, srow.reshape(E, 4), p, pz2, m,
                  W_agat)
    parts = _sc_scatter_rows(z, es)
    return _tc_add(x, parts)

# --- scband reference (transcript-rebuilt; emitter-appended) ---
"""Pipeline reference for scband-gated-graph-convolution-29867202576581 (READ-ONLY COPY).

The authoritative reference and input builder live on the scoring server;
editing this copy changes nothing except your own understanding.
"""

import jax, jax.numpy as jnp
import numpy as np

N, E, D, K2, H = 10000, 320000, 64, 64, 4

def _glorot(k, shape):
    s = float(np.sqrt(6.0 / (shape[-2] + shape[-1])))
    return jax.random.uniform(k, shape, jnp.float32, minval=-s, maxval=s)

def setup_inputs(seed: int = 0) -> dict:
    key = jax.random.key(seed)
    ks = jax.random.split(key, 14)
    inp = {}
    inp['input'] = jax.random.normal(ks[0], (N, D), jnp.float32)
    inp['nodes'] = jnp.arange(N)
    inp['edge_sources'] = jax.random.randint(ks[1], (E,), 0, N)
    inp['edge_targets'] = jax.random.randint(ks[2], (E,), 0, N)
    inp['rij'] = jax.random.uniform(ks[3], (E,), jnp.float32)
    inp['plane_wave'] = jax.random.normal(ks[4], (E, K2), jnp.float32)
    inp['edge_attr'] = jax.random.normal(ks[5], (E, D), jnp.float32)
    inp['edge_index'] = jax.random.randint(ks[6], (2, E), 0, N)
    # learned parameters
    inp['W_agat'] = _glorot(ks[7], (2 * D, H * D))
    inp['att'] = _glorot(ks[8], (1, H, 2 * D))
    inp['lin_gate_w'] = jax.random.normal(ks[9], (64, 192), jnp.float32) * 0.05
    inp['lin_mlp_w'] = jax.random.normal(ks[10], (64, 192), jnp.float32) * 0.05
    inp['lin2_w'] = jax.random.normal(ks[11], (64, K2), jnp.float32) * 0.05
    inp['lin2_gate_w'] = jax.random.normal(ks[12], (K2, K2), jnp.float32) * 0.05
    return inp

def _agat(x, edge_index, edge_attr, W, att):
    row = edge_index[0]
    col = edge_index[1]
    out_i = jnp.concatenate([x[row], edge_attr], axis=-1)
    out_j = jnp.concatenate([x[col], edge_attr], axis=-1)
    out_i = jax.nn.softplus(out_i @ W).reshape(-1, H, D)
    out_j = jax.nn.softplus(out_j @ W).reshape(-1, H, D)
    alpha = jax.nn.softplus(jnp.sum(jnp.concatenate([out_i, out_j], axis=-1) * att, axis=-1))
    # BatchNorm1d(heads) in eval mode with default running stats (mean=0, var=1, gamma=1, beta=0)
    alpha = alpha / jnp.sqrt(1.0 + 1e-5)
    alpha = jax.nn.softplus(alpha)
    # torch_geometric softmax grouped by row
    m = jax.ops.segment_max(alpha, row, num_segments=N)
    ex = jnp.exp(alpha - m[row])
    s = jax.ops.segment_sum(ex, row, num_segments=N)
    alpha = ex / (s[row] + 1e-16)
    out_j = jnp.mean(out_j * alpha[..., None], axis=1)
    return out_j

def reference(input, nodes, edge_sources, edge_targets, rij, plane_wave, edge_attr, edge_index, W_agat, att, lin_gate_w, lin_mlp_w, lin2_w, lin2_gate_w):
    ni = input[edge_sources]
    nj = input[edge_targets]
    eps = 1e-08
    rij = rij + (rij == 0).astype(jnp.float32) * eps
    rij = rij[:, None]
    delta = (ni - nj) / rij
    final_fe = jnp.concatenate([ni, nj, delta], axis=1)
    e_gate = jax.nn.sigmoid(final_fe @ lin_gate_w.T)
    e_MLP = jax.nn.elu(final_fe @ lin_mlp_w.T)
    gate = jax.nn.sigmoid(plane_wave @ lin2_gate_w.T)
    z2 = (plane_wave * gate) @ lin2_w.T
    z1 = _agat(input, edge_index, edge_attr, W_agat, att)
    z = e_gate * e_MLP * (z1 + z2)
    output = input.at[edge_sources].add(z)
    return output

if __name__ == "__main__":
    import jax
    _d = setup_inputs()
    print(jax.jit(kernel)(*tuple(_d.values())))

</pallas_src>

<mosaic_0001>
#map = affine_map<(d0, d1) -> (0)>
module attributes {stable_mosaic.version = 14 : i64} {
  func.func @body(%arg0: i32, %arg1: i32, %arg2: memref<1280000xf32, #tpu.memory_space<hbm>>, %arg3: memref<1280000xi32, #tpu.memory_space<hbm>>, %arg4: memref<16xf32, #tpu.memory_space<hbm>>, %arg5: memref<80000xf32, #tpu.memory_space<hbm>>, %arg6: memref<2000xf32, #tpu.memory_space<vmem>>, %arg7: memref<2000xi32, #tpu.memory_space<vmem>>, %arg8: memref<16xf32, #tpu.memory_space<vmem>>, %arg9: memref<40000xf32, #tpu.memory_space<vmem_shared>>) attributes {dimension_semantics = [#tpu.dimension_semantics<core_parallel>, #tpu.dimension_semantics<subcore_parallel>], iteration_bounds = array<i64: 2, 16>, scalar_prefetch = 0 : i64, scratch_operands = 4 : i64, tpu.core_type = #tpu.core_type<sc_vector_subcore>, window_params = [{transform_indices = #map}, {transform_indices = #map}, {transform_indices = #map}, {transform_indices = #map}]} {
    %mul3A = arith.constant 2 : i32
    %mul3A_0 = arith.muli %arg1, %mul3A : i32
    %add3A = arith.addi %mul3A_0, %arg0 : i32
    "tpu.region"() ({
      %run_scoped3A = tpu.sem_alloc : memref<!tpu.dma_semaphore, #tpu.memory_space<semaphore_mem>>
      tpu.enqueue_dma source(%arg4 : memref<16xf32, #tpu.memory_space<hbm>>) target(%arg8 : memref<16xf32, #tpu.memory_space<vmem>>) target_semaphore(%run_scoped3A : memref<!tpu.dma_semaphore, #tpu.memory_space<semaphore_mem>>)
      tpu.wait_dma2 semaphore(%run_scoped3A : memref<!tpu.dma_semaphore, #tpu.memory_space<semaphore_mem>>) src(%arg4 : memref<16xf32, #tpu.memory_space<hbm>>) dst(%arg8 : memref<16xf32, #tpu.memory_space<vmem>>)
      tpu.yield
    }) : () -> ()
    %get3A = arith.constant 0 : index
    %get3A_1 = tpu.vector_load %arg8[%get3A] {strides = array<i32>} : memref<16xf32, #tpu.memory_space<vmem>>, vector<16xf32>,
    %get3A_2 = vector.shape_cast %get3A_1 : vector<16xf32> to vector<16xf32>
    %scan3A = arith.constant 0 : i32
    %scan3A_3 = arith.constant 0 : i32
    %scan3A_4 = arith.constant 125 : i32
    %scan3A_5 = arith.addi %scan3A_3, %scan3A_4 : i32
    %scan3A_6 = arith.constant 1 : i32
    %scan3A_7 = scf.for %scan3A_24 = %scan3A_3 to %scan3A_5 step %scan3A_6 iter_args(%scan3A_25 = %scan3A) -> (i32)  : i32 {
      %broadcast_in_dim3A = arith.constant 0.000000e+00 : f32
      %broadcast_in_dim3A_26 = vector.broadcast %broadcast_in_dim3A : f32 to vector<16xf32>
      %mul3A_27 = arith.constant 16 : i32
      %mul3A_28 = arith.muli %scan3A_24, %mul3A_27 : i32
      %swap3A = arith.index_cast %mul3A_28 : i32 to index
      %swap3A_29 = tpu.vector_load %arg6[%swap3A] {strides = array<i32>} : memref<2000xf32, #tpu.memory_space<vmem>>, vector<16xf32>,
      %swap3A_30 = vector.shape_cast %swap3A_29 : vector<16xf32> to vector<16xf32>
      %swap3A_31 = vector.shape_cast %broadcast_in_dim3A_26 : vector<16xf32> to vector<16xf32>
      tpu.vector_store %arg6[%swap3A], %swap3A_31 {strides = array<i32>} : memref<2000xf32, #tpu.memory_space<vmem>>, vector<16xf32>,
      %scan3A_32 = arith.constant 0 : i32
      scf.yield %scan3A_32 : i32
    }
    %scan3A_8 = arith.constant 125 : i32
    %lt3A = arith.constant 10 : i32
    %lt3A_9 = arith.cmpi slt, %arg1, %lt3A : i32
    %convert_element_type3A = arith.extui %lt3A_9 : i1 to i32
    %cond3A = arith.constant 0 : i32
    %cond3A_10 = arith.cmpi ne, %convert_element_type3A, %cond3A : i32
    scf.if %cond3A_10 {
      %scan3A_24 = arith.constant 0 : i32
      %scan3A_25 = arith.constant 0 : i32
      %scan3A_26 = arith.constant 2 : i32
      %scan3A_27 = arith.addi %scan3A_25, %scan3A_26 : i32
      %scan3A_28 = arith.constant 1 : i32
      %scan3A_29 = scf.for %scan3A_31 = %scan3A_25 to %scan3A_27 step %scan3A_28 iter_args(%scan3A_32 = %scan3A_24) -> (i32)  : i32 {
        %mul3A_33 = arith.constant 4000 : i32
        %mul3A_34 = arith.muli %arg1, %mul3A_33 : i32
        %mul3A_35 = arith.constant 2000 : i32
        %mul3A_36 = arith.muli %scan3A_31, %mul3A_35 : i32
        %add3A_37 = arith.addi %mul3A_34, %mul3A_36 : i32
        "tpu.region"() ({
          %run_scoped3A = tpu.sem_alloc : memref<!tpu.dma_semaphore, #tpu.memory_space<semaphore_mem>>
          %dma_start3A = tpu.memref_slice %arg9[%add3A_37] : memref<40000xf32, #tpu.memory_space<vmem_shared>> -> memref<2000xf32, #tpu.memory_space<vmem_shared>>
          %dma_start3A_39 = tpu.memref_slice %arg9[%add3A_37] : memref<40000xf32, #tpu.memory_space<vmem_shared>> -> memref<2000xf32, #tpu.memory_space<vmem_shared>>
          tpu.enqueue_dma source(%arg6 : memref<2000xf32, #tpu.memory_space<vmem>>) target(%dma_start3A_39 : memref<2000xf32, #tpu.memory_space<vmem_shared>>) target_semaphore(%run_scoped3A : memref<!tpu.dma_semaphore, #tpu.memory_space<semaphore_mem>>)
          %dma_wait3A = tpu.memref_slice %arg9[%add3A_37] : memref<40000xf32, #tpu.memory_space<vmem_shared>> -> memref<2000xf32, #tpu.memory_space<vmem_shared>>
          %dma_wait3A_40 = tpu.memref_slice %arg9[%add3A_37] : memref<40000xf32, #tpu.memory_space<vmem_shared>> -> memref<2000xf32, #tpu.memory_space<vmem_shared>>
          tpu.wait_dma2 semaphore(%run_scoped3A : memref<!tpu.dma_semaphore, #tpu.memory_space<semaphore_mem>>) src(%arg6 : memref<2000xf32, #tpu.memory_space<vmem>>) dst(%dma_wait3A_40 : memref<2000xf32, #tpu.memory_space<vmem_shared>>)
          tpu.yield
        }) : () -> ()
        %scan3A_38 = arith.constant 0 : i32
        scf.yield %scan3A_38 : i32
      }
      %scan3A_30 = arith.constant 2 : i32
    } else {
    }
    %barrier3A = arith.constant 0 : index
    tpu.barrier barrier_id(%barrier3A)
    %scan3A_11 = arith.constant 0 : i32
    %scan3A_12 = arith.constant 0 : i32
    %scan3A_13 = arith.constant 20 : i32
    %scan3A_14 = arith.addi %scan3A_12, %scan3A_13 : i32
    %scan3A_15 = arith.constant 1 : i32
    %scan3A_16 = scf.for %scan3A_24 = %scan3A_12 to %scan3A_14 step %scan3A_15 iter_args(%scan3A_25 = %scan3A_11) -> (i32)  : i32 {
      %mul3A_26 = arith.constant 40000 : i32
      %mul3A_27 = arith.muli %add3A, %mul3A_26 : i32
      %mul3A_28 = arith.constant 2000 : i32
      %mul3A_29 = arith.muli %scan3A_24, %mul3A_28 : i32
      %add3A_30 = arith.addi %mul3A_27, %mul3A_29 : i32
      "tpu.region"() ({
        %run_scoped3A = tpu.sem_alloc : memref<!tpu.dma_semaphore, #tpu.memory_space<semaphore_mem>>
        %dma_start3A = tpu.memref_slice %arg2[%add3A_30] : memref<1280000xf32, #tpu.memory_space<hbm>> -> memref<2000xf32, #tpu.memory_space<hbm>>
        %dma_start3A_39 = tpu.memref_slice %arg2[%add3A_30] : memref<1280000xf32, #tpu.memory_space<hbm>> -> memref<2000xf32, #tpu.memory_space<hbm>>
        tpu.enqueue_dma source(%dma_start3A_39 : memref<2000xf32, #tpu.memory_space<hbm>>) target(%arg6 : memref<2000xf32, #tpu.memory_space<vmem>>) target_semaphore(%run_scoped3A : memref<!tpu.dma_semaphore, #tpu.memory_space<semaphore_mem>>)
        %dma_wait3A = tpu.memref_slice %arg2[%add3A_30] : memref<1280000xf32, #tpu.memory_space<hbm>> -> memref<2000xf32, #tpu.memory_space<hbm>>
        %dma_wait3A_40 = tpu.memref_slice %arg2[%add3A_30] : memref<1280000xf32, #tpu.memory_space<hbm>> -> memref<2000xf32, #tpu.memory_space<hbm>>
        tpu.wait_dma2 semaphore(%run_scoped3A : memref<!tpu.dma_semaphore, #tpu.memory_space<semaphore_mem>>) src(%dma_wait3A_40 : memref<2000xf32, #tpu.memory_space<hbm>>) dst(%arg6 : memref<2000xf32, #tpu.memory_space<vmem>>)
        tpu.yield
      }) : () -> ()
      "tpu.region"() ({
        %run_scoped3A = tpu.sem_alloc : memref<!tpu.dma_semaphore, #tpu.memory_space<semaphore_mem>>
        %dma_start3A = tpu.memref_slice %arg3[%add3A_30] : memref<1280000xi32, #tpu.memory_space<hbm>> -> memref<2000xi32, #tpu.memory_space<hbm>>
        %dma_start3A_39 = tpu.memref_slice %arg3[%add3A_30] : memref<1280000xi32, #tpu.memory_space<hbm>> -> memref<2000xi32, #tpu.memory_space<hbm>>
        tpu.enqueue_dma source(%dma_start3A_39 : memref<2000xi32, #tpu.memory_space<hbm>>) target(%arg7 : memref<2000xi32, #tpu.memory_space<vmem>>) target_semaphore(%run_scoped3A : memref<!tpu.dma_semaphore, #tpu.memory_space<semaphore_mem>>)
        %dma_wait3A = tpu.memref_slice %arg3[%add3A_30] : memref<1280000xi32, #tpu.memory_space<hbm>> -> memref<2000xi32, #tpu.memory_space<hbm>>
        %dma_wait3A_40 = tpu.memref_slice %arg3[%add3A_30] : memref<1280000xi32, #tpu.memory_space<hbm>> -> memref<2000xi32, #tpu.memory_space<hbm>>
        tpu.wait_dma2 semaphore(%run_scoped3A : memref<!tpu.dma_semaphore, #tpu.memory_space<semaphore_mem>>) src(%dma_wait3A_40 : memref<2000xi32, #tpu.memory_space<hbm>>) dst(%arg7 : memref<2000xi32, #tpu.memory_space<vmem>>)
        tpu.yield
      }) : () -> ()
      %scan3A_31 = arith.constant 0 : i32
      %scan3A_32 = arith.constant 0 : i32
      %scan3A_33 = arith.constant 125 : i32
      %scan3A_34 = arith.addi %scan3A_32, %scan3A_33 : i32
      %scan3A_35 = arith.constant 1 : i32
      %scan3A_36 = scf.for %scan3A_39 = %scan3A_32 to %scan3A_34 step %scan3A_35 iter_args(%scan3A_40 = %scan3A_31) -> (i32)  : i32 {
        %mul3A_41 = arith.constant 16 : i32
        %mul3A_42 = arith.muli %scan3A_39, %mul3A_41 : i32
        %get3A_43 = arith.index_cast %mul3A_42 : i32 to index
        %get3A_44 = tpu.vector_load %arg6[%get3A_43] {strides = array<i32>} : memref<2000xf32, #tpu.memory_space<vmem>>, vector<16xf32>,
        %get3A_45 = vector.shape_cast %get3A_44 : vector<16xf32> to vector<16xf32>
        %sub3A = arith.subf %get3A_45, %get3A_2 : vector<16xf32>
        %exp3A = math.exp %sub3A : vector<16xf32>
        %mul3A_46 = arith.constant 16 : i32
        %mul3A_47 = arith.muli %scan3A_39, %mul3A_46 : i32
        %swap3A = arith.index_cast %mul3A_47 : i32 to index
        %swap3A_48 = tpu.vector_load %arg6[%swap3A] {strides = array<i32>} : memref<2000xf32, #tpu.memory_space<vmem>>, vector<16xf32>,
        %swap3A_49 = vector.shape_cast %swap3A_48 : vector<16xf32> to vector<16xf32>
        %swap3A_50 = vector.shape_cast %exp3A : vector<16xf32> to vector<16xf32>
        tpu.vector_store %arg6[%swap3A], %swap3A_50 {strides = array<i32>} : memref<2000xf32, #tpu.memory_space<vmem>>, vector<16xf32>,
        %scan3A_51 = arith.constant 0 : i32
        scf.yield %scan3A_51 : i32
      }
      %scan3A_37 = arith.constant 125 : i32
      "tpu.region"() ({
        %run_scoped3A = tpu.sem_alloc : memref<!tpu.dma_semaphore, #tpu.memory_space<semaphore_mem>>
        %dma_start3A = arith.constant 0 : i32
        %dma_start3A_39 = tpu.memref_slice %arg9[%dma_start3A] : memref<40000xf32, #tpu.memory_space<vmem_shared>> -> memref<40000xf32, #tpu.memory_space<vmem_shared>>
        tpu.enqueue_indirect_dma source(%arg6 : memref<2000xf32, #tpu.memory_space<vmem>>) target(%dma_start3A_39 : memref<40000xf32, #tpu.memory_space<vmem_shared>>) offsets(%arg7 : memref<2000xi32, #tpu.memory_space<vmem>>) semaphore(%run_scoped3A : memref<!tpu.dma_semaphore, #tpu.memory_space<semaphore_mem>>) {add = true}
        %dma_wait3A = arith.constant 0 : i32
        %dma_wait3A_40 = tpu.memref_slice %arg9[%dma_wait3A] : memref<40000xf32, #tpu.memory_space<vmem_shared>> -> memref<40000xf32, #tpu.memory_space<vmem_shared>>
        tpu.wait_indirect_dma semaphore(%run_scoped3A : memref<!tpu.dma_semaphore, #tpu.memory_space<semaphore_mem>>) src(%arg6 : memref<2000xf32, #tpu.memory_space<vmem>>) dst(%dma_wait3A_40 : memref<40000xf32, #tpu.memory_space<vmem_shared>>)
        tpu.yield
      }) : () -> ()
      %scan3A_38 = arith.constant 0 : i32
      scf.yield %scan3A_38 : i32
    }
    %scan3A_17 = arith.constant 20 : i32
    %barrier3A_18 = arith.constant 0 : index
    tpu.barrier barrier_id(%barrier3A_18)
    %lt3A_19 = arith.constant 10 : i32
    %lt3A_20 = arith.cmpi slt, %arg1, %lt3A_19 : i32
    %convert_element_type3A_21 = arith.extui %lt3A_20 : i1 to i32
    %cond3A_22 = arith.constant 0 : i32
    %cond3A_23 = arith.cmpi ne, %convert_element_type3A_21, %cond3A_22 : i32
    scf.if %cond3A_23 {
      %scan3A_24 = arith.constant 0 : i32
      %scan3A_25 = arith.constant 0 : i32
      %scan3A_26 = arith.constant 2 : i32
      %scan3A_27 = arith.addi %scan3A_25, %scan3A_26 : i32
      %scan3A_28 = arith.constant 1 : i32
      %scan3A_29 = scf.for %scan3A_31 = %scan3A_25 to %scan3A_27 step %scan3A_28 iter_args(%scan3A_32 = %scan3A_24) -> (i32)  : i32 {
        %mul3A_33 = arith.constant 4000 : i32
        %mul3A_34 = arith.muli %arg1, %mul3A_33 : i32
        %mul3A_35 = arith.constant 2000 : i32
        %mul3A_36 = arith.muli %scan3A_31, %mul3A_35 : i32
        %add3A_37 = arith.addi %mul3A_34, %mul3A_36 : i32
        "tpu.region"() ({
          %run_scoped3A = tpu.sem_alloc : memref<!tpu.dma_semaphore, #tpu.memory_space<semaphore_mem>>
          %dma_start3A = tpu.memref_slice %arg9[%add3A_37] : memref<40000xf32, #tpu.memory_space<vmem_shared>> -> memref<2000xf32, #tpu.memory_space<vmem_shared>>
          %dma_start3A_42 = tpu.memref_slice %arg9[%add3A_37] : memref<40000xf32, #tpu.memory_space<vmem_shared>> -> memref<2000xf32, #tpu.memory_space<vmem_shared>>
          tpu.enqueue_dma source(%dma_start3A_42 : memref<2000xf32, #tpu.memory_space<vmem_shared>>) target(%arg6 : memref<2000xf32, #tpu.memory_space<vmem>>) target_semaphore(%run_scoped3A : memref<!tpu.dma_semaphore, #tpu.memory_space<semaphore_mem>>)
          %dma_wait3A = tpu.memref_slice %arg9[%add3A_37] : memref<40000xf32, #tpu.memory_space<vmem_shared>> -> memref<2000xf32, #tpu.memory_space<vmem_shared>>
          %dma_wait3A_43 = tpu.memref_slice %arg9[%add3A_37] : memref<40000xf32, #tpu.memory_space<vmem_shared>> -> memref<2000xf32, #tpu.memory_space<vmem_shared>>
          tpu.wait_dma2 semaphore(%run_scoped3A : memref<!tpu.dma_semaphore, #tpu.memory_space<semaphore_mem>>) src(%dma_wait3A_43 : memref<2000xf32, #tpu.memory_space<vmem_shared>>) dst(%arg6 : memref<2000xf32, #tpu.memory_space<vmem>>)
          tpu.yield
        }) : () -> ()
        %mul3A_38 = arith.constant 40000 : i32
        %mul3A_39 = arith.muli %arg0, %mul3A_38 : i32
        %add3A_40 = arith.addi %mul3A_39, %add3A_37 : i32
        "tpu.region"() ({
          %run_scoped3A = tpu.sem_alloc : memref<!tpu.dma_semaphore, #tpu.memory_space<semaphore_mem>>
          %dma_start3A = tpu.memref_slice %arg5[%add3A_40] : memref<80000xf32, #tpu.memory_space<hbm>> -> memref<2000xf32, #tpu.memory_space<hbm>>
          %dma_start3A_42 = tpu.memref_slice %arg5[%add3A_40] : memref<80000xf32, #tpu.memory_space<hbm>> -> memref<2000xf32, #tpu.memory_space<hbm>>
          tpu.enqueue_dma source(%arg6 : memref<2000xf32, #tpu.memory_space<vmem>>) target(%dma_start3A_42 : memref<2000xf32, #tpu.memory_space<hbm>>) target_semaphore(%run_scoped3A : memref<!tpu.dma_semaphore, #tpu.memory_space<semaphore_mem>>)
          %dma_wait3A = tpu.memref_slice %arg5[%add3A_40] : memref<80000xf32, #tpu.memory_space<hbm>> -> memref<2000xf32, #tpu.memory_space<hbm>>
          %dma_wait3A_43 = tpu.memref_slice %arg5[%add3A_40] : memref<80000xf32, #tpu.memory_space<hbm>> -> memref<2000xf32, #tpu.memory_space<hbm>>
          tpu.wait_dma2 semaphore(%run_scoped3A : memref<!tpu.dma_semaphore, #tpu.memory_space<semaphore_mem>>) src(%arg6 : memref<2000xf32, #tpu.memory_space<vmem>>) dst(%dma_wait3A_43 : memref<2000xf32, #tpu.memory_space<hbm>>)
          tpu.yield
        }) : () -> ()
        %scan3A_41 = arith.constant 0 : i32
        scf.yield %scan3A_41 : i32
      }
      %scan3A_30 = arith.constant 2 : i32
    } else {
    }
    return
  }
}

#map = affine_map<(d0, d1) -> (0, 0)>
#map1 = affine_map<(d0, d1) -> (0)>
module attributes {stable_mosaic.version = 14 : i64} {
  func.func @body(%arg0: i32, %arg1: i32, %arg2: memref<10000x128xf32, #tpu.memory_space<hbm>>, %arg3: memref<1280000xi32, #tpu.memory_space<hbm>>, %arg4: memref<640000x128xf32, #tpu.memory_space<hbm>>, %arg5: memref<400xi32, #tpu.memory_space<vmem>>, %arg6: memref<400x128xf32, #tpu.memory_space<vmem>>, %arg7: memref<400x128xf32, #tpu.memory_space<vmem>>, %arg8: memref<!tpu.dma_semaphore, #tpu.memory_space<semaphore_mem>>, %arg9: memref<!tpu.dma_semaphore, #tpu.memory_space<semaphore_mem>>, %arg10: memref<!tpu.dma_semaphore, #tpu.memory_space<semaphore_mem>>) attributes {dimension_semantics = [#tpu.dimension_semantics<core_parallel>, #tpu.dimension_semantics<subcore_parallel>], iteration_bounds = array<i64: 1, 16>, scalar_prefetch = 0 : i64, scratch_operands = 6 : i64, tpu.core_type = #tpu.core_type<sc_vector_subcore>, window_params = [{transform_indices = #map}, {transform_indices = #map1}, {transform_indices = #map}]} {
    %mul3A = arith.constant 40000 : i32
    %mul3A_0 = arith.muli %arg1, %mul3A : i32
    %add3A = arith.constant 0 : i32
    %add3A_1 = arith.addi %add3A, %mul3A_0 : i32
    %scan3A = arith.constant 0 : i32
    %scan3A_2 = arith.constant 0 : i32
    %scan3A_3 = arith.constant 50 : i32
    %scan3A_4 = arith.addi %scan3A_2, %scan3A_3 : i32
    %scan3A_5 = arith.constant 1 : i32
    %scan3A_6 = scf.for %scan3A_19 = %scan3A_2 to %scan3A_4 step %scan3A_5 iter_args(%scan3A_20 = %scan3A) -> (i32)  : i32 {
      %mul3A_21 = arith.constant 2 : i32
      %mul3A_22 = arith.muli %mul3A_21, %scan3A_19 : i32
      %add3A_23 = arith.constant 0 : i32
      %add3A_24 = arith.addi %mul3A_22, %add3A_23 : i32
      %mul3A_25 = arith.constant 400 : i32
      %mul3A_26 = arith.muli %add3A_24, %mul3A_25 : i32
      %add3A_27 = arith.addi %add3A_1, %mul3A_26 : i32
      %ge3A = arith.constant 2 : i32
      %ge3A_28 = arith.cmpi sge, %add3A_24, %ge3A : i32
      %convert_element_type3A = arith.extui %ge3A_28 : i1 to i32
      %cond3A = arith.constant 0 : i32
      %cond3A_29 = arith.cmpi ne, %convert_element_type3A, %cond3A : i32
      scf.if %cond3A_29 {
        %sub3A_65 = arith.constant 0 : i32
        %sub3A_66 = arith.subi %add3A_27, %sub3A_65 : i32
        %dma_wait3A_67 = arith.constant 0 : i32
        %dma_wait3A_68 = tpu.memref_slice %arg4[%sub3A_66, %dma_wait3A_67] : memref<640000x128xf32, #tpu.memory_space<hbm>> -> memref<400x128xf32, #tpu.memory_space<hbm>>
        %dma_wait3A_69 = arith.constant 0 : i32
        %dma_wait3A_70 = tpu.memref_slice %arg4[%sub3A_66, %dma_wait3A_69] : memref<640000x128xf32, #tpu.memory_space<hbm>> -> memref<400x128xf32, #tpu.memory_space<hbm>>
        tpu.wait_dma2 semaphore(%arg9 : memref<!tpu.dma_semaphore, #tpu.memory_space<semaphore_mem>>) src(%arg6 : memref<400x128xf32, #tpu.memory_space<vmem>>) dst(%dma_wait3A_70 : memref<400x128xf32, #tpu.memory_space<hbm>>)
      } else {
      }
      "tpu.region"() ({
        %run_scoped3A = tpu.sem_alloc : memref<!tpu.dma_semaphore, #tpu.memory_space<semaphore_mem>>
        %dma_start3A_65 = tpu.memref_slice %arg3[%add3A_27] : memref<1280000xi32, #tpu.memory_space<hbm>> -> memref<400xi32, #tpu.memory_space<hbm>>
        %dma_start3A_66 = tpu.memref_slice %arg3[%add3A_27] : memref<1280000xi32, #tpu.memory_space<hbm>> -> memref<400xi32, #tpu.memory_space<hbm>>
        tpu.enqueue_dma source(%dma_start3A_66 : memref<400xi32, #tpu.memory_space<hbm>>) target(%arg5 : memref<400xi32, #tpu.memory_space<vmem>>) target_semaphore(%run_scoped3A : memref<!tpu.dma_semaphore, #tpu.memory_space<semaphore_mem>>)
        %dma_wait3A_67 = tpu.memref_slice %arg3[%add3A_27] : memref<1280000xi32, #tpu.memory_space<hbm>> -> memref<400xi32, #tpu.memory_space<hbm>>
        %dma_wait3A_68 = tpu.memref_slice %arg3[%add3A_27] : memref<1280000xi32, #tpu.memory_space<hbm>> -> memref<400xi32, #tpu.memory_space<hbm>>
        tpu.wait_dma2 semaphore(%run_scoped3A : memref<!tpu.dma_semaphore, #tpu.memory_space<semaphore_mem>>) src(%dma_wait3A_68 : memref<400xi32, #tpu.memory_space<hbm>>) dst(%arg5 : memref<400xi32, #tpu.memory_space<vmem>>)
        tpu.yield
      }) : () -> ()
      %dma_start3A = arith.constant 0 : i32
      %dma_start3A_30 = arith.constant 0 : i32
      %dma_start3A_31 = tpu.memref_slice %arg2[%dma_start3A, %dma_start3A_30] : memref<10000x128xf32, #tpu.memory_space<hbm>> -> memref<10000x128xf32, #tpu.memory_space<hbm>>
      tpu.enqueue_indirect_dma source(%dma_start3A_31 : memref<10000x128xf32, #tpu.memory_space<hbm>>) target(%arg6 : memref<400x128xf32, #tpu.memory_space<vmem>>) offsets(%arg5 : memref<400xi32, #tpu.memory_space<vmem>>) semaphore(%arg8 : memref<!tpu.dma_semaphore, #tpu.memory_space<semaphore_mem>>)
      %dma_wait3A_32 = arith.constant 0 : i32
      %dma_wait3A_33 = arith.constant 0 : i32
      %dma_wait3A_34 = tpu.memref_slice %arg2[%dma_wait3A_32, %dma_wait3A_33] : memref<10000x128xf32, #tpu.memory_space<hbm>> -> memref<10000x128xf32, #tpu.memory_space<hbm>>
      tpu.wait_indirect_dma semaphore(%arg8 : memref<!tpu.dma_semaphore, #tpu.memory_space<semaphore_mem>>) src(%dma_wait3A_34 : memref<10000x128xf32, #tpu.memory_space<hbm>>) dst(%arg6 : memref<400x128xf32, #tpu.memory_space<vmem>>)
      %sub3A = arith.constant 0 : i32
      %sub3A_35 = arith.subi %add3A_27, %sub3A : i32
      %dma_start3A_36 = arith.constant 0 : i32
      %dma_start3A_37 = tpu.memref_slice %arg4[%sub3A_35, %dma_start3A_36] : memref<640000x128xf32, #tpu.memory_space<hbm>> -> memref<400x128xf32, #tpu.memory_space<hbm>>
      %dma_start3A_38 = arith.constant 0 : i32
      %dma_start3A_39 = tpu.memref_slice %arg4[%sub3A_35, %dma_start3A_38] : memref<640000x128xf32, #tpu.memory_space<hbm>> -> memref<400x128xf32, #tpu.memory_space<hbm>>
      tpu.enqueue_dma source(%arg6 : memref<400x128xf32, #tpu.memory_space<vmem>>) target(%dma_start3A_39 : memref<400x128xf32, #tpu.memory_space<hbm>>) target_semaphore(%arg9 : memref<!tpu.dma_semaphore, #tpu.memory_space<semaphore_mem>>)
      %mul3A_40 = arith.constant 2 : i32
      %mul3A_41 = arith.muli %mul3A_40, %scan3A_19 : i32
      %add3A_42 = arith.constant 1 : i32
      %add3A_43 = arith.addi %mul3A_41, %add3A_42 : i32
      %mul3A_44 = arith.constant 400 : i32
      %mul3A_45 = arith.muli %add3A_43, %mul3A_44 : i32
      %add3A_46 = arith.addi %add3A_1, %mul3A_45 : i32
      %ge3A_47 = arith.constant 2 : i32
      %ge3A_48 = arith.cmpi sge, %add3A_43, %ge3A_47 : i32
      %convert_element_type3A_49 = arith.extui %ge3A_48 : i1 to i32
      %cond3A_50 = arith.constant 0 : i32
      %cond3A_51 = arith.cmpi ne, %convert_element_type3A_49, %cond3A_50 : i32
      scf.if %cond3A_51 {
        %sub3A_65 = arith.constant 0 : i32
        %sub3A_66 = arith.subi %add3A_46, %sub3A_65 : i32
        %dma_wait3A_67 = arith.constant 0 : i32
        %dma_wait3A_68 = tpu.memref_slice %arg4[%sub3A_66, %dma_wait3A_67] : memref<640000x128xf32, #tpu.memory_space<hbm>> -> memref<400x128xf32, #tpu.memory_space<hbm>>
        %dma_wait3A_69 = arith.constant 0 : i32
        %dma_wait3A_70 = tpu.memref_slice %arg4[%sub3A_66, %dma_wait3A_69] : memref<640000x128xf32, #tpu.memory_space<hbm>> -> memref<400x128xf32, #tpu.memory_space<hbm>>
        tpu.wait_dma2 semaphore(%arg10 : memref<!tpu.dma_semaphore, #tpu.memory_space<semaphore_mem>>) src(%arg7 : memref<400x128xf32, #tpu.memory_space<vmem>>) dst(%dma_wait3A_70 : memref<400x128xf32, #tpu.memory_space<hbm>>)
      } else {
      }
      "tpu.region"() ({
        %run_scoped3A = tpu.sem_alloc : memref<!tpu.dma_semaphore, #tpu.memory_space<semaphore_mem>>
        %dma_start3A_65 = tpu.memref_slice %arg3[%add3A_46] : memref<1280000xi32, #tpu.memory_space<hbm>> -> memref<400xi32, #tpu.memory_space<hbm>>
        %dma_start3A_66 = tpu.memref_slice %arg3[%add3A_46] : memref<1280000xi32, #tpu.memory_space<hbm>> -> memref<400xi32, #tpu.memory_space<hbm>>
        tpu.enqueue_dma source(%dma_start3A_66 : memref<400xi32, #tpu.memory_space<hbm>>) target(%arg5 : memref<400xi32, #tpu.memory_space<vmem>>) target_semaphore(%run_scoped3A : memref<!tpu.dma_semaphore, #tpu.memory_space<semaphore_mem>>)
        %dma_wait3A_67 = tpu.memref_slice %arg3[%add3A_46] : memref<1280000xi32, #tpu.memory_space<hbm>> -> memref<400xi32, #tpu.memory_space<hbm>>
        %dma_wait3A_68 = tpu.memref_slice %arg3[%add3A_46] : memref<1280000xi32, #tpu.memory_space<hbm>> -> memref<400xi32, #tpu.memory_space<hbm>>
        tpu.wait_dma2 semaphore(%run_scoped3A : memref<!tpu.dma_semaphore, #tpu.memory_space<semaphore_mem>>) src(%dma_wait3A_68 : memref<400xi32, #tpu.memory_space<hbm>>) dst(%arg5 : memref<400xi32, #tpu.memory_space<vmem>>)
        tpu.yield
      }) : () -> ()
      %dma_start3A_52 = arith.constant 0 : i32
      %dma_start3A_53 = arith.constant 0 : i32
      %dma_start3A_54 = tpu.memref_slice %arg2[%dma_start3A_52, %dma_start3A_53] : memref<10000x128xf32, #tpu.memory_space<hbm>> -> memref<10000x128xf32, #tpu.memory_space<hbm>>
      tpu.enqueue_indirect_dma source(%dma_start3A_54 : memref<10000x128xf32, #tpu.memory_space<hbm>>) target(%arg7 : memref<400x128xf32, #tpu.memory_space<vmem>>) offsets(%arg5 : memref<400xi32, #tpu.memory_space<vmem>>) semaphore(%arg8 : memref<!tpu.dma_semaphore, #tpu.memory_space<semaphore_mem>>)
      %dma_wait3A_55 = arith.constant 0 : i32
      %dma_wait3A_56 = arith.constant 0 : i32
      %dma_wait3A_57 = tpu.memref_slice %arg2[%dma_wait3A_55, %dma_wait3A_56] : memref<10000x128xf32, #tpu.memory_space<hbm>> -> memref<10000x128xf32, #tpu.memory_space<hbm>>
      tpu.wait_indirect_dma semaphore(%arg8 : memref<!tpu.dma_semaphore, #tpu.memory_space<semaphore_mem>>) src(%dma_wait3A_57 : memref<10000x128xf32, #tpu.memory_space<hbm>>) dst(%arg7 : memref<400x128xf32, #tpu.memory_space<vmem>>)
      %sub3A_58 = arith.constant 0 : i32
      %sub3A_59 = arith.subi %add3A_46, %sub3A_58 : i32
      %dma_start3A_60 = arith.constant 0 : i32
      %dma_start3A_61 = tpu.memref_slice %arg4[%sub3A_59, %dma_start3A_60] : memref<640000x128xf32, #tpu.memory_space<hbm>> -> memref<400x128xf32, #tpu.memory_space<hbm>>
      %dma_start3A_62 = arith.constant 0 : i32
      %dma_start3A_63 = tpu.memref_slice %arg4[%sub3A_59, %dma_start3A_62] : memref<640000x128xf32, #tpu.memory_space<hbm>> -> memref<400x128xf32, #tpu.memory_space<hbm>>
      tpu.enqueue_dma source(%arg7 : memref<400x128xf32, #tpu.memory_space<vmem>>) target(%dma_start3A_63 : memref<400x128xf32, #tpu.memory_space<hbm>>) target_semaphore(%arg10 : memref<!tpu.dma_semaphore, #tpu.memory_space<semaphore_mem>>)
      %scan3A_64 = arith.constant 0 : i32
      scf.yield %scan3A_64 : i32
    }
    %scan3A_7 = arith.constant 50 : i32
    %dma_wait3A = arith.constant 0 : i32
    %dma_wait3A_8 = arith.constant 0 : i32
    %dma_wait3A_9 = tpu.memref_slice %arg4[%dma_wait3A, %dma_wait3A_8] : memref<640000x128xf32, #tpu.memory_space<hbm>> -> memref<400x128xf32, #tpu.memory_space<hbm>>
    %dma_wait3A_10 = arith.constant 0 : i32
    %dma_wait3A_11 = arith.constant 0 : i32
    %dma_wait3A_12 = tpu.memref_slice %arg4[%dma_wait3A_10, %dma_wait3A_11] : memref<640000x128xf32, #tpu.memory_space<hbm>> -> memref<400x128xf32, #tpu.memory_space<hbm>>
    tpu.wait_dma2 semaphore(%arg9 : memref<!tpu.dma_semaphore, #tpu.memory_space<semaphore_mem>>) src(%arg6 : memref<400x128xf32, #tpu.memory_space<vmem>>) dst(%dma_wait3A_12 : memref<400x128xf32, #tpu.memory_space<hbm>>)
    %dma_wait3A_13 = arith.constant 0 : i32
    %dma_wait3A_14 = arith.constant 0 : i32
    %dma_wait3A_15 = tpu.memref_slice %arg4[%dma_wait3A_13, %dma_wait3A_14] : memref<640000x128xf32, #tpu.memory_space<hbm>> -> memref<400x128xf32, #tpu.memory_space<hbm>>
    %dma_wait3A_16 = arith.constant 0 : i32
    %dma_wait3A_17 = arith.constant 0 : i32
    %dma_wait3A_18 = tpu.memref_slice %arg4[%dma_wait3A_16, %dma_wait3A_17] : memref<640000x128xf32, #tpu.memory_space<hbm>> -> memref<400x128xf32, #tpu.memory_space<hbm>>
    tpu.wait_dma2 semaphore(%arg10 : memref<!tpu.dma_semaphore, #tpu.memory_space<semaphore_mem>>) src(%arg7 : memref<400x128xf32, #tpu.memory_space<vmem>>) dst(%dma_wait3A_18 : memref<400x128xf32, #tpu.memory_space<hbm>>)
    return
  }
}

#map = affine_map<(d0, d1) -> (0)>
module attributes {stable_mosaic.version = 14 : i64} {
  func.func @body(%arg0: i32, %arg1: i32, %arg2: memref<80000xf32, #tpu.memory_space<hbm>>, %arg3: memref<1280000xi32, #tpu.memory_space<hbm>>, %arg4: memref<1280000xf32, #tpu.memory_space<hbm>>, %arg5: memref<4000xf32, #tpu.memory_space<vmem>>, %arg6: memref<4000xf32, #tpu.memory_space<vmem>>, %arg7: memref<2000xi32, #tpu.memory_space<vmem>>, %arg8: memref<2000xf32, #tpu.memory_space<vmem>>, %arg9: memref<40000xf32, #tpu.memory_space<vmem_shared>>, %arg10: memref<!tpu.dma_semaphore, #tpu.memory_space<semaphore_mem>>) attributes {dimension_semantics = [#tpu.dimension_semantics<core_parallel>, #tpu.dimension_semantics<subcore_parallel>], iteration_bounds = array<i64: 2, 16>, scalar_prefetch = 0 : i64, scratch_operands = 6 : i64, tpu.core_type = #tpu.core_type<sc_vector_subcore>, window_params = [{transform_indices = #map}, {transform_indices = #map}, {transform_indices = #map}]} {
    %mul3A = arith.constant 2 : i32
    %mul3A_0 = arith.muli %arg1, %mul3A : i32
    %add3A = arith.addi %mul3A_0, %arg0 : i32
    %lt3A = arith.constant 10 : i32
    %lt3A_1 = arith.cmpi slt, %arg1, %lt3A : i32
    %convert_element_type3A = arith.extui %lt3A_1 : i1 to i32
    %cond3A = arith.constant 0 : i32
    %cond3A_2 = arith.cmpi ne, %convert_element_type3A, %cond3A : i32
    scf.if %cond3A_2 {
      %mul3A_9 = arith.constant 4000 : i32
      %mul3A_10 = arith.muli %arg1, %mul3A_9 : i32
      "tpu.region"() ({
        %run_scoped3A = tpu.sem_alloc : memref<!tpu.dma_semaphore, #tpu.memory_space<semaphore_mem>>
        %dma_start3A = tpu.memref_slice %arg2[%mul3A_10] : memref<80000xf32, #tpu.memory_space<hbm>> -> memref<4000xf32, #tpu.memory_space<hbm>>
        %dma_start3A_24 = tpu.memref_slice %arg2[%mul3A_10] : memref<80000xf32, #tpu.memory_space<hbm>> -> memref<4000xf32, #tpu.memory_space<hbm>>
        tpu.enqueue_dma source(%dma_start3A_24 : memref<4000xf32, #tpu.memory_space<hbm>>) target(%arg5 : memref<4000xf32, #tpu.memory_space<vmem>>) target_semaphore(%run_scoped3A : memref<!tpu.dma_semaphore, #tpu.memory_space<semaphore_mem>>)
        %dma_wait3A = tpu.memref_slice %arg2[%mul3A_10] : memref<80000xf32, #tpu.memory_space<hbm>> -> memref<4000xf32, #tpu.memory_space<hbm>>
        %dma_wait3A_25 = tpu.memref_slice %arg2[%mul3A_10] : memref<80000xf32, #tpu.memory_space<hbm>> -> memref<4000xf32, #tpu.memory_space<hbm>>
        tpu.wait_dma2 semaphore(%run_scoped3A : memref<!tpu.dma_semaphore, #tpu.memory_space<semaphore_mem>>) src(%dma_wait3A_25 : memref<4000xf32, #tpu.memory_space<hbm>>) dst(%arg5 : memref<4000xf32, #tpu.memory_space<vmem>>)
        tpu.yield
      }) : () -> ()
      %mul3A_11 = arith.constant 4000 : i32
      %mul3A_12 = arith.muli %arg1, %mul3A_11 : i32
      %add3A_13 = arith.constant 40000 : i32
      %add3A_14 = arith.addi %add3A_13, %mul3A_12 : i32
      "tpu.region"() ({
        %run_scoped3A = tpu.sem_alloc : memref<!tpu.dma_semaphore, #tpu.memory_space<semaphore_mem>>
        %dma_start3A = tpu.memref_slice %arg2[%add3A_14] : memref<80000xf32, #tpu.memory_space<hbm>> -> memref<4000xf32, #tpu.memory_space<hbm>>
        %dma_start3A_24 = tpu.memref_slice %arg2[%add3A_14] : memref<80000xf32, #tpu.memory_space<hbm>> -> memref<4000xf32, #tpu.memory_space<hbm>>
        tpu.enqueue_dma source(%dma_start3A_24 : memref<4000xf32, #tpu.memory_space<hbm>>) target(%arg6 : memref<4000xf32, #tpu.memory_space<vmem>>) target_semaphore(%run_scoped3A : memref<!tpu.dma_semaphore, #tpu.memory_space<semaphore_mem>>)
        %dma_wait3A = tpu.memref_slice %arg2[%add3A_14] : memref<80000xf32, #tpu.memory_space<hbm>> -> memref<4000xf32, #tpu.memory_space<hbm>>
        %dma_wait3A_25 = tpu.memref_slice %arg2[%add3A_14] : memref<80000xf32, #tpu.memory_space<hbm>> -> memref<4000xf32, #tpu.memory_space<hbm>>
        tpu.wait_dma2 semaphore(%run_scoped3A : memref<!tpu.dma_semaphore, #tpu.memory_space<semaphore_mem>>) src(%dma_wait3A_25 : memref<4000xf32, #tpu.memory_space<hbm>>) dst(%arg6 : memref<4000xf32, #tpu.memory_space<vmem>>)
        tpu.yield
      }) : () -> ()
      %scan3A_15 = arith.constant 0 : i32
      %scan3A_16 = arith.constant 0 : i32
      %scan3A_17 = arith.constant 250 : i32
      %scan3A_18 = arith.addi %scan3A_16, %scan3A_17 : i32
      %scan3A_19 = arith.constant 1 : i32
      %scan3A_20 = scf.for %scan3A_24 = %scan3A_16 to %scan3A_18 step %scan3A_19 iter_args(%scan3A_25 = %scan3A_15) -> (i32)  : i32 {
        %mul3A_26 = arith.constant 16 : i32
        %mul3A_27 = arith.muli %scan3A_24, %mul3A_26 : i32
        %get3A = arith.index_cast %mul3A_27 : i32 to index
        %get3A_28 = tpu.vector_load %arg5[%get3A] {strides = array<i32>} : memref<4000xf32, #tpu.memory_space<vmem>>, vector<16xf32>,
        %get3A_29 = vector.shape_cast %get3A_28 : vector<16xf32> to vector<16xf32>
        %mul3A_30 = arith.constant 16 : i32
        %mul3A_31 = arith.muli %scan3A_24, %mul3A_30 : i32
        %get3A_32 = arith.index_cast %mul3A_31 : i32 to index
        %get3A_33 = tpu.vector_load %arg6[%get3A_32] {strides = array<i32>} : memref<4000xf32, #tpu.memory_space<vmem>>, vector<16xf32>,
        %get3A_34 = vector.shape_cast %get3A_33 : vector<16xf32> to vector<16xf32>
        %add3A_35 = arith.addf %get3A_29, %get3A_34 : vector<16xf32>
        %mul3A_36 = arith.constant 16 : i32
        %mul3A_37 = arith.muli %scan3A_24, %mul3A_36 : i32
        %swap3A = arith.index_cast %mul3A_37 : i32 to index
        %swap3A_38 = tpu.vector_load %arg5[%swap3A] {strides = array<i32>} : memref<4000xf32, #tpu.memory_space<vmem>>, vector<16xf32>,
        %swap3A_39 = vector.shape_cast %swap3A_38 : vector<16xf32> to vector<16xf32>
        %swap3A_40 = vector.shape_cast %add3A_35 : vector<16xf32> to vector<16xf32>
        tpu.vector_store %arg5[%swap3A], %swap3A_40 {strides = array<i32>} : memref<4000xf32, #tpu.memory_space<vmem>>, vector<16xf32>,
        %scan3A_41 = arith.constant 0 : i32
        scf.yield %scan3A_41 : i32
      }
      %scan3A_21 = arith.constant 250 : i32
      %mul3A_22 = arith.constant 4000 : i32
      %mul3A_23 = arith.muli %arg1, %mul3A_22 : i32
      "tpu.region"() ({
        %run_scoped3A = tpu.sem_alloc : memref<!tpu.dma_semaphore, #tpu.memory_space<semaphore_mem>>
        %dma_start3A = tpu.memref_slice %arg9[%mul3A_23] : memref<40000xf32, #tpu.memory_space<vmem_shared>> -> memref<4000xf32, #tpu.memory_space<vmem_shared>>
        %dma_start3A_24 = tpu.memref_slice %arg9[%mul3A_23] : memref<40000xf32, #tpu.memory_space<vmem_shared>> -> memref<4000xf32, #tpu.memory_space<vmem_shared>>
        tpu.enqueue_dma source(%arg5 : memref<4000xf32, #tpu.memory_space<vmem>>) target(%dma_start3A_24 : memref<4000xf32, #tpu.memory_space<vmem_shared>>) target_semaphore(%run_scoped3A : memref<!tpu.dma_semaphore, #tpu.memory_space<semaphore_mem>>)
        %dma_wait3A = tpu.memref_slice %arg9[%mul3A_23] : memref<40000xf32, #tpu.memory_space<vmem_shared>> -> memref<4000xf32, #tpu.memory_space<vmem_shared>>
        %dma_wait3A_25 = tpu.memref_slice %arg9[%mul3A_23] : memref<40000xf32, #tpu.memory_space<vmem_shared>> -> memref<4000xf32, #tpu.memory_space<vmem_shared>>
        tpu.wait_dma2 semaphore(%run_scoped3A : memref<!tpu.dma_semaphore, #tpu.memory_space<semaphore_mem>>) src(%arg5 : memref<4000xf32, #tpu.memory_space<vmem>>) dst(%dma_wait3A_25 : memref<4000xf32, #tpu.memory_space<vmem_shared>>)
        tpu.yield
      }) : () -> ()
    } else {
    }
    %barrier3A = arith.constant 0 : index
    tpu.barrier barrier_id(%barrier3A)
    %scan3A = arith.constant 0 : i32
    %scan3A_3 = arith.constant 0 : i32
    %scan3A_4 = arith.constant 20 : i32
    %scan3A_5 = arith.addi %scan3A_3, %scan3A_4 : i32
    %scan3A_6 = arith.constant 1 : i32
    %scan3A_7 = scf.for %scan3A_9 = %scan3A_3 to %scan3A_5 step %scan3A_6 iter_args(%scan3A_10 = %scan3A) -> (i32)  : i32 {
      %mul3A_11 = arith.constant 40000 : i32
      %mul3A_12 = arith.muli %add3A, %mul3A_11 : i32
      %mul3A_13 = arith.constant 2000 : i32
      %mul3A_14 = arith.muli %scan3A_9, %mul3A_13 : i32
      %add3A_15 = arith.addi %mul3A_12, %mul3A_14 : i32
      "tpu.region"() ({
        %run_scoped3A = tpu.sem_alloc : memref<!tpu.dma_semaphore, #tpu.memory_space<semaphore_mem>>
        %dma_start3A_19 = tpu.memref_slice %arg3[%add3A_15] : memref<1280000xi32, #tpu.memory_space<hbm>> -> memref<2000xi32, #tpu.memory_space<hbm>>
        %dma_start3A_20 = tpu.memref_slice %arg3[%add3A_15] : memref<1280000xi32, #tpu.memory_space<hbm>> -> memref<2000xi32, #tpu.memory_space<hbm>>
        tpu.enqueue_dma source(%dma_start3A_20 : memref<2000xi32, #tpu.memory_space<hbm>>) target(%arg7 : memref<2000xi32, #tpu.memory_space<vmem>>) target_semaphore(%run_scoped3A : memref<!tpu.dma_semaphore, #tpu.memory_space<semaphore_mem>>)
        %dma_wait3A_21 = tpu.memref_slice %arg3[%add3A_15] : memref<1280000xi32, #tpu.memory_space<hbm>> -> memref<2000xi32, #tpu.memory_space<hbm>>
        %dma_wait3A_22 = tpu.memref_slice %arg3[%add3A_15] : memref<1280000xi32, #tpu.memory_space<hbm>> -> memref<2000xi32, #tpu.memory_space<hbm>>
        tpu.wait_dma2 semaphore(%run_scoped3A : memref<!tpu.dma_semaphore, #tpu.memory_space<semaphore_mem>>) src(%dma_wait3A_22 : memref<2000xi32, #tpu.memory_space<hbm>>) dst(%arg7 : memref<2000xi32, #tpu.memory_space<vmem>>)
        tpu.yield
      }) : () -> ()
      %dma_start3A = arith.constant 0 : i32
      %dma_start3A_16 = tpu.memref_slice %arg9[%dma_start3A] : memref<40000xf32, #tpu.memory_space<vmem_shared>> -> memref<40000xf32, #tpu.memory_space<vmem_shared>>
      tpu.enqueue_indirect_dma source(%dma_start3A_16 : memref<40000xf32, #tpu.memory_space<vmem_shared>>) target(%arg8 : memref<2000xf32, #tpu.memory_space<vmem>>) offsets(%arg7 : memref<2000xi32, #tpu.memory_space<vmem>>) semaphore(%arg10 : memref<!tpu.dma_semaphore, #tpu.memory_space<semaphore_mem>>)
      %dma_wait3A = arith.constant 0 : i32
      %dma_wait3A_17 = tpu.memref_slice %arg9[%dma_wait3A] : memref<40000xf32, #tpu.memory_space<vmem_shared>> -> memref<40000xf32, #tpu.memory_space<vmem_shared>>
      tpu.wait_indirect_dma semaphore(%arg10 : memref<!tpu.dma_semaphore, #tpu.memory_space<semaphore_mem>>) src(%dma_wait3A_17 : memref<40000xf32, #tpu.memory_space<vmem_shared>>) dst(%arg8 : memref<2000xf32, #tpu.memory_space<vmem>>)
      "tpu.region"() ({
        %run_scoped3A = tpu.sem_alloc : memref<!tpu.dma_semaphore, #tpu.memory_space<semaphore_mem>>
        %dma_start3A_19 = tpu.memref_slice %arg4[%add3A_15] : memref<1280000xf32, #tpu.memory_space<hbm>> -> memref<2000xf32, #tpu.memory_space<hbm>>
        %dma_start3A_20 = tpu.memref_slice %arg4[%add3A_15] : memref<1280000xf32, #tpu.memory_space<hbm>> -> memref<2000xf32, #tpu.memory_space<hbm>>
        tpu.enqueue_dma source(%arg8 : memref<2000xf32, #tpu.memory_space<vmem>>) target(%dma_start3A_20 : memref<2000xf32, #tpu.memory_space<hbm>>) target_semaphore(%run_scoped3A : memref<!tpu.dma_semaphore, #tpu.memory_space<semaphore_mem>>)
        %dma_wait3A_21 = tpu.memref_slice %arg4[%add3A_15] : memref<1280000xf32, #tpu.memory_space<hbm>> -> memref<2000xf32, #tpu.memory_space<hbm>>
        %dma_wait3A_22 = tpu.memref_slice %arg4[%add3A_15] : memref<1280000xf32, #tpu.memory_space<hbm>> -> memref<2000xf32, #tpu.memory_space<hbm>>
        tpu.wait_dma2 semaphore(%run_scoped3A : memref<!tpu.dma_semaphore, #tpu.memory_space<semaphore_mem>>) src(%arg8 : memref<2000xf32, #tpu.memory_space<vmem>>) dst(%dma_wait3A_22 : memref<2000xf32, #tpu.memory_space<hbm>>)
        tpu.yield
      }) : () -> ()
      %scan3A_18 = arith.constant 0 : i32
      scf.yield %scan3A_18 : i32
    }
    %scan3A_8 = arith.constant 20 : i32
    return
  }
}

#map = affine_map<(d0, d1) -> (0, 0)>
#map1 = affine_map<(d0, d1) -> (0)>
module attributes {stable_mosaic.version = 14 : i64} {
  func.func @body(%arg0: i32, %arg1: i32, %arg2: memref<10000x128xf32, #tpu.memory_space<hbm>>, %arg3: memref<1280000xi32, #tpu.memory_space<hbm>>, %arg4: memref<640000x128xf32, #tpu.memory_space<hbm>>, %arg5: memref<400xi32, #tpu.memory_space<vmem>>, %arg6: memref<400x128xf32, #tpu.memory_space<vmem>>, %arg7: memref<400x128xf32, #tpu.memory_space<vmem>>, %arg8: memref<!tpu.dma_semaphore, #tpu.memory_space<semaphore_mem>>, %arg9: memref<!tpu.dma_semaphore, #tpu.memory_space<semaphore_mem>>, %arg10: memref<!tpu.dma_semaphore, #tpu.memory_space<semaphore_mem>>) attributes {dimension_semantics = [#tpu.dimension_semantics<core_parallel>, #tpu.dimension_semantics<subcore_parallel>], iteration_bounds = array<i64: 1, 16>, scalar_prefetch = 0 : i64, scratch_operands = 6 : i64, tpu.core_type = #tpu.core_type<sc_vector_subcore>, window_params = [{transform_indices = #map}, {transform_indices = #map1}, {transform_indices = #map}]} {
    %mul3A = arith.constant 40000 : i32
    %mul3A_0 = arith.muli %arg1, %mul3A : i32
    %add3A = arith.constant 640000 : i32
    %add3A_1 = arith.addi %add3A, %mul3A_0 : i32
    %scan3A = arith.constant 0 : i32
    %scan3A_2 = arith.constant 0 : i32
    %scan3A_3 = arith.constant 50 : i32
    %scan3A_4 = arith.addi %scan3A_2, %scan3A_3 : i32
    %scan3A_5 = arith.constant 1 : i32
    %scan3A_6 = scf.for %scan3A_19 = %scan3A_2 to %scan3A_4 step %scan3A_5 iter_args(%scan3A_20 = %scan3A) -> (i32)  : i32 {
      %mul3A_21 = arith.constant 2 : i32
      %mul3A_22 = arith.muli %mul3A_21, %scan3A_19 : i32
      %add3A_23 = arith.constant 0 : i32
      %add3A_24 = arith.addi %mul3A_22, %add3A_23 : i32
      %mul3A_25 = arith.constant 400 : i32
      %mul3A_26 = arith.muli %add3A_24, %mul3A_25 : i32
      %add3A_27 = arith.addi %add3A_1, %mul3A_26 : i32
      %ge3A = arith.constant 2 : i32
      %ge3A_28 = arith.cmpi sge, %add3A_24, %ge3A : i32
      %convert_element_type3A = arith.extui %ge3A_28 : i1 to i32
      %cond3A = arith.constant 0 : i32
      %cond3A_29 = arith.cmpi ne, %convert_element_type3A, %cond3A : i32
      scf.if %cond3A_29 {
        %sub3A_65 = arith.constant 640000 : i32
        %sub3A_66 = arith.subi %add3A_27, %sub3A_65 : i32
        %dma_wait3A_67 = arith.constant 0 : i32
        %dma_wait3A_68 = tpu.memref_slice %arg4[%sub3A_66, %dma_wait3A_67] : memref<640000x128xf32, #tpu.memory_space<hbm>> -> memref<400x128xf32, #tpu.memory_space<hbm>>
        %dma_wait3A_69 = arith.constant 0 : i32
        %dma_wait3A_70 = tpu.memref_slice %arg4[%sub3A_66, %dma_wait3A_69] : memref<640000x128xf32, #tpu.memory_space<hbm>> -> memref<400x128xf32, #tpu.memory_space<hbm>>
        tpu.wait_dma2 semaphore(%arg9 : memref<!tpu.dma_semaphore, #tpu.memory_space<semaphore_mem>>) src(%arg6 : memref<400x128xf32, #tpu.memory_space<vmem>>) dst(%dma_wait3A_70 : memref<400x128xf32, #tpu.memory_space<hbm>>)
      } else {
      }
      "tpu.region"() ({
        %run_scoped3A = tpu.sem_alloc : memref<!tpu.dma_semaphore, #tpu.memory_space<semaphore_mem>>
        %dma_start3A_65 = tpu.memref_slice %arg3[%add3A_27] : memref<1280000xi32, #tpu.memory_space<hbm>> -> memref<400xi32, #tpu.memory_space<hbm>>
        %dma_start3A_66 = tpu.memref_slice %arg3[%add3A_27] : memref<1280000xi32, #tpu.memory_space<hbm>> -> memref<400xi32, #tpu.memory_space<hbm>>
        tpu.enqueue_dma source(%dma_start3A_66 : memref<400xi32, #tpu.memory_space<hbm>>) target(%arg5 : memref<400xi32, #tpu.memory_space<vmem>>) target_semaphore(%run_scoped3A : memref<!tpu.dma_semaphore, #tpu.memory_space<semaphore_mem>>)
        %dma_wait3A_67 = tpu.memref_slice %arg3[%add3A_27] : memref<1280000xi32, #tpu.memory_space<hbm>> -> memref<400xi32, #tpu.memory_space<hbm>>
        %dma_wait3A_68 = tpu.memref_slice %arg3[%add3A_27] : memref<1280000xi32, #tpu.memory_space<hbm>> -> memref<400xi32, #tpu.memory_space<hbm>>
        tpu.wait_dma2 semaphore(%run_scoped3A : memref<!tpu.dma_semaphore, #tpu.memory_space<semaphore_mem>>) src(%dma_wait3A_68 : memref<400xi32, #tpu.memory_space<hbm>>) dst(%arg5 : memref<400xi32, #tpu.memory_space<vmem>>)
        tpu.yield
      }) : () -> ()
      %dma_start3A = arith.constant 0 : i32
      %dma_start3A_30 = arith.constant 0 : i32
      %dma_start3A_31 = tpu.memref_slice %arg2[%dma_start3A, %dma_start3A_30] : memref<10000x128xf32, #tpu.memory_space<hbm>> -> memref<10000x128xf32, #tpu.memory_space<hbm>>
      tpu.enqueue_indirect_dma source(%dma_start3A_31 : memref<10000x128xf32, #tpu.memory_space<hbm>>) target(%arg6 : memref<400x128xf32, #tpu.memory_space<vmem>>) offsets(%arg5 : memref<400xi32, #tpu.memory_space<vmem>>) semaphore(%arg8 : memref<!tpu.dma_semaphore, #tpu.memory_space<semaphore_mem>>)
      %dma_wait3A_32 = arith.constant 0 : i32
      %dma_wait3A_33 = arith.constant 0 : i32
      %dma_wait3A_34 = tpu.memref_slice %arg2[%dma_wait3A_32, %dma_wait3A_33] : memref<10000x128xf32, #tpu.memory_space<hbm>> -> memref<10000x128xf32, #tpu.memory_space<hbm>>
      tpu.wait_indirect_dma semaphore(%arg8 : memref<!tpu.dma_semaphore, #tpu.memory_space<semaphore_mem>>) src(%dma_wait3A_34 : memref<10000x128xf32, #tpu.memory_space<hbm>>) dst(%arg6 : memref<400x128xf32, #tpu.memory_space<vmem>>)
      %sub3A = arith.constant 640000 : i32
      %sub3A_35 = arith.subi %add3A_27, %sub3A : i32
      %dma_start3A_36 = arith.constant 0 : i32
      %dma_start3A_37 = tpu.memref_slice %arg4[%sub3A_35, %dma_start3A_36] : memref<640000x128xf32, #tpu.memory_space<hbm>> -> memref<400x128xf32, #tpu.memory_space<hbm>>
      %dma_start3A_38 = arith.constant 0 : i32
      %dma_start3A_39 = tpu.memref_slice %arg4[%sub3A_35, %dma_start3A_38] : memref<640000x128xf32, #tpu.memory_space<hbm>> -> memref<400x128xf32, #tpu.memory_space<hbm>>
      tpu.enqueue_dma source(%arg6 : memref<400x128xf32, #tpu.memory_space<vmem>>) target(%dma_start3A_39 : memref<400x128xf32, #tpu.memory_space<hbm>>) target_semaphore(%arg9 : memref<!tpu.dma_semaphore, #tpu.memory_space<semaphore_mem>>)
      %mul3A_40 = arith.constant 2 : i32
      %mul3A_41 = arith.muli %mul3A_40, %scan3A_19 : i32
      %add3A_42 = arith.constant 1 : i32
      %add3A_43 = arith.addi %mul3A_41, %add3A_42 : i32
      %mul3A_44 = arith.constant 400 : i32
      %mul3A_45 = arith.muli %add3A_43, %mul3A_44 : i32
      %add3A_46 = arith.addi %add3A_1, %mul3A_45 : i32
      %ge3A_47 = arith.constant 2 : i32
      %ge3A_48 = arith.cmpi sge, %add3A_43, %ge3A_47 : i32
      %convert_element_type3A_49 = arith.extui %ge3A_48 : i1 to i32
      %cond3A_50 = arith.constant 0 : i32
      %cond3A_51 = arith.cmpi ne, %convert_element_type3A_49, %cond3A_50 : i32
      scf.if %cond3A_51 {
        %sub3A_65 = arith.constant 640000 : i32
        %sub3A_66 = arith.subi %add3A_46, %sub3A_65 : i32
        %dma_wait3A_67 = arith.constant 0 : i32
        %dma_wait3A_68 = tpu.memref_slice %arg4[%sub3A_66, %dma_wait3A_67] : memref<640000x128xf32, #tpu.memory_space<hbm>> -> memref<400x128xf32, #tpu.memory_space<hbm>>
        %dma_wait3A_69 = arith.constant 0 : i32
        %dma_wait3A_70 = tpu.memref_slice %arg4[%sub3A_66, %dma_wait3A_69] : memref<640000x128xf32, #tpu.memory_space<hbm>> -> memref<400x128xf32, #tpu.memory_space<hbm>>
        tpu.wait_dma2 semaphore(%arg10 : memref<!tpu.dma_semaphore, #tpu.memory_space<semaphore_mem>>) src(%arg7 : memref<400x128xf32, #tpu.memory_space<vmem>>) dst(%dma_wait3A_70 : memref<400x128xf32, #tpu.memory_space<hbm>>)
      } else {
      }
      "tpu.region"() ({
        %run_scoped3A = tpu.sem_alloc : memref<!tpu.dma_semaphore, #tpu.memory_space<semaphore_mem>>
        %dma_start3A_65 = tpu.memref_slice %arg3[%add3A_46] : memref<1280000xi32, #tpu.memory_space<hbm>> -> memref<400xi32, #tpu.memory_space<hbm>>
        %dma_start3A_66 = tpu.memref_slice %arg3[%add3A_46] : memref<1280000xi32, #tpu.memory_space<hbm>> -> memref<400xi32, #tpu.memory_space<hbm>>
        tpu.enqueue_dma source(%dma_start3A_66 : memref<400xi32, #tpu.memory_space<hbm>>) target(%arg5 : memref<400xi32, #tpu.memory_space<vmem>>) target_semaphore(%run_scoped3A : memref<!tpu.dma_semaphore, #tpu.memory_space<semaphore_mem>>)
        %dma_wait3A_67 = tpu.memref_slice %arg3[%add3A_46] : memref<1280000xi32, #tpu.memory_space<hbm>> -> memref<400xi32, #tpu.memory_space<hbm>>
        %dma_wait3A_68 = tpu.memref_slice %arg3[%add3A_46] : memref<1280000xi32, #tpu.memory_space<hbm>> -> memref<400xi32, #tpu.memory_space<hbm>>
        tpu.wait_dma2 semaphore(%run_scoped3A : memref<!tpu.dma_semaphore, #tpu.memory_space<semaphore_mem>>) src(%dma_wait3A_68 : memref<400xi32, #tpu.memory_space<hbm>>) dst(%arg5 : memref<400xi32, #tpu.memory_space<vmem>>)
        tpu.yield
      }) : () -> ()
      %dma_start3A_52 = arith.constant 0 : i32
      %dma_start3A_53 = arith.constant 0 : i32
      %dma_start3A_54 = tpu.memref_slice %arg2[%dma_start3A_52, %dma_start3A_53] : memref<10000x128xf32, #tpu.memory_space<hbm>> -> memref<10000x128xf32, #tpu.memory_space<hbm>>
      tpu.enqueue_indirect_dma source(%dma_start3A_54 : memref<10000x128xf32, #tpu.memory_space<hbm>>) target(%arg7 : memref<400x128xf32, #tpu.memory_space<vmem>>) offsets(%arg5 : memref<400xi32, #tpu.memory_space<vmem>>) semaphore(%arg8 : memref<!tpu.dma_semaphore, #tpu.memory_space<semaphore_mem>>)
      %dma_wait3A_55 = arith.constant 0 : i32
      %dma_wait3A_56 = arith.constant 0 : i32
      %dma_wait3A_57 = tpu.memref_slice %arg2[%dma_wait3A_55, %dma_wait3A_56] : memref<10000x128xf32, #tpu.memory_space<hbm>> -> memref<10000x128xf32, #tpu.memory_space<hbm>>
      tpu.wait_indirect_dma semaphore(%arg8 : memref<!tpu.dma_semaphore, #tpu.memory_space<semaphore_mem>>) src(%dma_wait3A_57 : memref<10000x128xf32, #tpu.memory_space<hbm>>) dst(%arg7 : memref<400x128xf32, #tpu.memory_space<vmem>>)
      %sub3A_58 = arith.constant 640000 : i32
      %sub3A_59 = arith.subi %add3A_46, %sub3A_58 : i32
      %dma_start3A_60 = arith.constant 0 : i32
      %dma_start3A_61 = tpu.memref_slice %arg4[%sub3A_59, %dma_start3A_60] : memref<640000x128xf32, #tpu.memory_space<hbm>> -> memref<400x128xf32, #tpu.memory_space<hbm>>
      %dma_start3A_62 = arith.constant 0 : i32
      %dma_start3A_63 = tpu.memref_slice %arg4[%sub3A_59, %dma_start3A_62] : memref<640000x128xf32, #tpu.memory_space<hbm>> -> memref<400x128xf32, #tpu.memory_space<hbm>>
      tpu.enqueue_dma source(%arg7 : memref<400x128xf32, #tpu.memory_space<vmem>>) target(%dma_start3A_63 : memref<400x128xf32, #tpu.memory_space<hbm>>) target_semaphore(%arg10 : memref<!tpu.dma_semaphore, #tpu.memory_space<semaphore_mem>>)
      %scan3A_64 = arith.constant 0 : i32
      scf.yield %scan3A_64 : i32
    }
    %scan3A_7 = arith.constant 50 : i32
    %dma_wait3A = arith.constant 0 : i32
    %dma_wait3A_8 = arith.constant 0 : i32
    %dma_wait3A_9 = tpu.memref_slice %arg4[%dma_wait3A, %dma_wait3A_8] : memref<640000x128xf32, #tpu.memory_space<hbm>> -> memref<400x128xf32, #tpu.memory_space<hbm>>
    %dma_wait3A_10 = arith.constant 0 : i32
    %dma_wait3A_11 = arith.constant 0 : i32
    %dma_wait3A_12 = tpu.memref_slice %arg4[%dma_wait3A_10, %dma_wait3A_11] : memref<640000x128xf32, #tpu.memory_space<hbm>> -> memref<400x128xf32, #tpu.memory_space<hbm>>
    tpu.wait_dma2 semaphore(%arg9 : memref<!tpu.dma_semaphore, #tpu.memory_space<semaphore_mem>>) src(%arg6 : memref<400x128xf32, #tpu.memory_space<vmem>>) dst(%dma_wait3A_12 : memref<400x128xf32, #tpu.memory_space<hbm>>)
    %dma_wait3A_13 = arith.constant 0 : i32
    %dma_wait3A_14 = arith.constant 0 : i32
    %dma_wait3A_15 = tpu.memref_slice %arg4[%dma_wait3A_13, %dma_wait3A_14] : memref<640000x128xf32, #tpu.memory_space<hbm>> -> memref<400x128xf32, #tpu.memory_space<hbm>>
    %dma_wait3A_16 = arith.constant 0 : i32
    %dma_wait3A_17 = arith.constant 0 : i32
    %dma_wait3A_18 = tpu.memref_slice %arg4[%dma_wait3A_16, %dma_wait3A_17] : memref<640000x128xf32, #tpu.memory_space<hbm>> -> memref<400x128xf32, #tpu.memory_space<hbm>>
    tpu.wait_dma2 semaphore(%arg10 : memref<!tpu.dma_semaphore, #tpu.memory_space<semaphore_mem>>) src(%arg7 : memref<400x128xf32, #tpu.memory_space<vmem>>) dst(%dma_wait3A_18 : memref<400x128xf32, #tpu.memory_space<hbm>>)
    return
  }
}

#map = affine_map<(d0, d1) -> (0, 0)>
#map1 = affine_map<(d0, d1) -> (0)>
#map2 = affine_map<(d0, d1) -> (0, 0, 0)>
module attributes {stable_mosaic.version = 14 : i64} {
  func.func @body(%arg0: i32, %arg1: i32, %arg2: memref<320000x128xf32, #tpu.memory_space<hbm>>, %arg3: memref<320000xi32, #tpu.memory_space<hbm>>, %arg4: memref<2x10000x128xf32, #tpu.memory_space<hbm>>, %arg5: memref<200x128xf32, #tpu.memory_space<vmem>>, %arg6: memref<200xi32, #tpu.memory_space<vmem>>, %arg7: memref<10000x128xf32, #tpu.memory_space<vmem_shared>>) attributes {dimension_semantics = [#tpu.dimension_semantics<core_parallel>, #tpu.dimension_semantics<subcore_parallel>], iteration_bounds = array<i64: 2, 16>, scalar_prefetch = 0 : i64, scratch_operands = 3 : i64, tpu.core_type = #tpu.core_type<sc_vector_subcore>, window_params = [{transform_indices = #map}, {transform_indices = #map1}, {transform_indices = #map2}]} {
    %mul3A = arith.constant 2 : i32
    %mul3A_0 = arith.muli %arg1, %mul3A : i32
    %add3A = arith.addi %mul3A_0, %arg0 : i32
    %scan3A = arith.constant 0 : i32
    %scan3A_1 = arith.constant 0 : i32
    %scan3A_2 = arith.constant 1600 : i32
    %scan3A_3 = arith.addi %scan3A_1, %scan3A_2 : i32
    %scan3A_4 = arith.constant 1 : i32
    %scan3A_5 = scf.for %scan3A_45 = %scan3A_1 to %scan3A_3 step %scan3A_4 iter_args(%scan3A_46 = %scan3A) -> (i32)  : i32 {
      %broadcast_in_dim3A = arith.constant 0.000000e+00 : f32
      %broadcast_in_dim3A_47 = vector.broadcast %broadcast_in_dim3A : f32 to vector<16xf32>
      %jit3A = arith.constant 8 : i32
      %div3A = arith.divsi %scan3A_45, %jit3A : i32
      %sign3A = arith.constant 0 : i32
      %sign3A_48 = arith.cmpi sgt, %scan3A_45, %sign3A : i32
      %sign3A_49 = arith.extui %sign3A_48 : i1 to i32
      %sign3A_50 = arith.constant 0 : i32
      %sign3A_51 = arith.cmpi slt, %scan3A_45, %sign3A_50 : i32
      %sign3A_52 = arith.extui %sign3A_51 : i1 to i32
      %sign3A_53 = arith.subi %sign3A_49, %sign3A_52 : i32
      %sign3A_54 = arith.constant 0 : i32
      %sign3A_55 = arith.cmpi sgt, %jit3A, %sign3A_54 : i32
      %sign3A_56 = arith.extui %sign3A_55 : i1 to i32
      %sign3A_57 = arith.constant 0 : i32
      %sign3A_58 = arith.cmpi slt, %jit3A, %sign3A_57 : i32
      %sign3A_59 = arith.extui %sign3A_58 : i1 to i32
      %sign3A_60 = arith.subi %sign3A_56, %sign3A_59 : i32
      %ne3A = arith.cmpi ne, %sign3A_53, %sign3A_60 : i32
      %rem3A = arith.remsi %scan3A_45, %jit3A : i32
      %ne3A_61 = arith.constant 0 : i32
      %ne3A_62 = arith.cmpi ne, %rem3A, %ne3A_61 : i32
      %and3A = arith.andi %ne3A, %ne3A_62 : i1
      %sub3A = arith.constant 1 : i32
      %sub3A_63 = arith.subi %div3A, %sub3A : i32
      %select_n3A = arith.select %and3A, %sub3A_63, %div3A : i32
      %jit3A_64 = arith.constant 8 : i32
      %eq3A_65 = arith.constant 0 : i32
      %eq3A_66 = arith.cmpi eq, %jit3A_64, %eq3A_65 : i32
      %jit3A_67 = arith.constant 1 : i32
      %select_n3A_68 = arith.select %eq3A_66, %jit3A_67, %jit3A_64 : i32
      %rem3A_69 = arith.remsi %scan3A_45, %select_n3A_68 : i32
      %ne3A_70 = arith.constant 0 : i32
      %ne3A_71 = arith.cmpi ne, %rem3A_69, %ne3A_70 : i32
      %lt3A_72 = arith.constant 0 : i32
      %lt3A_73 = arith.cmpi slt, %rem3A_69, %lt3A_72 : i32
      %lt3A_74 = arith.constant 0 : i32
      %lt3A_75 = arith.cmpi slt, %select_n3A_68, %lt3A_74 : i32
      %ne3A_76 = arith.xori %lt3A_73, %lt3A_75 : i1
      %and3A_77 = arith.andi %ne3A_76, %ne3A_71 : i1
      %add3A_78 = arith.addi %rem3A_69, %select_n3A_68 : i32
      %select_n3A_79 = arith.select %and3A_77, %add3A_78, %rem3A_69 : i32
      %mul3A_80 = arith.constant 16 : i32
      %mul3A_81 = arith.muli %select_n3A_79, %mul3A_80 : i32
      %swap3A = arith.index_cast %select_n3A : i32 to index
      %swap3A_82 = arith.index_cast %mul3A_81 : i32 to index
      %swap3A_83 = tpu.vector_load %arg5[%swap3A, %swap3A_82] {strides = array<i32>} : memref<200x128xf32, #tpu.memory_space<vmem>>, vector<1x16xf32>,
      %swap3A_84 = vector.shape_cast %swap3A_83 : vector<1x16xf32> to vector<16xf32>
      %swap3A_85 = vector.shape_cast %broadcast_in_dim3A_47 : vector<16xf32> to vector<1x16xf32>
      tpu.vector_store %arg5[%swap3A, %swap3A_82], %swap3A_85 {strides = array<i32>} : memref<200x128xf32, #tpu.memory_space<vmem>>, vector<1x16xf32>,
      %scan3A_86 = arith.constant 0 : i32
      scf.yield %scan3A_86 : i32
    }
    %scan3A_6 = arith.constant 1600 : i32
    %scan3A_7 = arith.constant 0 : i32
    %scan3A_8 = arith.constant 0 : i32
    %scan3A_9 = arith.constant 3 : i32
    %scan3A_10 = arith.addi %scan3A_8, %scan3A_9 : i32
    %scan3A_11 = arith.constant 1 : i32
    %scan3A_12 = scf.for %scan3A_45 = %scan3A_8 to %scan3A_10 step %scan3A_11 iter_args(%scan3A_46 = %scan3A_7) -> (i32)  : i32 {
      %mul3A_47 = arith.constant 624 : i32
      %mul3A_48 = arith.muli %arg1, %mul3A_47 : i32
      %mul3A_49 = arith.constant 200 : i32
      %mul3A_50 = arith.muli %scan3A_45, %mul3A_49 : i32
      %add3A_51 = arith.addi %mul3A_48, %mul3A_50 : i32
      "tpu.region"() ({
        %run_scoped3A = tpu.sem_alloc : memref<!tpu.dma_semaphore, #tpu.memory_space<semaphore_mem>>
        %dma_start3A = arith.constant 0 : i32
        %dma_start3A_53 = tpu.memref_slice %arg7[%add3A_51, %dma_start3A] : memref<10000x128xf32, #tpu.memory_space<vmem_shared>> -> memref<200x128xf32, #tpu.memory_space<vmem_shared>>
        %dma_start3A_54 = arith.constant 0 : i32
        %dma_start3A_55 = tpu.memref_slice %arg7[%add3A_51, %dma_start3A_54] : memref<10000x128xf32, #tpu.memory_space<vmem_shared>> -> memref<200x128xf32, #tpu.memory_space<vmem_shared>>
        tpu.enqueue_dma source(%arg5 : memref<200x128xf32, #tpu.memory_space<vmem>>) target(%dma_start3A_55 : memref<200x128xf32, #tpu.memory_space<vmem_shared>>) target_semaphore(%run_scoped3A : memref<!tpu.dma_semaphore, #tpu.memory_space<semaphore_mem>>)
        %dma_wait3A = arith.constant 0 : i32
        %dma_wait3A_56 = tpu.memref_slice %arg7[%add3A_51, %dma_wait3A] : memref<10000x128xf32, #tpu.memory_space<vmem_shared>> -> memref<200x128xf32, #tpu.memory_space<vmem_shared>>
        %dma_wait3A_57 = arith.constant 0 : i32
        %dma_wait3A_58 = tpu.memref_slice %arg7[%add3A_51, %dma_wait3A_57] : memref<10000x128xf32, #tpu.memory_space<vmem_shared>> -> memref<200x128xf32, #tpu.memory_space<vmem_shared>>
        tpu.wait_dma2 semaphore(%run_scoped3A : memref<!tpu.dma_semaphore, #tpu.memory_space<semaphore_mem>>) src(%arg5 : memref<200x128xf32, #tpu.memory_space<vmem>>) dst(%dma_wait3A_58 : memref<200x128xf32, #tpu.memory_space<vmem_shared>>)
        tpu.yield
      }) : () -> ()
      %scan3A_52 = arith.constant 0 : i32
      scf.yield %scan3A_52 : i32
    }
    %scan3A_13 = arith.constant 3 : i32
    %lt3A = arith.constant 15 : i32
    %lt3A_14 = arith.cmpi slt, %arg1, %lt3A : i32
    %convert_element_type3A = arith.extui %lt3A_14 : i1 to i32
    %cond3A = arith.constant 0 : i32
    %cond3A_15 = arith.cmpi ne, %convert_element_type3A, %cond3A : i32
    scf.if %cond3A_15 {
      %mul3A_45 = arith.constant 624 : i32
      %mul3A_46 = arith.muli %arg1, %mul3A_45 : i32
      %add3A_47 = arith.constant 600 : i32
      %add3A_48 = arith.addi %mul3A_46, %add3A_47 : i32
      "tpu.region"() ({
        %run_scoped3A = tpu.sem_alloc : memref<!tpu.dma_semaphore, #tpu.memory_space<semaphore_mem>>
        %dma_start3A = arith.constant 0 : i32
        %dma_start3A_49 = arith.constant 0 : i32
        %dma_start3A_50 = tpu.memref_slice %arg5[%dma_start3A, %dma_start3A_49] : memref<200x128xf32, #tpu.memory_space<vmem>> -> memref<24x128xf32, #tpu.memory_space<vmem>>
        %dma_start3A_51 = arith.constant 0 : i32
        %dma_start3A_52 = tpu.memref_slice %arg7[%add3A_48, %dma_start3A_51] : memref<10000x128xf32, #tpu.memory_space<vmem_shared>> -> memref<24x128xf32, #tpu.memory_space<vmem_shared>>
        %dma_start3A_53 = arith.constant 0 : i32
        %dma_start3A_54 = tpu.memref_slice %arg7[%add3A_48, %dma_start3A_53] : memref<10000x128xf32, #tpu.memory_space<vmem_shared>> -> memref<24x128xf32, #tpu.memory_space<vmem_shared>>
        %dma_start3A_55 = arith.constant 0 : i32
        %dma_start3A_56 = arith.constant 0 : i32
        %dma_start3A_57 = tpu.memref_slice %arg5[%dma_start3A_55, %dma_start3A_56] : memref<200x128xf32, #tpu.memory_space<vmem>> -> memref<24x128xf32, #tpu.memory_space<vmem>>
        tpu.enqueue_dma source(%dma_start3A_57 : memref<24x128xf32, #tpu.memory_space<vmem>>) target(%dma_start3A_54 : memref<24x128xf32, #tpu.memory_space<vmem_shared>>) target_semaphore(%run_scoped3A : memref<!tpu.dma_semaphore, #tpu.memory_space<semaphore_mem>>)
        %dma_wait3A = arith.constant 0 : i32
        %dma_wait3A_58 = arith.constant 0 : i32
        %dma_wait3A_59 = tpu.memref_slice %arg5[%dma_wait3A, %dma_wait3A_58] : memref<200x128xf32, #tpu.memory_space<vmem>> -> memref<24x128xf32, #tpu.memory_space<vmem>>
        %dma_wait3A_60 = arith.constant 0 : i32
        %dma_wait3A_61 = tpu.memref_slice %arg7[%add3A_48, %dma_wait3A_60] : memref<10000x128xf32, #tpu.memory_space<vmem_shared>> -> memref<24x128xf32, #tpu.memory_space<vmem_shared>>
        %dma_wait3A_62 = arith.constant 0 : i32
        %dma_wait3A_63 = tpu.memref_slice %arg7[%add3A_48, %dma_wait3A_62] : memref<10000x128xf32, #tpu.memory_space<vmem_shared>> -> memref<24x128xf32, #tpu.memory_space<vmem_shared>>
        %dma_wait3A_64 = arith.constant 0 : i32
        %dma_wait3A_65 = arith.constant 0 : i32
        %dma_wait3A_66 = tpu.memref_slice %arg5[%dma_wait3A_64, %dma_wait3A_65] : memref<200x128xf32, #tpu.memory_space<vmem>> -> memref<24x128xf32, #tpu.memory_space<vmem>>
        tpu.wait_dma2 semaphore(%run_scoped3A : memref<!tpu.dma_semaphore, #tpu.memory_space<semaphore_mem>>) src(%dma_wait3A_66 : memref<24x128xf32, #tpu.memory_space<vmem>>) dst(%dma_wait3A_63 : memref<24x128xf32, #tpu.memory_space<vmem_shared>>)
        tpu.yield
      }) : () -> ()
    } else {
    }
    %eq3A = arith.constant 15 : i32
    %eq3A_16 = arith.cmpi eq, %arg1, %eq3A : i32
    %convert_element_type3A_17 = arith.extui %eq3A_16 : i1 to i32
    %cond3A_18 = arith.constant 0 : i32
    %cond3A_19 = arith.cmpi ne, %convert_element_type3A_17, %cond3A_18 : i32
    scf.if %cond3A_19 {
      "tpu.region"() ({
        %run_scoped3A = tpu.sem_alloc : memref<!tpu.dma_semaphore, #tpu.memory_space<semaphore_mem>>
        %dma_start3A = arith.constant 0 : i32
        %dma_start3A_45 = arith.constant 0 : i32
        %dma_start3A_46 = tpu.memref_slice %arg5[%dma_start3A, %dma_start3A_45] : memref<200x128xf32, #tpu.memory_space<vmem>> -> memref<40x128xf32, #tpu.memory_space<vmem>>
        %dma_start3A_47 = arith.constant 9960 : i32
        %dma_start3A_48 = arith.constant 0 : i32
        %dma_start3A_49 = tpu.memref_slice %arg7[%dma_start3A_47, %dma_start3A_48] : memref<10000x128xf32, #tpu.memory_space<vmem_shared>> -> memref<40x128xf32, #tpu.memory_space<vmem_shared>>
        %dma_start3A_50 = arith.constant 9960 : i32
        %dma_start3A_51 = arith.constant 0 : i32
        %dma_start3A_52 = tpu.memref_slice %arg7[%dma_start3A_50, %dma_start3A_51] : memref<10000x128xf32, #tpu.memory_space<vmem_shared>> -> memref<40x128xf32, #tpu.memory_space<vmem_shared>>
        %dma_start3A_53 = arith.constant 0 : i32
        %dma_start3A_54 = arith.constant 0 : i32
        %dma_start3A_55 = tpu.memref_slice %arg5[%dma_start3A_53, %dma_start3A_54] : memref<200x128xf32, #tpu.memory_space<vmem>> -> memref<40x128xf32, #tpu.memory_space<vmem>>
        tpu.enqueue_dma source(%dma_start3A_55 : memref<40x128xf32, #tpu.memory_space<vmem>>) target(%dma_start3A_52 : memref<40x128xf32, #tpu.memory_space<vmem_shared>>) target_semaphore(%run_scoped3A : memref<!tpu.dma_semaphore, #tpu.memory_space<semaphore_mem>>)
        %dma_wait3A = arith.constant 0 : i32
        %dma_wait3A_56 = arith.constant 0 : i32
        %dma_wait3A_57 = tpu.memref_slice %arg5[%dma_wait3A, %dma_wait3A_56] : memref<200x128xf32, #tpu.memory_space<vmem>> -> memref<40x128xf32, #tpu.memory_space<vmem>>
        %dma_wait3A_58 = arith.constant 9960 : i32
        %dma_wait3A_59 = arith.constant 0 : i32
        %dma_wait3A_60 = tpu.memref_slice %arg7[%dma_wait3A_58, %dma_wait3A_59] : memref<10000x128xf32, #tpu.memory_space<vmem_shared>> -> memref<40x128xf32, #tpu.memory_space<vmem_shared>>
        %dma_wait3A_61 = arith.constant 9960 : i32
        %dma_wait3A_62 = arith.constant 0 : i32
        %dma_wait3A_63 = tpu.memref_slice %arg7[%dma_wait3A_61, %dma_wait3A_62] : memref<10000x128xf32, #tpu.memory_space<vmem_shared>> -> memref<40x128xf32, #tpu.memory_space<vmem_shared>>
        %dma_wait3A_64 = arith.constant 0 : i32
        %dma_wait3A_65 = arith.constant 0 : i32
        %dma_wait3A_66 = tpu.memref_slice %arg5[%dma_wait3A_64, %dma_wait3A_65] : memref<200x128xf32, #tpu.memory_space<vmem>> -> memref<40x128xf32, #tpu.memory_space<vmem>>
        tpu.wait_dma2 semaphore(%run_scoped3A : memref<!tpu.dma_semaphore, #tpu.memory_space<semaphore_mem>>) src(%dma_wait3A_66 : memref<40x128xf32, #tpu.memory_space<vmem>>) dst(%dma_wait3A_63 : memref<40x128xf32, #tpu.memory_space<vmem_shared>>)
        tpu.yield
      }) : () -> ()
    } else {
    }
    %barrier3A = arith.constant 0 : index
    tpu.barrier barrier_id(%barrier3A)
    %scan3A_20 = arith.constant 0 : i32
    %scan3A_21 = arith.constant 0 : i32
    %scan3A_22 = arith.constant 50 : i32
    %scan3A_23 = arith.addi %scan3A_21, %scan3A_22 : i32
    %scan3A_24 = arith.constant 1 : i32
    %scan3A_25 = scf.for %scan3A_45 = %scan3A_21 to %scan3A_23 step %scan3A_24 iter_args(%scan3A_46 = %scan3A_20) -> (i32)  : i32 {
      %mul3A_47 = arith.constant 10000 : i32
      %mul3A_48 = arith.muli %add3A, %mul3A_47 : i32
      %mul3A_49 = arith.constant 200 : i32
      %mul3A_50 = arith.muli %scan3A_45, %mul3A_49 : i32
      %add3A_51 = arith.addi %mul3A_48, %mul3A_50 : i32
      "tpu.region"() ({
        %run_scoped3A = tpu.sem_alloc : memref<!tpu.dma_semaphore, #tpu.memory_space<semaphore_mem>>
        %dma_start3A = arith.constant 0 : i32
        %dma_start3A_53 = tpu.memref_slice %arg2[%add3A_51, %dma_start3A] : memref<320000x128xf32, #tpu.memory_space<hbm>> -> memref<200x128xf32, #tpu.memory_space<hbm>>
        %dma_start3A_54 = arith.constant 0 : i32
        %dma_start3A_55 = tpu.memref_slice %arg2[%add3A_51, %dma_start3A_54] : memref<320000x128xf32, #tpu.memory_space<hbm>> -> memref<200x128xf32, #tpu.memory_space<hbm>>
        tpu.enqueue_dma source(%dma_start3A_55 : memref<200x128xf32, #tpu.memory_space<hbm>>) target(%arg5 : memref<200x128xf32, #tpu.memory_space<vmem>>) target_semaphore(%run_scoped3A : memref<!tpu.dma_semaphore, #tpu.memory_space<semaphore_mem>>)
        %dma_wait3A = arith.constant 0 : i32
        %dma_wait3A_56 = tpu.memref_slice %arg2[%add3A_51, %dma_wait3A] : memref<320000x128xf32, #tpu.memory_space<hbm>> -> memref<200x128xf32, #tpu.memory_space<hbm>>
        %dma_wait3A_57 = arith.constant 0 : i32
        %dma_wait3A_58 = tpu.memref_slice %arg2[%add3A_51, %dma_wait3A_57] : memref<320000x128xf32, #tpu.memory_space<hbm>> -> memref<200x128xf32, #tpu.memory_space<hbm>>
        tpu.wait_dma2 semaphore(%run_scoped3A : memref<!tpu.dma_semaphore, #tpu.memory_space<semaphore_mem>>) src(%dma_wait3A_58 : memref<200x128xf32, #tpu.memory_space<hbm>>) dst(%arg5 : memref<200x128xf32, #tpu.memory_space<vmem>>)
        tpu.yield
      }) : () -> ()
      "tpu.region"() ({
        %run_scoped3A = tpu.sem_alloc : memref<!tpu.dma_semaphore, #tpu.memory_space<semaphore_mem>>
        %dma_start3A = tpu.memref_slice %arg3[%add3A_51] : memref<320000xi32, #tpu.memory_space<hbm>> -> memref<200xi32, #tpu.memory_space<hbm>>
        %dma_start3A_53 = tpu.memref_slice %arg3[%add3A_51] : memref<320000xi32, #tpu.memory_space<hbm>> -> memref<200xi32, #tpu.memory_space<hbm>>
        tpu.enqueue_dma source(%dma_start3A_53 : memref<200xi32, #tpu.memory_space<hbm>>) target(%arg6 : memref<200xi32, #tpu.memory_space<vmem>>) target_semaphore(%run_scoped3A : memref<!tpu.dma_semaphore, #tpu.memory_space<semaphore_mem>>)
        %dma_wait3A = tpu.memref_slice %arg3[%add3A_51] : memref<320000xi32, #tpu.memory_space<hbm>> -> memref<200xi32, #tpu.memory_space<hbm>>
        %dma_wait3A_54 = tpu.memref_slice %arg3[%add3A_51] : memref<320000xi32, #tpu.memory_space<hbm>> -> memref<200xi32, #tpu.memory_space<hbm>>
        tpu.wait_dma2 semaphore(%run_scoped3A : memref<!tpu.dma_semaphore, #tpu.memory_space<semaphore_mem>>) src(%dma_wait3A_54 : memref<200xi32, #tpu.memory_space<hbm>>) dst(%arg6 : memref<200xi32, #tpu.memory_space<vmem>>)
        tpu.yield
      }) : () -> ()
      "tpu.region"() ({
        %run_scoped3A = tpu.sem_alloc : memref<!tpu.dma_semaphore, #tpu.memory_space<semaphore_mem>>
        %dma_start3A = arith.constant 0 : i32
        %dma_start3A_53 = arith.constant 0 : i32
        %dma_start3A_54 = tpu.memref_slice %arg7[%dma_start3A, %dma_start3A_53] : memref<10000x128xf32, #tpu.memory_space<vmem_shared>> -> memref<10000x128xf32, #tpu.memory_space<vmem_shared>>
        tpu.enqueue_indirect_dma source(%arg5 : memref<200x128xf32, #tpu.memory_space<vmem>>) target(%dma_start3A_54 : memref<10000x128xf32, #tpu.memory_space<vmem_shared>>) offsets(%arg6 : memref<200xi32, #tpu.memory_space<vmem>>) semaphore(%run_scoped3A : memref<!tpu.dma_semaphore, #tpu.memory_space<semaphore_mem>>) {add = true}
        %dma_wait3A = arith.constant 0 : i32
        %dma_wait3A_55 = arith.constant 0 : i32
        %dma_wait3A_56 = tpu.memref_slice %arg7[%dma_wait3A, %dma_wait3A_55] : memref<10000x128xf32, #tpu.memory_space<vmem_shared>> -> memref<10000x128xf32, #tpu.memory_space<vmem_shared>>
        tpu.wait_indirect_dma semaphore(%run_scoped3A : memref<!tpu.dma_semaphore, #tpu.memory_space<semaphore_mem>>) src(%arg5 : memref<200x128xf32, #tpu.memory_space<vmem>>) dst(%dma_wait3A_56 : memref<10000x128xf32, #tpu.memory_space<vmem_shared>>)
        tpu.yield
      }) : () -> ()
      %scan3A_52 = arith.constant 0 : i32
      scf.yield %scan3A_52 : i32
    }
    %scan3A_26 = arith.constant 50 : i32
    %barrier3A_27 = arith.constant 0 : index
    tpu.barrier barrier_id(%barrier3A_27)
    %scan3A_28 = arith.constant 0 : i32
    %scan3A_29 = arith.constant 0 : i32
    %scan3A_30 = arith.constant 3 : i32
    %scan3A_31 = arith.addi %scan3A_29, %scan3A_30 : i32
    %scan3A_32 = arith.constant 1 : i32
    %scan3A_33 = scf.for %scan3A_45 = %scan3A_29 to %scan3A_31 step %scan3A_32 iter_args(%scan3A_46 = %scan3A_28) -> (i32)  : i32 {
      %mul3A_47 = arith.constant 624 : i32
      %mul3A_48 = arith.muli %arg1, %mul3A_47 : i32
      %mul3A_49 = arith.constant 200 : i32
      %mul3A_50 = arith.muli %scan3A_45, %mul3A_49 : i32
      %add3A_51 = arith.addi %mul3A_48, %mul3A_50 : i32
      "tpu.region"() ({
        %run_scoped3A = tpu.sem_alloc : memref<!tpu.dma_semaphore, #tpu.memory_space<semaphore_mem>>
        %dma_start3A = arith.constant 0 : i32
        %dma_start3A_53 = tpu.memref_slice %arg7[%add3A_51, %dma_start3A] : memref<10000x128xf32, #tpu.memory_space<vmem_shared>> -> memref<200x128xf32, #tpu.memory_space<vmem_shared>>
        %dma_start3A_54 = arith.constant 0 : i32
        %dma_start3A_55 = tpu.memref_slice %arg7[%add3A_51, %dma_start3A_54] : memref<10000x128xf32, #tpu.memory_space<vmem_shared>> -> memref<200x128xf32, #tpu.memory_space<vmem_shared>>
        tpu.enqueue_dma source(%dma_start3A_55 : memref<200x128xf32, #tpu.memory_space<vmem_shared>>) target(%arg5 : memref<200x128xf32, #tpu.memory_space<vmem>>) target_semaphore(%run_scoped3A : memref<!tpu.dma_semaphore, #tpu.memory_space<semaphore_mem>>)
        %dma_wait3A = arith.constant 0 : i32
        %dma_wait3A_56 = tpu.memref_slice %arg7[%add3A_51, %dma_wait3A] : memref<10000x128xf32, #tpu.memory_space<vmem_shared>> -> memref<200x128xf32, #tpu.memory_space<vmem_shared>>
        %dma_wait3A_57 = arith.constant 0 : i32
        %dma_wait3A_58 = tpu.memref_slice %arg7[%add3A_51, %dma_wait3A_57] : memref<10000x128xf32, #tpu.memory_space<vmem_shared>> -> memref<200x128xf32, #tpu.memory_space<vmem_shared>>
        tpu.wait_dma2 semaphore(%run_scoped3A : memref<!tpu.dma_semaphore, #tpu.memory_space<semaphore_mem>>) src(%dma_wait3A_58 : memref<200x128xf32, #tpu.memory_space<vmem_shared>>) dst(%arg5 : memref<200x128xf32, #tpu.memory_space<vmem>>)
        tpu.yield
      }) : () -> ()
      "tpu.region"() ({
        %run_scoped3A = tpu.sem_alloc : memref<!tpu.dma_semaphore, #tpu.memory_space<semaphore_mem>>
        %dma_start3A = arith.constant 0 : i32
        %dma_start3A_53 = tpu.memref_slice %arg4[%arg0, %add3A_51, %dma_start3A] : memref<2x10000x128xf32, #tpu.memory_space<hbm>> -> memref<1x200x128xf32, #tpu.memory_space<hbm>>
        %dma_start3A_54 = tpu.memref_squeeze %dma_start3A_53 : memref<1x200x128xf32, #tpu.memory_space<hbm>> -> memref<200x128xf32, #tpu.memory_space<hbm>>
        %dma_start3A_55 = arith.constant 0 : i32
        %dma_start3A_56 = tpu.memref_slice %arg4[%arg0, %add3A_51, %dma_start3A_55] : memref<2x10000x128xf32, #tpu.memory_space<hbm>> -> memref<1x200x128xf32, #tpu.memory_space<hbm>>
        %dma_start3A_57 = tpu.memref_squeeze %dma_start3A_56 : memref<1x200x128xf32, #tpu.memory_space<hbm>> -> memref<200x128xf32, #tpu.memory_space<hbm>>
        tpu.enqueue_dma source(%arg5 : memref<200x128xf32, #tpu.memory_space<vmem>>) target(%dma_start3A_57 : memref<200x128xf32, #tpu.memory_space<hbm>>) target_semaphore(%run_scoped3A : memref<!tpu.dma_semaphore, #tpu.memory_space<semaphore_mem>>)
        %dma_wait3A = arith.constant 0 : i32
        %dma_wait3A_58 = tpu.memref_slice %arg4[%arg0, %add3A_51, %dma_wait3A] : memref<2x10000x128xf32, #tpu.memory_space<hbm>> -> memref<1x200x128xf32, #tpu.memory_space<hbm>>
        %dma_wait3A_59 = tpu.memref_squeeze %dma_wait3A_58 : memref<1x200x128xf32, #tpu.memory_space<hbm>> -> memref<200x128xf32, #tpu.memory_space<hbm>>
        %dma_wait3A_60 = arith.constant 0 : i32
        %dma_wait3A_61 = tpu.memref_slice %arg4[%arg0, %add3A_51, %dma_wait3A_60] : memref<2x10000x128xf32, #tpu.memory_space<hbm>> -> memref<1x200x128xf32, #tpu.memory_space<hbm>>
        %dma_wait3A_62 = tpu.memref_squeeze %dma_wait3A_61 : memref<1x200x128xf32, #tpu.memory_space<hbm>> -> memref<200x128xf32, #tpu.memory_space<hbm>>
        tpu.wait_dma2 semaphore(%run_scoped3A : memref<!tpu.dma_semaphore, #tpu.memory_space<semaphore_mem>>) src(%arg5 : memref<200x128xf32, #tpu.memory_space<vmem>>) dst(%dma_wait3A_62 : memref<200x128xf32, #tpu.memory_space<hbm>>)
        tpu.yield
      }) : () -> ()
      %scan3A_52 = arith.constant 0 : i32
      scf.yield %scan3A_52 : i32
    }
    %scan3A_34 = arith.constant 3 : i32
    %lt3A_35 = arith.constant 15 : i32
    %lt3A_36 = arith.cmpi slt, %arg1, %lt3A_35 : i32
    %convert_element_type3A_37 = arith.extui %lt3A_36 : i1 to i32
    %cond3A_38 = arith.constant 0 : i32
    %cond3A_39 = arith.cmpi ne, %convert_element_type3A_37, %cond3A_38 : i32
    scf.if %cond3A_39 {
      %mul3A_45 = arith.constant 624 : i32
      %mul3A_46 = arith.muli %arg1, %mul3A_45 : i32
      %add3A_47 = arith.constant 600 : i32
      %add3A_48 = arith.addi %mul3A_46, %add3A_47 : i32
      "tpu.region"() ({
        %run_scoped3A = tpu.sem_alloc : memref<!tpu.dma_semaphore, #tpu.memory_space<semaphore_mem>>
        %dma_start3A = arith.constant 0 : i32
        %dma_start3A_53 = arith.constant 0 : i32
        %dma_start3A_54 = tpu.memref_slice %arg5[%dma_start3A, %dma_start3A_53] : memref<200x128xf32, #tpu.memory_space<vmem>> -> memref<24x128xf32, #tpu.memory_space<vmem>>
        %dma_start3A_55 = arith.constant 0 : i32
        %dma_start3A_56 = tpu.memref_slice %arg7[%add3A_48, %dma_start3A_55] : memref<10000x128xf32, #tpu.memory_space<vmem_shared>> -> memref<24x128xf32, #tpu.memory_space<vmem_shared>>
        %dma_start3A_57 = arith.constant 0 : i32
        %dma_start3A_58 = arith.constant 0 : i32
        %dma_start3A_59 = tpu.memref_slice %arg5[%dma_start3A_57, %dma_start3A_58] : memref<200x128xf32, #tpu.memory_space<vmem>> -> memref<24x128xf32, #tpu.memory_space<vmem>>
        %dma_start3A_60 = arith.constant 0 : i32
        %dma_start3A_61 = tpu.memref_slice %arg7[%add3A_48, %dma_start3A_60] : memref<10000x128xf32, #tpu.memory_space<vmem_shared>> -> memref<24x128xf32, #tpu.memory_space<vmem_shared>>
        tpu.enqueue_dma source(%dma_start3A_61 : memref<24x128xf32, #tpu.memory_space<vmem_shared>>) target(%dma_start3A_59 : memref<24x128xf32, #tpu.memory_space<vmem>>) target_semaphore(%run_scoped3A : memref<!tpu.dma_semaphore, #tpu.memory_space<semaphore_mem>>)
        %dma_wait3A = arith.constant 0 : i32
        %dma_wait3A_62 = arith.constant 0 : i32
        %dma_wait3A_63 = tpu.memref_slice %arg5[%dma_wait3A, %dma_wait3A_62] : memref<200x128xf32, #tpu.memory_space<vmem>> -> memref<24x128xf32, #tpu.memory_space<vmem>>
        %dma_wait3A_64 = arith.constant 0 : i32
        %dma_wait3A_65 = tpu.memref_slice %arg7[%add3A_48, %dma_wait3A_64] : memref<10000x128xf32, #tpu.memory_space<vmem_shared>> -> memref<24x128xf32, #tpu.memory_space<vmem_shared>>
        %dma_wait3A_66 = arith.constant 0 : i32
        %dma_wait3A_67 = arith.constant 0 : i32
        %dma_wait3A_68 = tpu.memref_slice %arg5[%dma_wait3A_66, %dma_wait3A_67] : memref<200x128xf32, #tpu.memory_space<vmem>> -> memref<24x128xf32, #tpu.memory_space<vmem>>
        %dma_wait3A_69 = arith.constant 0 : i32
        %dma_wait3A_70 = tpu.memref_slice %arg7[%add3A_48, %dma_wait3A_69] : memref<10000x128xf32, #tpu.memory_space<vmem_shared>> -> memref<24x128xf32, #tpu.memory_space<vmem_shared>>
        tpu.wait_dma2 semaphore(%run_scoped3A : memref<!tpu.dma_semaphore, #tpu.memory_space<semaphore_mem>>) src(%dma_wait3A_70 : memref<24x128xf32, #tpu.memory_space<vmem_shared>>) dst(%dma_wait3A_68 : memref<24x128xf32, #tpu.memory_space<vmem>>)
        tpu.yield
      }) : () -> ()
      %mul3A_49 = arith.constant 624 : i32
      %mul3A_50 = arith.muli %arg1, %mul3A_49 : i32
      %add3A_51 = arith.constant 600 : i32
      %add3A_52 = arith.addi %mul3A_50, %add3A_51 : i32
      "tpu.region"() ({
        %run_scoped3A = tpu.sem_alloc : memref<!tpu.dma_semaphore, #tpu.memory_space<semaphore_mem>>
        %dma_start3A = arith.constant 0 : i32
        %dma_start3A_53 = arith.constant 0 : i32
        %dma_start3A_54 = tpu.memref_slice %arg5[%dma_start3A, %dma_start3A_53] : memref<200x128xf32, #tpu.memory_space<vmem>> -> memref<24x128xf32, #tpu.memory_space<vmem>>
        %dma_start3A_55 = arith.constant 0 : i32
        %dma_start3A_56 = tpu.memref_slice %arg4[%arg0, %add3A_52, %dma_start3A_55] : memref<2x10000x128xf32, #tpu.memory_space<hbm>> -> memref<1x24x128xf32, #tpu.memory_space<hbm>>
        %dma_start3A_57 = tpu.memref_squeeze %dma_start3A_56 : memref<1x24x128xf32, #tpu.memory_space<hbm>> -> memref<24x128xf32, #tpu.memory_space<hbm>>
        %dma_start3A_58 = arith.constant 0 : i32
        %dma_start3A_59 = tpu.memref_slice %arg4[%arg0, %add3A_52, %dma_start3A_58] : memref<2x10000x128xf32, #tpu.memory_space<hbm>> -> memref<1x24x128xf32, #tpu.memory_space<hbm>>
        %dma_start3A_60 = tpu.memref_squeeze %dma_start3A_59 : memref<1x24x128xf32, #tpu.memory_space<hbm>> -> memref<24x128xf32, #tpu.memory_space<hbm>>
        %dma_start3A_61 = arith.constant 0 : i32
        %dma_start3A_62 = arith.constant 0 : i32
        %dma_start3A_63 = tpu.memref_slice %arg5[%dma_start3A_61, %dma_start3A_62] : memref<200x128xf32, #tpu.memory_space<vmem>> -> memref<24x128xf32, #tpu.memory_space<vmem>>
        tpu.enqueue_dma source(%dma_start3A_63 : memref<24x128xf32, #tpu.memory_space<vmem>>) target(%dma_start3A_60 : memref<24x128xf32, #tpu.memory_space<hbm>>) target_semaphore(%run_scoped3A : memref<!tpu.dma_semaphore, #tpu.memory_space<semaphore_mem>>)
        %dma_wait3A = arith.constant 0 : i32
        %dma_wait3A_64 = arith.constant 0 : i32
        %dma_wait3A_65 = tpu.memref_slice %arg5[%dma_wait3A, %dma_wait3A_64] : memref<200x128xf32, #tpu.memory_space<vmem>> -> memref<24x128xf32, #tpu.memory_space<vmem>>
        %dma_wait3A_66 = arith.constant 0 : i32
        %dma_wait3A_67 = tpu.memref_slice %arg4[%arg0, %add3A_52, %dma_wait3A_66] : memref<2x10000x128xf32, #tpu.memory_space<hbm>> -> memref<1x24x128xf32, #tpu.memory_space<hbm>>
        %dma_wait3A_68 = tpu.memref_squeeze %dma_wait3A_67 : memref<1x24x128xf32, #tpu.memory_space<hbm>> -> memref<24x128xf32, #tpu.memory_space<hbm>>
        %dma_wait3A_69 = arith.constant 0 : i32
        %dma_wait3A_70 = tpu.memref_slice %arg4[%arg0, %add3A_52, %dma_wait3A_69] : memref<2x10000x128xf32, #tpu.memory_space<hbm>> -> memref<1x24x128xf32, #tpu.memory_space<hbm>>
        %dma_wait3A_71 = tpu.memref_squeeze %dma_wait3A_70 : memref<1x24x128xf32, #tpu.memory_space<hbm>> -> memref<24x128xf32, #tpu.memory_space<hbm>>
        %dma_wait3A_72 = arith.constant 0 : i32
        %dma_wait3A_73 = arith.constant 0 : i32
        %dma_wait3A_74 = tpu.memref_slice %arg5[%dma_wait3A_72, %dma_wait3A_73] : memref<200x128xf32, #tpu.memory_space<vmem>> -> memref<24x128xf32, #tpu.memory_space<vmem>>
        tpu.wait_dma2 semaphore(%run_scoped3A : memref<!tpu.dma_semaphore, #tpu.memory_space<semaphore_mem>>) src(%dma_wait3A_74 : memref<24x128xf32, #tpu.memory_space<vmem>>) dst(%dma_wait3A_71 : memref<24x128xf32, #tpu.memory_space<hbm>>)
        tpu.yield
      }) : () -> ()
    } else {
    }
    %eq3A_40 = arith.constant 15 : i32
    %eq3A_41 = arith.cmpi eq, %arg1, %eq3A_40 : i32
    %convert_element_type3A_42 = arith.extui %eq3A_41 : i1 to i32
    %cond3A_43 = arith.constant 0 : i32
    %cond3A_44 = arith.cmpi ne, %convert_element_type3A_42, %cond3A_43 : i32
    scf.if %cond3A_44 {
      "tpu.region"() ({
        %run_scoped3A = tpu.sem_alloc : memref<!tpu.dma_semaphore, #tpu.memory_space<semaphore_mem>>
        %dma_start3A = arith.constant 0 : i32
        %dma_start3A_45 = arith.constant 0 : i32
        %dma_start3A_46 = tpu.memref_slice %arg5[%dma_start3A, %dma_start3A_45] : memref<200x128xf32, #tpu.memory_space<vmem>> -> memref<40x128xf32, #tpu.memory_space<vmem>>
        %dma_start3A_47 = arith.constant 9960 : i32
        %dma_start3A_48 = arith.constant 0 : i32
        %dma_start3A_49 = tpu.memref_slice %arg7[%dma_start3A_47, %dma_start3A_48] : memref<10000x128xf32, #tpu.memory_space<vmem_shared>> -> memref<40x128xf32, #tpu.memory_space<vmem_shared>>
        %dma_start3A_50 = arith.constant 0 : i32
        %dma_start3A_51 = arith.constant 0 : i32
        %dma_start3A_52 = tpu.memref_slice %arg5[%dma_start3A_50, %dma_start3A_51] : memref<200x128xf32, #tpu.memory_space<vmem>> -> memref<40x128xf32, #tpu.memory_space<vmem>>
        %dma_start3A_53 = arith.constant 9960 : i32
        %dma_start3A_54 = arith.constant 0 : i32
        %dma_start3A_55 = tpu.memref_slice %arg7[%dma_start3A_53, %dma_start3A_54] : memref<10000x128xf32, #tpu.memory_space<vmem_shared>> -> memref<40x128xf32, #tpu.memory_space<vmem_shared>>
        tpu.enqueue_dma source(%dma_start3A_55 : memref<40x128xf32, #tpu.memory_space<vmem_shared>>) target(%dma_start3A_52 : memref<40x128xf32, #tpu.memory_space<vmem>>) target_semaphore(%run_scoped3A : memref<!tpu.dma_semaphore, #tpu.memory_space<semaphore_mem>>)
        %dma_wait3A = arith.constant 0 : i32
        %dma_wait3A_56 = arith.constant 0 : i32
        %dma_wait3A_57 = tpu.memref_slice %arg5[%dma_wait3A, %dma_wait3A_56] : memref<200x128xf32, #tpu.memory_space<vmem>> -> memref<40x128xf32, #tpu.memory_space<vmem>>
        %dma_wait3A_58 = arith.constant 9960 : i32
        %dma_wait3A_59 = arith.constant 0 : i32
        %dma_wait3A_60 = tpu.memref_slice %arg7[%dma_wait3A_58, %dma_wait3A_59] : memref<10000x128xf32, #tpu.memory_space<vmem_shared>> -> memref<40x128xf32, #tpu.memory_space<vmem_shared>>
        %dma_wait3A_61 = arith.constant 0 : i32
        %dma_wait3A_62 = arith.constant 0 : i32
        %dma_wait3A_63 = tpu.memref_slice %arg5[%dma_wait3A_61, %dma_wait3A_62] : memref<200x128xf32, #tpu.memory_space<vmem>> -> memref<40x128xf32, #tpu.memory_space<vmem>>
        %dma_wait3A_64 = arith.constant 9960 : i32
        %dma_wait3A_65 = arith.constant 0 : i32
        %dma_wait3A_66 = tpu.memref_slice %arg7[%dma_wait3A_64, %dma_wait3A_65] : memref<10000x128xf32, #tpu.memory_space<vmem_shared>> -> memref<40x128xf32, #tpu.memory_space<vmem_shared>>
        tpu.wait_dma2 semaphore(%run_scoped3A : memref<!tpu.dma_semaphore, #tpu.memory_space<semaphore_mem>>) src(%dma_wait3A_66 : memref<40x128xf32, #tpu.memory_space<vmem_shared>>) dst(%dma_wait3A_63 : memref<40x128xf32, #tpu.memory_space<vmem>>)
        tpu.yield
      }) : () -> ()
      "tpu.region"() ({
        %run_scoped3A = tpu.sem_alloc : memref<!tpu.dma_semaphore, #tpu.memory_space<semaphore_mem>>
        %dma_start3A = arith.constant 0 : i32
        %dma_start3A_45 = arith.constant 0 : i32
        %dma_start3A_46 = tpu.memref_slice %arg5[%dma_start3A, %dma_start3A_45] : memref<200x128xf32, #tpu.memory_space<vmem>> -> memref<40x128xf32, #tpu.memory_space<vmem>>
        %dma_start3A_47 = arith.constant 9960 : i32
        %dma_start3A_48 = arith.constant 0 : i32
        %dma_start3A_49 = tpu.memref_slice %arg4[%arg0, %dma_start3A_47, %dma_start3A_48] : memref<2x10000x128xf32, #tpu.memory_space<hbm>> -> memref<1x40x128xf32, #tpu.memory_space<hbm>>
        %dma_start3A_50 = tpu.memref_squeeze %dma_start3A_49 : memref<1x40x128xf32, #tpu.memory_space<hbm>> -> memref<40x128xf32, #tpu.memory_space<hbm>>
        %dma_start3A_51 = arith.constant 9960 : i32
        %dma_start3A_52 = arith.constant 0 : i32
        %dma_start3A_53 = tpu.memref_slice %arg4[%arg0, %dma_start3A_51, %dma_start3A_52] : memref<2x10000x128xf32, #tpu.memory_space<hbm>> -> memref<1x40x128xf32, #tpu.memory_space<hbm>>
        %dma_start3A_54 = tpu.memref_squeeze %dma_start3A_53 : memref<1x40x128xf32, #tpu.memory_space<hbm>> -> memref<40x128xf32, #tpu.memory_space<hbm>>
        %dma_start3A_55 = arith.constant 0 : i32
        %dma_start3A_56 = arith.constant 0 : i32
        %dma_start3A_57 = tpu.memref_slice %arg5[%dma_start3A_55, %dma_start3A_56] : memref<200x128xf32, #tpu.memory_space<vmem>> -> memref<40x128xf32, #tpu.memory_space<vmem>>
        tpu.enqueue_dma source(%dma_start3A_57 : memref<40x128xf32, #tpu.memory_space<vmem>>) target(%dma_start3A_54 : memref<40x128xf32, #tpu.memory_space<hbm>>) target_semaphore(%run_scoped3A : memref<!tpu.dma_semaphore, #tpu.memory_space<semaphore_mem>>)
        %dma_wait3A = arith.constant 0 : i32
        %dma_wait3A_58 = arith.constant 0 : i32
        %dma_wait3A_59 = tpu.memref_slice %arg5[%dma_wait3A, %dma_wait3A_58] : memref<200x128xf32, #tpu.memory_space<vmem>> -> memref<40x128xf32, #tpu.memory_space<vmem>>
        %dma_wait3A_60 = arith.constant 9960 : i32
        %dma_wait3A_61 = arith.constant 0 : i32
        %dma_wait3A_62 = tpu.memref_slice %arg4[%arg0, %dma_wait3A_60, %dma_wait3A_61] : memref<2x10000x128xf32, #tpu.memory_space<hbm>> -> memref<1x40x128xf32, #tpu.memory_space<hbm>>
        %dma_wait3A_63 = tpu.memref_squeeze %dma_wait3A_62 : memref<1x40x128xf32, #tpu.memory_space<hbm>> -> memref<40x128xf32, #tpu.memory_space<hbm>>
        %dma_wait3A_64 = arith.constant 9960 : i32
        %dma_wait3A_65 = arith.constant 0 : i32
        %dma_wait3A_66 = tpu.memref_slice %arg4[%arg0, %dma_wait3A_64, %dma_wait3A_65] : memref<2x10000x128xf32, #tpu.memory_space<hbm>> -> memref<1x40x128xf32, #tpu.memory_space<hbm>>
        %dma_wait3A_67 = tpu.memref_squeeze %dma_wait3A_66 : memref<1x40x128xf32, #tpu.memory_space<hbm>> -> memref<40x128xf32, #tpu.memory_space<hbm>>
        %dma_wait3A_68 = arith.constant 0 : i32
        %dma_wait3A_69 = arith.constant 0 : i32
        %dma_wait3A_70 = tpu.memref_slice %arg5[%dma_wait3A_68, %dma_wait3A_69] : memref<200x128xf32, #tpu.memory_space<vmem>> -> memref<40x128xf32, #tpu.memory_space<vmem>>
        tpu.wait_dma2 semaphore(%run_scoped3A : memref<!tpu.dma_semaphore, #tpu.memory_space<semaphore_mem>>) src(%dma_wait3A_70 : memref<40x128xf32, #tpu.memory_space<vmem>>) dst(%dma_wait3A_67 : memref<40x128xf32, #tpu.memory_space<hbm>>)
        tpu.yield
      }) : () -> ()
    } else {
    }
    return
  }
}

module attributes {stable_mosaic.version = 14 : i64} {
  func.func @_tc_main_body(%arg0: i32, %arg1: memref<2000x128xf32, #tpu.memory_space<vmem>>, %arg2: memref<2000x128xf32, #tpu.memory_space<vmem>>, %arg3: memref<2000x128xf32, #tpu.memory_space<vmem>>, %arg4: memref<2000x128xf32, #tpu.memory_space<vmem>>, %arg5: memref<2000x1xf32, #tpu.memory_space<vmem>>, %arg6: memref<2000x64xf32, #tpu.memory_space<vmem>>, %arg7: memref<2000x64xf32, #tpu.memory_space<vmem>>, %arg8: memref<192x128xf32, #tpu.memory_space<vmem>>, %arg9: memref<64x64xf32, #tpu.memory_space<vmem>>, %arg10: memref<64x64xf32, #tpu.memory_space<vmem>>, %arg11: memref<128x256xf32, #tpu.memory_space<vmem>>, %arg12: memref<256x4xf32, #tpu.memory_space<vmem>>, %arg13: memref<256x4xf32, #tpu.memory_space<vmem>>, %arg14: memref<2000x4xf32, #tpu.memory_space<vmem>>, %arg15: memref<2000x64xf32, #tpu.memory_space<vmem>>, %arg16: memref<2000x64xf32, #tpu.memory_space<vmem>>, %arg17: memref<8x128xf32, #tpu.memory_space<vmem>>) attributes {dimension_semantics = [#tpu.dimension_semantics<arbitrary>], iteration_bounds = array<i64: 160>, scalar_prefetch = 0 : i64, scratch_operands = 0 : i64, tpu.core_type = #tpu.core_type<tc>, window_params = [{transform_indices = @transform_0, window_bounds = array<i64: 2000, 128>}, {transform_indices = @transform_1, window_bounds = array<i64: 2000, 128>}, {transform_indices = @transform_2, window_bounds = array<i64: 2000, 128>}, {transform_indices = @transform_3, window_bounds = array<i64: 2000, 128>}, {transform_indices = @transform_4, window_bounds = array<i64: 2000, 1>}, {transform_indices = @transform_5, window_bounds = array<i64: 2000, 64>}, {transform_indices = @transform_6, window_bounds = array<i64: 2000, 64>}, {pipeline_mode = #tpu.pipeline_mode<synchronous>, transform_indices = @transform_7, window_bounds = array<i64: 192, 128>}, {pipeline_mode = #tpu.pipeline_mode<synchronous>, transform_indices = @transform_8, window_bounds = array<i64: 64, 64>}, {pipeline_mode = #tpu.pipeline_mode<synchronous>, transform_indices = @transform_9, window_bounds = array<i64: 64, 64>}, {pipeline_mode = #tpu.pipeline_mode<synchronous>, transform_indices = @transform_10, window_bounds = array<i64: 128, 256>}, {pipeline_mode = #tpu.pipeline_mode<synchronous>, transform_indices = @transform_11, window_bounds = array<i64: 256, 4>}, {pipeline_mode = #tpu.pipeline_mode<synchronous>, transform_indices = @transform_12, window_bounds = array<i64: 256, 4>}, {transform_indices = @transform_13, window_bounds = array<i64: 2000, 4>}, {transform_indices = @transform_14, window_bounds = array<i64: 2000, 64>}, {transform_indices = @transform_15, window_bounds = array<i64: 2000, 64>}, {pipeline_mode = #tpu.pipeline_mode<synchronous>, transform_indices = @transform_16, window_bounds = array<i64: 8, 128>}]} {
    %get3A = arith.constant 0 : index
    %get3A_0 = arith.constant 0 : index
    %get3A_1 = vector.load %arg1[%get3A, %get3A_0] : memref<2000x128xf32, #tpu.memory_space<vmem>>, vector<2000x64xf32>
    %get3A_2 = arith.constant 0 : index
    %get3A_3 = arith.constant 0 : index
    %get3A_4 = vector.load %arg2[%get3A_2, %get3A_3] : memref<2000x128xf32, #tpu.memory_space<vmem>>, vector<2000x64xf32>
    %get3A_5 = arith.constant 0 : index
    %get3A_6 = arith.constant 0 : index
    %get3A_7 = vector.load %arg5[%get3A_5, %get3A_6] : memref<2000x1xf32, #tpu.memory_space<vmem>>, vector<2000x1xf32>
    %eq3A = arith.constant 0.000000e+00 : f32
    %eq3A_8 = vector.broadcast %eq3A : f32 to vector<2000x1xf32>
    %eq3A_9 = arith.cmpf oeq, %get3A_7, %eq3A_8 : vector<2000x1xf32>
    %convert_element_type3A = arith.extui %eq3A_9 : vector<2000x1xi1> to vector<2000x1xi32>
    %convert_element_type3A_10 = arith.sitofp %convert_element_type3A : vector<2000x1xi32> to vector<2000x1xf32>
    %mul3A = arith.constant 9.99999993E-9 : f32
    %mul3A_11 = vector.broadcast %mul3A : f32 to vector<2000x1xf32>
    %mul3A_12 = arith.mulf %convert_element_type3A_10, %mul3A_11 : vector<2000x1xf32>
    %add3A = arith.addf %get3A_7, %mul3A_12 : vector<2000x1xf32>
    %sub3A = arith.subf %get3A_1, %get3A_4 : vector<2000x64xf32>
    %div3A = vector.broadcast %add3A : vector<2000x1xf32> to vector<2000x64xf32>
    %div3A_13 = arith.divf %sub3A, %div3A : vector<2000x64xf32>
    %concatenate3A = tpu.concatenate %get3A_1, %get3A_4, %div3A_13 in 1 : vector<2000x64xf32>, vector<2000x64xf32>, vector<2000x64xf32> -> vector<2000x192xf32>
    %get3A_14 = arith.constant 0 : index
    %get3A_15 = arith.constant 0 : index
    %get3A_16 = vector.load %arg8[%get3A_14, %get3A_15] : memref<192x128xf32, #tpu.memory_space<vmem>>, vector<192x128xf32>
    %dot_general3A = arith.constant dense<0.000000e+00> : vector<2000x128xf32>
    %dot_general3A_17 = tpu.matmul %concatenate3A, %get3A_16, %dot_general3A {dimension_numbers = #tpu.dot_dimension_numbers<[1], [0], [0], [1], [0, 0, 1, 1], [], []>, transpose_lhs_hint = false} : vector<2000x192xf32>, vector<192x128xf32>, vector<2000x128xf32> -> vector<2000x128xf32>
    %slice3A = vector.extract_strided_slice %dot_general3A_17 {offsets = [0, 0], sizes = [2000, 64], strides = [1, 1]} : vector<2000x128xf32> to vector<2000x64xf32>
    %logistic3A = arith.negf %slice3A : vector<2000x64xf32>
    %logistic3A_18 = math.exp %logistic3A : vector<2000x64xf32>
    %logistic3A_19 = arith.constant 1.000000e+00 : f32
    %logistic3A_20 = vector.broadcast %logistic3A_19 : f32 to vector<2000x64xf32>
    %logistic3A_21 = arith.addf %logistic3A_20, %logistic3A_18 : vector<2000x64xf32>
    %logistic3A_22 = arith.divf %logistic3A_20, %logistic3A_21 : vector<2000x64xf32>
    %slice3A_23 = vector.extract_strided_slice %dot_general3A_17 {offsets = [0, 64], sizes = [2000, 64], strides = [1, 1]} : vector<2000x128xf32> to vector<2000x64xf32>
    %gt3A = arith.constant 0.000000e+00 : f32
    %gt3A_24 = vector.broadcast %gt3A : f32 to vector<2000x64xf32>
    %gt3A_25 = arith.cmpf ogt, %slice3A_23, %gt3A_24 : vector<2000x64xf32>
    %exp3A = math.exp %slice3A_23 : vector<2000x64xf32>
    %sub3A_26 = arith.constant 1.000000e+00 : f32
    %sub3A_27 = vector.broadcast %sub3A_26 : f32 to vector<2000x64xf32>
    %sub3A_28 = arith.subf %exp3A, %sub3A_27 : vector<2000x64xf32>
    %select_n3A = arith.select %gt3A_25, %slice3A_23, %sub3A_28 : vector<2000x64xi1>, vector<2000x64xf32>
    %mul3A_29 = arith.mulf %logistic3A_22, %select_n3A : vector<2000x64xf32>
    %get3A_30 = arith.constant 0 : index
    %get3A_31 = arith.constant 0 : index
    %get3A_32 = vector.load %arg6[%get3A_30, %get3A_31] : memref<2000x64xf32, #tpu.memory_space<vmem>>, vector<2000x64xf32>
    %get3A_33 = arith.constant 0 : index
    %get3A_34 = arith.constant 0 : index
    %get3A_35 = vector.load %arg9[%get3A_33, %get3A_34] : memref<64x64xf32, #tpu.memory_space<vmem>>, vector<64x64xf32>
    %dot_general3A_36 = arith.constant dense<0.000000e+00> : vector<2000x64xf32>
    %dot_general3A_37 = tpu.matmul %get3A_32, %get3A_35, %dot_general3A_36 {dimension_numbers = #tpu.dot_dimension_numbers<[1], [0], [0], [1], [0, 0, 1, 1], [], []>, transpose_lhs_hint = false} : vector<2000x64xf32>, vector<64x64xf32>, vector<2000x64xf32> -> vector<2000x64xf32>
    %logistic3A_38 = arith.negf %dot_general3A_37 : vector<2000x64xf32>
    %logistic3A_39 = math.exp %logistic3A_38 : vector<2000x64xf32>
    %logistic3A_40 = arith.constant 1.000000e+00 : f32
    %logistic3A_41 = vector.broadcast %logistic3A_40 : f32 to vector<2000x64xf32>
    %logistic3A_42 = arith.addf %logistic3A_41, %logistic3A_39 : vector<2000x64xf32>
    %logistic3A_43 = arith.divf %logistic3A_41, %logistic3A_42 : vector<2000x64xf32>
    %mul3A_44 = arith.mulf %get3A_32, %logistic3A_43 : vector<2000x64xf32>
    %get3A_45 = arith.constant 0 : index
    %get3A_46 = arith.constant 0 : index
    %get3A_47 = vector.load %arg10[%get3A_45, %get3A_46] : memref<64x64xf32, #tpu.memory_space<vmem>>, vector<64x64xf32>
    %dot_general3A_48 = arith.constant dense<0.000000e+00> : vector<2000x64xf32>
    %dot_general3A_49 = tpu.matmul %mul3A_44, %get3A_47, %dot_general3A_48 {dimension_numbers = #tpu.dot_dimension_numbers<[1], [0], [0], [1], [0, 0, 1, 1], [], []>, transpose_lhs_hint = false} : vector<2000x64xf32>, vector<64x64xf32>, vector<2000x64xf32> -> vector<2000x64xf32>
    %get3A_50 = arith.constant 0 : index
    %get3A_51 = arith.constant 0 : index
    %get3A_52 = vector.load %arg7[%get3A_50, %get3A_51] : memref<2000x64xf32, #tpu.memory_space<vmem>>, vector<2000x64xf32>
    %get3A_53 = arith.constant 0 : index
    %get3A_54 = arith.constant 0 : index
    %get3A_55 = vector.load %arg11[%get3A_53, %get3A_54] : memref<128x256xf32, #tpu.memory_space<vmem>>, vector<128x256xf32>
    %get3A_56 = arith.constant 0 : index
    %get3A_57 = arith.constant 0 : index
    %get3A_58 = vector.load %arg3[%get3A_56, %get3A_57] : memref<2000x128xf32, #tpu.memory_space<vmem>>, vector<2000x64xf32>
    %concatenate3A_59 = tpu.concatenate %get3A_58, %get3A_52 in 1 : vector<2000x64xf32>, vector<2000x64xf32> -> vector<2000x128xf32>
    %dot_general3A_60 = arith.constant dense<0.000000e+00> : vector<2000x256xf32>
    %dot_general3A_61 = tpu.matmul %concatenate3A_59, %get3A_55, %dot_general3A_60 {dimension_numbers = #tpu.dot_dimension_numbers<[1], [0], [0], [1], [0, 0, 1, 1], [], []>, transpose_lhs_hint = false} : vector<2000x128xf32>, vector<128x256xf32>, vector<2000x256xf32> -> vector<2000x256xf32>
    %max3A = arith.constant 0.000000e+00 : f32
    %max3A_62 = vector.broadcast %max3A : f32 to vector<2000x256xf32>
    %max3A_63 = arith.maximumf %dot_general3A_61, %max3A_62 : vector<2000x256xf32>
    %abs3A = math.absf %dot_general3A_61 : vector<2000x256xf32>
    %neg3A = arith.constant 0.000000e+00 : f32
    %neg3A_64 = vector.broadcast %neg3A : f32 to vector<2000x256xf32>
    %neg3A_65 = arith.subf %neg3A_64, %abs3A : vector<2000x256xf32>
    %exp3A_66 = math.exp %neg3A_65 : vector<2000x256xf32>
    %log1p3A = math.log1p %exp3A_66 : vector<2000x256xf32>
    %add3A_67 = arith.addf %max3A_63, %log1p3A : vector<2000x256xf32>
    %get3A_68 = arith.constant 0 : index
    %get3A_69 = arith.constant 0 : index
    %get3A_70 = vector.load %arg4[%get3A_68, %get3A_69] : memref<2000x128xf32, #tpu.memory_space<vmem>>, vector<2000x64xf32>
    %concatenate3A_71 = tpu.concatenate %get3A_70, %get3A_52 in 1 : vector<2000x64xf32>, vector<2000x64xf32> -> vector<2000x128xf32>
    %dot_general3A_72 = arith.constant dense<0.000000e+00> : vector<2000x256xf32>
    %dot_general3A_73 = tpu.matmul %concatenate3A_71, %get3A_55, %dot_general3A_72 {dimension_numbers = #tpu.dot_dimension_numbers<[1], [0], [0], [1], [0, 0, 1, 1], [], []>, transpose_lhs_hint = false} : vector<2000x128xf32>, vector<128x256xf32>, vector<2000x256xf32> -> vector<2000x256xf32>
    %max3A_74 = arith.constant 0.000000e+00 : f32
    %max3A_75 = vector.broadcast %max3A_74 : f32 to vector<2000x256xf32>
    %max3A_76 = arith.maximumf %dot_general3A_73, %max3A_75 : vector<2000x256xf32>
    %abs3A_77 = math.absf %dot_general3A_73 : vector<2000x256xf32>
    %neg3A_78 = arith.constant 0.000000e+00 : f32
    %neg3A_79 = vector.broadcast %neg3A_78 : f32 to vector<2000x256xf32>
    %neg3A_80 = arith.subf %neg3A_79, %abs3A_77 : vector<2000x256xf32>
    %exp3A_81 = math.exp %neg3A_80 : vector<2000x256xf32>
    %log1p3A_82 = math.log1p %exp3A_81 : vector<2000x256xf32>
    %add3A_83 = arith.addf %max3A_76, %log1p3A_82 : vector<2000x256xf32>
    %get3A_84 = arith.constant 0 : index
    %get3A_85 = arith.constant 0 : index
    %get3A_86 = vector.load %arg12[%get3A_84, %get3A_85] : memref<256x4xf32, #tpu.memory_space<vmem>>, vector<256x4xf32>
    %dot_general3A_87 = arith.constant dense<0.000000e+00> : vector<2000x4xf32>
    %dot_general3A_88 = tpu.matmul %add3A_67, %get3A_86, %dot_general3A_87 {dimension_numbers = #tpu.dot_dimension_numbers<[1], [0], [0], [1], [0, 0, 1, 1], [], []>, transpose_lhs_hint = false} : vector<2000x256xf32>, vector<256x4xf32>, vector<2000x4xf32> -> vector<2000x4xf32>
    %get3A_89 = arith.constant 0 : index
    %get3A_90 = arith.constant 0 : index
    %get3A_91 = vector.load %arg13[%get3A_89, %get3A_90] : memref<256x4xf32, #tpu.memory_space<vmem>>, vector<256x4xf32>
    %dot_general3A_92 = arith.constant dense<0.000000e+00> : vector<2000x4xf32>
    %dot_general3A_93 = tpu.matmul %add3A_83, %get3A_91, %dot_general3A_92 {dimension_numbers = #tpu.dot_dimension_numbers<[1], [0], [0], [1], [0, 0, 1, 1], [], []>, transpose_lhs_hint = false} : vector<2000x256xf32>, vector<256x4xf32>, vector<2000x4xf32> -> vector<2000x4xf32>
    %add3A_94 = arith.addf %dot_general3A_88, %dot_general3A_93 : vector<2000x4xf32>
    %max3A_95 = arith.constant 0.000000e+00 : f32
    %max3A_96 = vector.broadcast %max3A_95 : f32 to vector<2000x4xf32>
    %max3A_97 = arith.maximumf %add3A_94, %max3A_96 : vector<2000x4xf32>
    %abs3A_98 = math.absf %add3A_94 : vector<2000x4xf32>
    %neg3A_99 = arith.constant 0.000000e+00 : f32
    %neg3A_100 = vector.broadcast %neg3A_99 : f32 to vector<2000x4xf32>
    %neg3A_101 = arith.subf %neg3A_100, %abs3A_98 : vector<2000x4xf32>
    %exp3A_102 = math.exp %neg3A_101 : vector<2000x4xf32>
    %log1p3A_103 = math.log1p %exp3A_102 : vector<2000x4xf32>
    %add3A_104 = arith.addf %max3A_97, %log1p3A_103 : vector<2000x4xf32>
    %mul3A_105 = arith.constant 0.999994993 : f32
    %mul3A_106 = vector.broadcast %mul3A_105 : f32 to vector<2000x4xf32>
    %mul3A_107 = arith.mulf %add3A_104, %mul3A_106 : vector<2000x4xf32>
    %max3A_108 = arith.constant 0.000000e+00 : f32
    %max3A_109 = vector.broadcast %max3A_108 : f32 to vector<2000x4xf32>
    %max3A_110 = arith.maximumf %mul3A_107, %max3A_109 : vector<2000x4xf32>
    %abs3A_111 = math.absf %mul3A_107 : vector<2000x4xf32>
    %neg3A_112 = arith.constant 0.000000e+00 : f32
    %neg3A_113 = vector.broadcast %neg3A_112 : f32 to vector<2000x4xf32>
    %neg3A_114 = arith.subf %neg3A_113, %abs3A_111 : vector<2000x4xf32>
    %exp3A_115 = math.exp %neg3A_114 : vector<2000x4xf32>
    %log1p3A_116 = math.log1p %exp3A_115 : vector<2000x4xf32>
    %add3A_117 = arith.addf %max3A_110, %log1p3A_116 : vector<2000x4xf32>
    %swap3A = arith.constant 0 : index
    %swap3A_118 = arith.constant 0 : index
    %swap3A_119 = vector.load %arg14[%swap3A, %swap3A_118] : memref<2000x4xf32, #tpu.memory_space<vmem>>, vector<2000x4xf32>
    tpu.vector_store %arg14[%swap3A, %swap3A_118], %add3A_117 {strides = array<i32>} : memref<2000x4xf32, #tpu.memory_space<vmem>>, vector<2000x4xf32>,
    %swap3A_120 = arith.constant 0 : index
    %swap3A_121 = arith.constant 0 : index
    %swap3A_122 = vector.load %arg15[%swap3A_120, %swap3A_121] : memref<2000x64xf32, #tpu.memory_space<vmem>>, vector<2000x64xf32>
    tpu.vector_store %arg15[%swap3A_120, %swap3A_121], %mul3A_29 {strides = array<i32>} : memref<2000x64xf32, #tpu.memory_space<vmem>>, vector<2000x64xf32>,
    %mul3A_123 = arith.mulf %mul3A_29, %dot_general3A_49 : vector<2000x64xf32>
    %swap3A_124 = arith.constant 0 : index
    %swap3A_125 = arith.constant 0 : index
    %swap3A_126 = vector.load %arg16[%swap3A_124, %swap3A_125] : memref<2000x64xf32, #tpu.memory_space<vmem>>, vector<2000x64xf32>
    tpu.vector_store %arg16[%swap3A_124, %swap3A_125], %mul3A_123 {strides = array<i32>} : memref<2000x64xf32, #tpu.memory_space<vmem>>, vector<2000x64xf32>,
    %reduce_max3A = vector.shape_cast %add3A_117 : vector<2000x4xf32> to vector<1x2000x4xf32>
    %reduce_max3A_127 = arith.constant dense<0xFF800000> : vector<1xf32>
    %reduce_max3A_128 = vector.multi_reduction <maximumf>, %reduce_max3A, %reduce_max3A_127 [1, 2] : vector<1x2000x4xf32> to vector<1xf32>
    %reduce_max3A_129 = vector.shape_cast %reduce_max3A_128 : vector<1xf32> to vector<1x1x1xf32>
    %reduce_max3A_130 = vector.extract %reduce_max3A_129[0, 0, 0] : f32 from vector<1x1x1xf32>
    %broadcast_in_dim3A = vector.broadcast %reduce_max3A_130 : f32 to vector<8x128xf32>
    %eq3A_131 = arith.constant 0 : i32
    %eq3A_132 = arith.cmpi eq, %arg0, %eq3A_131 : i32
    %get3A_133 = arith.constant 0 : index
    %get3A_134 = arith.constant 0 : index
    %get3A_135 = vector.load %arg17[%get3A_133, %get3A_134] : memref<8x128xf32, #tpu.memory_space<vmem>>, vector<8x128xf32>
    %max3A_136 = arith.maximumf %get3A_135, %broadcast_in_dim3A : vector<8x128xf32>
    %select_n3A_137 = arith.select %eq3A_132, %broadcast_in_dim3A, %max3A_136 : vector<8x128xf32>
    %swap3A_138 = arith.constant 0 : index
    %swap3A_139 = arith.constant 0 : index
    %swap3A_140 = vector.load %arg17[%swap3A_138, %swap3A_139] : memref<8x128xf32, #tpu.memory_space<vmem>>, vector<8x128xf32>
    tpu.vector_store %arg17[%swap3A_138, %swap3A_139], %select_n3A_137 {strides = array<i32>} : memref<8x128xf32, #tpu.memory_space<vmem>>, vector<8x128xf32>,
    return
  }
  func.func @transform_0(%arg0: i32) -> (i32, i32) {
    %c0_i32 = arith.constant 0 : i32
    %c0_i32_0 = arith.constant 0 : i32
    return %arg0, %c0_i32 : i32, i32
  }
  func.func @transform_1(%arg0: i32) -> (i32, i32) {
    %add3A = arith.constant 160 : i32
    %add3A_0 = arith.addi %arg0, %add3A : i32
    %c0_i32 = arith.constant 0 : i32
    %c0_i32_1 = arith.constant 0 : i32
    return %add3A_0, %c0_i32 : i32, i32
  }
  func.func @transform_2(%arg0: i32) -> (i32, i32) {
    %c0_i32 = arith.constant 0 : i32
    %c0_i32_0 = arith.constant 0 : i32
    return %arg0, %c0_i32 : i32, i32
  }
  func.func @transform_3(%arg0: i32) -> (i32, i32) {
    %add3A = arith.constant 160 : i32
    %add3A_0 = arith.addi %arg0, %add3A : i32
    %c0_i32 = arith.constant 0 : i32
    %c0_i32_1 = arith.constant 0 : i32
    return %add3A_0, %c0_i32 : i32, i32
  }
  func.func @transform_4(%arg0: i32) -> (i32, i32) {
    %c0_i32 = arith.constant 0 : i32
    %c0_i32_0 = arith.constant 0 : i32
    return %arg0, %c0_i32 : i32, i32
  }
  func.func @transform_5(%arg0: i32) -> (i32, i32) {
    %c0_i32 = arith.constant 0 : i32
    %c0_i32_0 = arith.constant 0 : i32
    return %arg0, %c0_i32 : i32, i32
  }
  func.func @transform_6(%arg0: i32) -> (i32, i32) {
    %c0_i32 = arith.constant 0 : i32
    %c0_i32_0 = arith.constant 0 : i32
    return %arg0, %c0_i32 : i32, i32
  }
  func.func @transform_7(%arg0: i32) -> (i32, i32) {
    %c0_i32 = arith.constant 0 : i32
    %c0_i32_0 = arith.constant 0 : i32
    %c0_i32_1 = arith.constant 0 : i32
    return %c0_i32, %c0_i32_0 : i32, i32
  }
  func.func @transform_8(%arg0: i32) -> (i32, i32) {
    %c0_i32 = arith.constant 0 : i32
    %c0_i32_0 = arith.constant 0 : i32
    %c0_i32_1 = arith.constant 0 : i32
    return %c0_i32, %c0_i32_0 : i32, i32
  }
  func.func @transform_9(%arg0: i32) -> (i32, i32) {
    %c0_i32 = arith.constant 0 : i32
    %c0_i32_0 = arith.constant 0 : i32
    %c0_i32_1 = arith.constant 0 : i32
    return %c0_i32, %c0_i32_0 : i32, i32
  }
  func.func @transform_10(%arg0: i32) -> (i32, i32) {
    %c0_i32 = arith.constant 0 : i32
    %c0_i32_0 = arith.constant 0 : i32
    %c0_i32_1 = arith.constant 0 : i32
    return %c0_i32, %c0_i32_0 : i32, i32
  }
  func.func @transform_11(%arg0: i32) -> (i32, i32) {
    %c0_i32 = arith.constant 0 : i32
    %c0_i32_0 = arith.constant 0 : i32
    %c0_i32_1 = arith.constant 0 : i32
    return %c0_i32, %c0_i32_0 : i32, i32
  }
  func.func @transform_12(%arg0: i32) -> (i32, i32) {
    %c0_i32 = arith.constant 0 : i32
    %c0_i32_0 = arith.constant 0 : i32
    %c0_i32_1 = arith.constant 0 : i32
    return %c0_i32, %c0_i32_0 : i32, i32
  }
  func.func @transform_13(%arg0: i32) -> (i32, i32) {
    %c0_i32 = arith.constant 0 : i32
    %c0_i32_0 = arith.constant 0 : i32
    return %arg0, %c0_i32 : i32, i32
  }
  func.func @transform_14(%arg0: i32) -> (i32, i32) {
    %c0_i32 = arith.constant 0 : i32
    %c0_i32_0 = arith.constant 0 : i32
    return %arg0, %c0_i32 : i32, i32
  }
  func.func @transform_15(%arg0: i32) -> (i32, i32) {
    %c0_i32 = arith.constant 0 : i32
    %c0_i32_0 = arith.constant 0 : i32
    return %arg0, %c0_i32 : i32, i32
  }
  func.func @transform_16(%arg0: i32) -> (i32, i32) {
    %c0_i32 = arith.constant 0 : i32
    %c0_i32_0 = arith.constant 0 : i32
    %c0_i32_1 = arith.constant 0 : i32
    return %c0_i32, %c0_i32_0 : i32, i32
  }
}

module attributes {stable_mosaic.version = 14 : i64} {
  func.func @_tc_final_body(%arg0: i32, %arg1: memref<2000x128xf32, #tpu.memory_space<vmem>>, %arg2: memref<2000x64xf32, #tpu.memory_space<vmem>>, %arg3: memref<2000x4xf32, #tpu.memory_space<vmem>>, %arg4: memref<2000x4xf32, #tpu.memory_space<vmem>>, %arg5: memref<2000x64xf32, #tpu.memory_space<vmem>>, %arg6: memref<2000x64xf32, #tpu.memory_space<vmem>>, %arg7: memref<8x128xf32, #tpu.memory_space<vmem>>, %arg8: memref<128x256xf32, #tpu.memory_space<vmem>>, %arg9: memref<2000x128xf32, #tpu.memory_space<vmem>>) attributes {dimension_semantics = [#tpu.dimension_semantics<arbitrary>], iteration_bounds = array<i64: 160>, scalar_prefetch = 0 : i64, scratch_operands = 0 : i64, tpu.core_type = #tpu.core_type<tc>, window_params = [{transform_indices = @transform_0, window_bounds = array<i64: 2000, 128>}, {transform_indices = @transform_1, window_bounds = array<i64: 2000, 64>}, {transform_indices = @transform_2, window_bounds = array<i64: 2000, 4>}, {transform_indices = @transform_3, window_bounds = array<i64: 2000, 4>}, {transform_indices = @transform_4, window_bounds = array<i64: 2000, 64>}, {transform_indices = @transform_5, window_bounds = array<i64: 2000, 64>}, {pipeline_mode = #tpu.pipeline_mode<synchronous>, transform_indices = @transform_6, window_bounds = array<i64: 8, 128>}, {pipeline_mode = #tpu.pipeline_mode<synchronous>, transform_indices = @transform_7, window_bounds = array<i64: 128, 256>}, {transform_indices = @transform_8, window_bounds = array<i64: 2000, 128>}]} {
    %get3A = arith.constant 0 : index
    %get3A_0 = arith.constant 0 : index
    %get3A_1 = vector.load %arg7[%get3A, %get3A_0] : memref<8x128xf32, #tpu.memory_space<vmem>>, vector<8x128xf32>
    %reduce_max3A = vector.shape_cast %get3A_1 : vector<8x128xf32> to vector<1x8x128xf32>
    %reduce_max3A_2 = arith.constant dense<0xFF800000> : vector<1xf32>
    %reduce_max3A_3 = vector.multi_reduction <maximumf>, %reduce_max3A, %reduce_max3A_2 [1, 2] : vector<1x8x128xf32> to vector<1xf32>
    %reduce_max3A_4 = vector.shape_cast %reduce_max3A_3 : vector<1xf32> to vector<1x1x1xf32>
    %reduce_max3A_5 = vector.extract %reduce_max3A_4[0, 0, 0] : f32 from vector<1x1x1xf32>
    %get3A_6 = arith.constant 0 : index
    %get3A_7 = arith.constant 0 : index
    %get3A_8 = vector.load %arg3[%get3A_6, %get3A_7] : memref<2000x4xf32, #tpu.memory_space<vmem>>, vector<2000x4xf32>
    %sub3A = vector.broadcast %reduce_max3A_5 : f32 to vector<2000x4xf32>
    %sub3A_9 = arith.subf %get3A_8, %sub3A : vector<2000x4xf32>
    %exp3A = math.exp %sub3A_9 : vector<2000x4xf32>
    %get3A_10 = arith.constant 0 : index
    %get3A_11 = arith.constant 0 : index
    %get3A_12 = vector.load %arg4[%get3A_10, %get3A_11] : memref<2000x4xf32, #tpu.memory_space<vmem>>, vector<2000x4xf32>
    %add3A = arith.constant 1.000000e-16 : f32
    %add3A_13 = vector.broadcast %add3A : f32 to vector<2000x4xf32>
    %add3A_14 = arith.addf %get3A_12, %add3A_13 : vector<2000x4xf32>
    %div3A = arith.divf %exp3A, %add3A_14 : vector<2000x4xf32>
    %get3A_15 = arith.constant 0 : index
    %get3A_16 = arith.constant 0 : index
    %get3A_17 = vector.load %arg1[%get3A_15, %get3A_16] : memref<2000x128xf32, #tpu.memory_space<vmem>>, vector<2000x64xf32>
    %get3A_18 = arith.constant 0 : index
    %get3A_19 = arith.constant 0 : index
    %get3A_20 = vector.load %arg2[%get3A_18, %get3A_19] : memref<2000x64xf32, #tpu.memory_space<vmem>>, vector<2000x64xf32>
    %concatenate3A = tpu.concatenate %get3A_17, %get3A_20 in 1 : vector<2000x64xf32>, vector<2000x64xf32> -> vector<2000x128xf32>
    %get3A_21 = arith.constant 0 : index
    %get3A_22 = arith.constant 0 : index
    %get3A_23 = vector.load %arg8[%get3A_21, %get3A_22] : memref<128x256xf32, #tpu.memory_space<vmem>>, vector<128x256xf32>
    %dot_general3A = arith.constant dense<0.000000e+00> : vector<2000x256xf32>
    %dot_general3A_24 = tpu.matmul %concatenate3A, %get3A_23, %dot_general3A {dimension_numbers = #tpu.dot_dimension_numbers<[1], [0], [0], [1], [0, 0, 1, 1], [], []>, transpose_lhs_hint = false} : vector<2000x128xf32>, vector<128x256xf32>, vector<2000x256xf32> -> vector<2000x256xf32>
    %max3A = arith.constant 0.000000e+00 : f32
    %max3A_25 = vector.broadcast %max3A : f32 to vector<2000x256xf32>
    %max3A_26 = arith.maximumf %dot_general3A_24, %max3A_25 : vector<2000x256xf32>
    %abs3A = math.absf %dot_general3A_24 : vector<2000x256xf32>
    %neg3A = arith.constant 0.000000e+00 : f32
    %neg3A_27 = vector.broadcast %neg3A : f32 to vector<2000x256xf32>
    %neg3A_28 = arith.subf %neg3A_27, %abs3A : vector<2000x256xf32>
    %exp3A_29 = math.exp %neg3A_28 : vector<2000x256xf32>
    %log1p3A = math.log1p %exp3A_29 : vector<2000x256xf32>
    %add3A_30 = arith.addf %max3A_26, %log1p3A : vector<2000x256xf32>
    %slice3A = vector.extract_strided_slice %add3A_30 {offsets = [0, 0], sizes = [2000, 64], strides = [1, 1]} : vector<2000x256xf32> to vector<2000x64xf32>
    %slice3A_31 = vector.extract_strided_slice %div3A {offsets = [0, 0], sizes = [2000, 1], strides = [1, 1]} : vector<2000x4xf32> to vector<2000x1xf32>
    %mul3A = vector.broadcast %slice3A_31 : vector<2000x1xf32> to vector<2000x64xf32>
    %mul3A_32 = arith.mulf %slice3A, %mul3A : vector<2000x64xf32>
    %slice3A_33 = vector.extract_strided_slice %add3A_30 {offsets = [0, 64], sizes = [2000, 64], strides = [1, 1]} : vector<2000x256xf32> to vector<2000x64xf32>
    %slice3A_34 = vector.extract_strided_slice %div3A {offsets = [0, 1], sizes = [2000, 1], strides = [1, 1]} : vector<2000x4xf32> to vector<2000x1xf32>
    %mul3A_35 = vector.broadcast %slice3A_34 : vector<2000x1xf32> to vector<2000x64xf32>
    %mul3A_36 = arith.mulf %slice3A_33, %mul3A_35 : vector<2000x64xf32>
    %add3A_37 = arith.addf %mul3A_32, %mul3A_36 : vector<2000x64xf32>
    %slice3A_38 = vector.extract_strided_slice %add3A_30 {offsets = [0, 128], sizes = [2000, 64], strides = [1, 1]} : vector<2000x256xf32> to vector<2000x64xf32>
    %slice3A_39 = vector.extract_strided_slice %div3A {offsets = [0, 2], sizes = [2000, 1], strides = [1, 1]} : vector<2000x4xf32> to vector<2000x1xf32>
    %mul3A_40 = vector.broadcast %slice3A_39 : vector<2000x1xf32> to vector<2000x64xf32>
    %mul3A_41 = arith.mulf %slice3A_38, %mul3A_40 : vector<2000x64xf32>
    %add3A_42 = arith.addf %add3A_37, %mul3A_41 : vector<2000x64xf32>
    %slice3A_43 = vector.extract_strided_slice %add3A_30 {offsets = [0, 192], sizes = [2000, 64], strides = [1, 1]} : vector<2000x256xf32> to vector<2000x64xf32>
    %slice3A_44 = vector.extract_strided_slice %div3A {offsets = [0, 3], sizes = [2000, 1], strides = [1, 1]} : vector<2000x4xf32> to vector<2000x1xf32>
    %mul3A_45 = vector.broadcast %slice3A_44 : vector<2000x1xf32> to vector<2000x64xf32>
    %mul3A_46 = arith.mulf %slice3A_43, %mul3A_45 : vector<2000x64xf32>
    %add3A_47 = arith.addf %add3A_42, %mul3A_46 : vector<2000x64xf32>
    %get3A_48 = arith.constant 0 : index
    %get3A_49 = arith.constant 0 : index
    %get3A_50 = vector.load %arg5[%get3A_48, %get3A_49] : memref<2000x64xf32, #tpu.memory_space<vmem>>, vector<2000x64xf32>
    %mul3A_51 = arith.constant 2.500000e-01 : f32
    %mul3A_52 = vector.broadcast %mul3A_51 : f32 to vector<2000x64xf32>
    %mul3A_53 = arith.mulf %mul3A_52, %add3A_47 : vector<2000x64xf32>
    %mul3A_54 = arith.mulf %get3A_50, %mul3A_53 : vector<2000x64xf32>
    %get3A_55 = arith.constant 0 : index
    %get3A_56 = arith.constant 0 : index
    %get3A_57 = vector.load %arg6[%get3A_55, %get3A_56] : memref<2000x64xf32, #tpu.memory_space<vmem>>, vector<2000x64xf32>
    %add3A_58 = arith.addf %mul3A_54, %get3A_57 : vector<2000x64xf32>
    %broadcast_in_dim3A = arith.constant 0.000000e+00 : f32
    %broadcast_in_dim3A_59 = vector.broadcast %broadcast_in_dim3A : f32 to vector<2000x64xf32>
    %concatenate3A_60 = tpu.concatenate %add3A_58, %broadcast_in_dim3A_59 in 1 : vector<2000x64xf32>, vector<2000x64xf32> -> vector<2000x128xf32>
    %swap3A = arith.constant 0 : index
    %swap3A_61 = arith.constant 0 : index
    %swap3A_62 = vector.load %arg9[%swap3A, %swap3A_61] : memref<2000x128xf32, #tpu.memory_space<vmem>>, vector<2000x128xf32>
    tpu.vector_store %arg9[%swap3A, %swap3A_61], %concatenate3A_60 {strides = array<i32>} : memref<2000x128xf32, #tpu.memory_space<vmem>>, vector<2000x128xf32>,
    return
  }
  func.func @transform_0(%arg0: i32) -> (i32, i32) {
    %add3A = arith.constant 160 : i32
    %add3A_0 = arith.addi %arg0, %add3A : i32
    %c0_i32 = arith.constant 0 : i32
    %c0_i32_1 = arith.constant 0 : i32
    return %add3A_0, %c0_i32 : i32, i32
  }
  func.func @transform_1(%arg0: i32) -> (i32, i32) {
    %c0_i32 = arith.constant 0 : i32
    %c0_i32_0 = arith.constant 0 : i32
    return %arg0, %c0_i32 : i32, i32
  }
  func.func @transform_2(%arg0: i32) -> (i32, i32) {
    %c0_i32 = arith.constant 0 : i32
    %c0_i32_0 = arith.constant 0 : i32
    return %arg0, %c0_i32 : i32, i32
  }
  func.func @transform_3(%arg0: i32) -> (i32, i32) {
    %c0_i32 = arith.constant 0 : i32
    %c0_i32_0 = arith.constant 0 : i32
    return %arg0, %c0_i32 : i32, i32
  }
  func.func @transform_4(%arg0: i32) -> (i32, i32) {
    %c0_i32 = arith.constant 0 : i32
    %c0_i32_0 = arith.constant 0 : i32
    return %arg0, %c0_i32 : i32, i32
  }
  func.func @transform_5(%arg0: i32) -> (i32, i32) {
    %c0_i32 = arith.constant 0 : i32
    %c0_i32_0 = arith.constant 0 : i32
    return %arg0, %c0_i32 : i32, i32
  }
  func.func @transform_6(%arg0: i32) -> (i32, i32) {
    %c0_i32 = arith.constant 0 : i32
    %c0_i32_0 = arith.constant 0 : i32
    %c0_i32_1 = arith.constant 0 : i32
    return %c0_i32, %c0_i32_0 : i32, i32
  }
  func.func @transform_7(%arg0: i32) -> (i32, i32) {
    %c0_i32 = arith.constant 0 : i32
    %c0_i32_0 = arith.constant 0 : i32
    %c0_i32_1 = arith.constant 0 : i32
    return %c0_i32, %c0_i32_0 : i32, i32
  }
  func.func @transform_8(%arg0: i32) -> (i32, i32) {
    %c0_i32 = arith.constant 0 : i32
    %c0_i32_0 = arith.constant 0 : i32
    return %arg0, %c0_i32 : i32, i32
  }
}

module attributes {stable_mosaic.version = 14 : i64} {
  func.func @_tc_add_body(%arg0: i32, %arg1: memref<2000x64xf32, #tpu.memory_space<vmem>>, %arg2: memref<2x2000x128xf32, #tpu.memory_space<vmem>>, %arg3: memref<2000x64xf32, #tpu.memory_space<vmem>>) attributes {dimension_semantics = [#tpu.dimension_semantics<arbitrary>], iteration_bounds = array<i64: 5>, scalar_prefetch = 0 : i64, scratch_operands = 0 : i64, tpu.core_type = #tpu.core_type<tc>, window_params = [{transform_indices = @transform_0, window_bounds = array<i64: 2000, 64>}, {transform_indices = @transform_1, window_bounds = array<i64: 2, 2000, 128>}, {transform_indices = @transform_2, window_bounds = array<i64: 2000, 64>}]} {
    %get3A = arith.constant 0 : index
    %get3A_0 = arith.constant 0 : index
    %get3A_1 = vector.load %arg1[%get3A, %get3A_0] : memref<2000x64xf32, #tpu.memory_space<vmem>>, vector<2000x64xf32>
    %get3A_2 = arith.constant 0 : index
    %get3A_3 = arith.constant 0 : index
    %get3A_4 = arith.constant 0 : index
    %get3A_5 = vector.load %arg2[%get3A_2, %get3A_3, %get3A_4] : memref<2x2000x128xf32, #tpu.memory_space<vmem>>, vector<1x2000x64xf32>
    %get3A_6 = vector.shape_cast %get3A_5 : vector<1x2000x64xf32> to vector<2000x64xf32>
    %add3A = arith.addf %get3A_1, %get3A_6 : vector<2000x64xf32>
    %get3A_7 = arith.constant 1 : index
    %get3A_8 = arith.constant 0 : index
    %get3A_9 = arith.constant 0 : index
    %get3A_10 = vector.load %arg2[%get3A_7, %get3A_8, %get3A_9] : memref<2x2000x128xf32, #tpu.memory_space<vmem>>, vector<1x2000x64xf32>
    %get3A_11 = vector.shape_cast %get3A_10 : vector<1x2000x64xf32> to vector<2000x64xf32>
    %add3A_12 = arith.addf %add3A, %get3A_11 : vector<2000x64xf32>
    %swap3A = arith.constant 0 : index
    %swap3A_13 = arith.constant 0 : index
    %swap3A_14 = vector.load %arg3[%swap3A, %swap3A_13] : memref<2000x64xf32, #tpu.memory_space<vmem>>, vector<2000x64xf32>
    tpu.vector_store %arg3[%swap3A, %swap3A_13], %add3A_12 {strides = array<i32>} : memref<2000x64xf32, #tpu.memory_space<vmem>>, vector<2000x64xf32>,
    return
  }
  func.func @transform_0(%arg0: i32) -> (i32, i32) {
    %c0_i32 = arith.constant 0 : i32
    %c0_i32_0 = arith.constant 0 : i32
    return %arg0, %c0_i32 : i32, i32
  }
  func.func @transform_1(%arg0: i32) -> (i32, i32, i32) {
    %c0_i32 = arith.constant 0 : i32
    %c0_i32_0 = arith.constant 0 : i32
    %c0_i32_1 = arith.constant 0 : i32
    return %c0_i32, %arg0, %c0_i32_0 : i32, i32, i32
  }
  func.func @transform_2(%arg0: i32) -> (i32, i32) {
    %c0_i32 = arith.constant 0 : i32
    %c0_i32_0 = arith.constant 0 : i32
    return %arg0, %c0_i32 : i32, i32
  }
}

</mosaic_0001>

<sc_bundles>
// kernel: kernel.10.cloned.1.call-start
scs
__scs_entry_jumppad:
0x0: {  	(pc) =	sbr.rel $0x88, $3  }
0x1: {  	(tag) =	ssettag $0x0;
	lr =	simm.s32 $0x1  }
0x2: {  	[smem:$0x3F94] =	sst lr;
	_ =	strace $0xD0000000  }
0x3: {  	_ = 	snop  }
0x4: {  	_ = 	snop  }
0x5: {  	_ = 	snop  }
0x6: {  	_ = 	snop  }
0x7: {  	_ = 	snop  }
__scs_overlays_trampoline_lowered:
0x8: {  	[smem:$0x3FA3] =	sst s0  }
0x9: {  	[smem:$0x3FA4] =	sst s1  }
0xa: {  	[smem:$0x3FA5] =	sst s2  }
0xb: {  	[smem:$0x3FA6] =	sst s3  }
0xc: {  	[smem:$0x3FA7] =	sst s4  }
0xd: {  	[smem:$0x3FA8] =	sst s5  }
0xe: {  	[smem:$0x3FA9] =	sst s6  }
0xf: {  	[smem:$0x3FAA] =	sst s7  }
0x10: {  	[smem:$0x3FAB] =	sst s8  }
0x11: {  	[smem:$0x3FAC] =	sst s9;
	s0 =	simm.s32 @!p0 $0x0  }
0x12: {  	s1 =	sld [smem:$0x3F92];
	s0 =	simm.s32 @p0 $0x1  }
0x13: {  	[smem:$0x3FAD] =	sst s0;
	s0 =	simm.s32 @!p1 $0x0  }
0x14: {  	s2 =	sld [smem:$0x3F91];
	s0 =	simm.s32 @p1 $0x1  }
0x15: {  	[smem:$0x3FAE] =	sst s0;
	s0 =	simm.s32 @!p2 $0x0  }
0x16: {  	s3 =	sld [smem:$0x3FDB];
	s0 =	simm.s32 @p2 $0x1  }
0x17: {  	s4 =	simm.s32 $0x1BF5;
	[smem:$0x3FB0] =	sst s0  }
0x18: {  	s0 =	sld [smem:$0x3F93];
	_ =	swait.ge [sflag:s4], $0x0  }
0x19: {  	s7 =	sld [smem:$0x3F94]  }
0x1a: {  	s8 =	sadd.s32 $0xFFFFE003, lr  }
0x1b: {  	s9 =	sadd.s32 $0xFFFFFEF7, lr;
	s5 =	simm.s32 $0xFFFFFFFF;
	p2 =	slt.u32 s8, $0xFFFFF086  }
0x1c: {  	p1 =	slt.u32 s9, $0xF7A;
	s5 =	simm.s32 @!p2 $0x0  }
0x1d: {  	s5 =	simm.s32 @p1 $0x1;
	p0 =	seq.s32 s7, s2  }
0x1e: {  	s7 =	smul.u32 @!p0 $0xF7A, s2;
	p2 =	seq.s32 @!p0 s5, $0x0  }
0x1f: {  	s9 =	smul.u32 $0xF7A, s1;
	s8 =	simm.s32 @!p0 $0x1BF5;
	p2 =	por !p2, p0  }
0x20: {  	[sflag:s8] =	ssyncset.s32 @!p0 $0xFFFFF086;
	s6 =	sadd.s32 @!p0 s3, s7;
	s7 =	simm.s32 @!p0 $0x108  }
0x21: {  	s3 =	sadd.s32 s3, s9;
	s6 =	sadd.s32 @!p0 $0x88, s6;
	s7 =	simm.s32 @p2 $0x1082  }
0x22: {  	[simem:s7], [sflag:s8] =	dma.local @!p0 [hbm:s6], $0xF7A  }
0x23: {  	s9 =	sor.u32 $0xD0000000, s2;
	s6 =	simm.s32 $0x108;
	_ =	swait.ge @!p0 [sflag:s8], $0x0  }
0x24: {  	s3 =	sadd.s32 $0x88, s3;
	s6 =	simm.s32 @!p1 $0x1082;
	[sflag:s4] =	ssyncset.s32 $0xFFFFF086  }
0x25: {  	[simem:s6], [sflag:s4] =	dma.local [hbm:s3], $0xF7A  }
0x26: {  	[smem:$0x3F94] =	sst s1;
	(tag) =	ssettag s2;
	_ =	strace s9  }
0x27: {  	s1 =	sld [smem:$0x3FA4]  }
0x28: {  	s2 =	sld [smem:$0x3FA5]  }
0x29: {  	s4 =	sld [smem:$0x3FA7]  }
0x2a: {  	p0 =	seq.s32 s5, $0x0;
	s5 =	sld [smem:$0x3FA8]  }
0x2b: {  	s6 =	sld [smem:$0x3FA9]  }
0x2c: {  	s7 =	sld [smem:$0x3FAA]  }
0x2d: {  	s3 =	simm.s32 $0x108;
	s8 =	sld [smem:$0x3FAB]  }
0x2e: {  	s3 =	simm.s32 @!p0 $0x1082;
	s9 =	sld [smem:$0x3FAC]  }
0x2f: {  	lr =	sadd.s32 s0, s3;
	s0 =	sld [smem:$0x3FA3]  }
0x30: {  	s3 =	sld [smem:$0x3FA6]  }
0x31: {  	[smem:$0x3FAF] =	sst s10  }
0x32: {  	s10 =	sld [smem:$0x3FAD];
	_ =	sdelay $0x3  }
0x33: {  	p0 =	seq.s32 s10, $0x1;
	s10 =	sld [smem:$0x3FAF];
	_ =	sdelay $0x3  }
0x34: {  	[smem:$0x3FAF] =	sst s10  }
0x35: {  	s10 =	sld [smem:$0x3FAE];
	_ =	sdelay $0x3  }
0x36: {  	p1 =	seq.s32 s10, $0x1;
	s10 =	sld [smem:$0x3FAF];
	_ =	sdelay $0x3  }
0x37: {  	[smem:$0x3FAF] =	sst s10  }
0x38: {  	s10 =	sld [smem:$0x3FB0]  }
0x39: {  	_ = 	snop;
	(pc) =	sbr.ind lr, $3  }
0x3a: {  	_ = 	snop  }
0x3b: {  	_ = 	snop  }
0x3c: {  	p2 =	seq.s32 s10, $0x1;
	s10 =	sld [smem:$0x3FAF]  }
0x3d: {  	_ =	shalt  }
0x3e: {  	_ =	shalt  }
0x3f: {  	_ =	shalt  }
0x40: {  	_ =	shalt  }
0x41: {  	_ =	shalt  }
0x42: {  	_ =	shalt  }
0x43: {  	_ =	shalt  }
0x44: {  	_ =	shalt  }
0x45: {  	_ =	shalt  }
0x46: {  	_ =	shalt  }
0x47: {  	_ =	shalt  }
0x48: {  	_ =	shalt  }
0x49: {  	_ =	shalt  }
0x4a: {  	_ =	shalt  }
0x4b: {  	_ =	shalt  }
0x4c: {  	_ =	shalt  }
0x4d: {  	_ =	shalt  }
0x4e: {  	_ =	shalt  }
0x4f: {  	_ =	shalt  }
0x50: {  	_ =	shalt  }
0x51: {  	_ =	shalt  }
0x52: {  	_ =	shalt  }
0x53: {  	_ =	shalt  }
0x54: {  	_ =	shalt  }
0x55: {  	_ =	shalt  }
0x56: {  	_ =	shalt  }
0x57: {  	_ =	shalt  }
0x58: {  	_ =	shalt  }
0x59: {  	_ =	shalt  }
0x5a: {  	_ =	shalt  }
0x5b: {  	_ =	shalt  }
0x5c: {  	_ =	shalt  }
0x5d: {  	_ =	shalt  }
0x5e: {  	_ =	shalt  }
0x5f: {  	_ =	shalt  }
0x60: {  	_ =	shalt  }
0x61: {  	_ =	shalt  }
0x62: {  	_ =	shalt  }
0x63: {  	_ =	shalt  }
0x64: {  	_ =	shalt  }
0x65: {  	_ =	shalt  }
0x66: {  	_ =	shalt  }
0x67: {  	_ =	shalt  }
0x68: {  	_ =	shalt  }
0x69: {  	_ =	shalt  }
0x6a: {  	_ =	shalt  }
0x6b: {  	_ =	shalt  }
0x6c: {  	_ =	shalt  }
0x6d: {  	_ =	shalt  }
0x6e: {  	_ =	shalt  }
0x6f: {  	_ =	shalt  }
0x70: {  	_ =	shalt  }
0x71: {  	_ =	shalt  }
0x72: {  	_ =	shalt  }
0x73: {  	_ =	shalt  }
0x74: {  	_ =	shalt  }
0x75: {  	_ =	shalt  }
0x76: {  	_ =	shalt  }
0x77: {  	_ =	shalt  }
0x78: {  	_ =	shalt  }
0x79: {  	_ =	shalt  }
0x7a: {  	_ =	shalt  }
0x7b: {  	_ =	shalt  }
0x7c: {  	_ =	shalt  }
0x7d: {  	_ =	shalt  }
0x7e: {  	_ =	shalt  }
0x7f: {  	_ =	shalt  }
0x80: {  	_ =	shalt  }
0x81: {  	_ =	shalt  }
0x82: {  	_ =	shalt  }
0x83: {  	_ =	shalt  }
0x84: {  	_ =	shalt  }
0x85: {  	_ =	shalt  }
0x86: {  	_ =	shalt  }
0x87: {  	_ =	shalt  }
.Lfunc_end0:
.L_simem_size_0:
called_computation_lowered:
.L_overlay_start_0:
0x88: {  	s0 =	sld [smem:$0x3FD9]  }
0x89: {  	s1 =	sld [smem:$0x3FFE];
	_ =	sdelay $0x3  }
0x8a: {  	s0 =	sadd.s32 s1, s0  }
0x8b: {  	[smem:$0x3FBB] =	sst s0  }
0x8c: {  	_ = 	snop  }
0x8d: {  	(tm) =	ssettm $0x1  }
0x8e: {  	s15 =	sld [smem:$0x3FFB];
	_ =	sdelay $0x3  }
0x8f: {  	_ =	strace s15  }
0x90: {  	s0 =	sld [smem:$0x3FFC];
	_ =	sdelay $0x3  }
0x91: {  	_ =	strace s0  }
0x92: {  	s0 =	sld [smem:$0x3FFD];
	_ =	sdelay $0x3  }
0x93: {  	_ =	strace s0  }
0x94: {  	_ =	strace $0x8FFFFFFF  }
0x95: {  	s16 =	sld [smem:$0x3FDB];
	_ =	sdelay $0x1  }
0x96: {  	s17 =	simm.s32 $_scs_section_size  }
0x97: {  	s2 =	simm.s32 $_size__tile_overlayer_lowered;
	s3 =	simm.s32 $_tile_overlayer_lowered  }
0x98: {  	s20 =	simm.s32 $0x1BFF;
	s19 =	sshll.u32 s3, $0x1;
	s0 =	sadd.s32 s17, s16  }
0x99: {  	s4 =	simm.s32 $0x0;
	s18 =	sshll.u32 s2, $0x1;
	s2 =	sadd.s32 s19, s0  }
0x9a: {  	[timem:s4], [sflag:s20] =	dma.local [hbm:s2], s18  }
0x9b: {  	_ =	swait.ge [sflag:s20], s18  }
0x9c: {  	s1 =	ssub.s32 $0x0, s18;
	[sflag:s20] =	ssyncset.done $0x0  }
0x9d: {  	[sflag:s20] =	ssyncadd.s32 s1;
	_ =	sdelay $0x1  }
0x9e: {  	s21 =	simm.s32 $0x1B8B  }
0x9f: {  	_ =	swait.ge [sflag:s21], $0x1  }
0xa0: {  	[sflag:s21] =	ssyncset.done $0x0  }
0xa1: {  	s23 =	simm.s32 $0x1B8E;
	s22 =	sld [smem:$0x3FFE];
	[sflag:s21] =	ssyncadd.s32 $0xFFFFFFFF  }
0xa2: {  	s24 =	simm.s32 $execute0_lowered;
	[smem:$0x3FD2] =	sst s23  }
0xa3: {  	s2 =	sshll.u32 s24, $0x1;
	_ =	strace $0x80000049;
	[dreg:$0x1] =	wrdreg $0xFFFFFFFF  }
0xa4: {  	s25 =	simm.s32 $_size_execute0_lowered;
	s0 =	sadd.s32 s0, s2;
	[dreg:$0x0] =	wrdreg $0x0  }
0xa5: {  	s2 =	sshll.u32 s25, $0x1;
	[dreg:$0x2] =	wrdreg s0  }
0xa6: {  	[dreg:$0x3] =	wrdreg s2  }
0xa7: {  	[dreg:$0x4] =	wrdreg $0xC0  }
0xa8: {  	_ =	task [dreg:s4], $0x5FFFF  }
0xa9: {  	[dreg:$0x1] =	wrdreg $0xFFFFFFFF  }
0xaa: {  	[dreg:$0x0] =	wrdreg $0x60  }
0xab: {  	[dreg:$0x2] =	wrdreg s22  }
0xac: {  	[dreg:$0x3] =	wrdreg $0x9  }
0xad: {  	_ =	task.clear_ibuf [dreg:s4], $0x4FFFF;
	_ =	strace $0x90000049  }
0xae: {  	s26 =	simm.s32 $0x9;
	_ =	strace $0x8000004B  }
0xaf: {  	_ =	swait.ge [sflag:s26], $0x1  }
0xb0: {  	[sflag:s26] =	ssyncadd.s32 $0xFFFFFFFF  }
0xb1: {  	_ =	strace $0x9000004B  }
0xb2: {  	_ =	sfence  }
0xb3: {  	s28 =	sld [smem:$0x0];
	_ =	sdelay $0x1  }
0xb4: {  	s29 =	srdreg.scid  }
0xb5: {  	s30 =	sshll.u32 s29, $0xD;
	s31 =	sshrl.u32 s29, $0x2  }
0xb6: {  	s1 =	sand.u32 $0x1, s29;
	s2 =	sand.u32 $0x4000, s30;
	s0 =	sadd.s32 s31, s28  }
0xb7: {  	s1 =	sor.u32 s2, s1;
	s0 =	sshll.u32 s0, $0x11  }
0xb8: {  	s0 =	sor.u32 s0, s1  }
0xb9: {  	s0 =	sadd.s32 $0x8F2B, s0  }
0xba: {  	[sflag:s0] =	ssyncadd.remote.s32 $0x1  }
0xbb: {  	_ =	sfence.sel $0xFFFF  }
0xbc: {  	[dreg:$0x0] =	wrdreg $0xFFFFFFFF;
	(pc) =	sbr.abs _section_cstart, $3  }
0xbd: {  	[dreg:$0x1] =	wrdreg $0xFFFFFFFF  }
0xbe: {  	_ =	task.clear_ibuf [dreg:s4], $0x2FFFF;
	_ =	strace $0x9FFFFFFF  }
0xbf: {  	(tm) =	ssettm $0x7FFFFFFF  }
tec
execute0_lowered:
.L_overlay_start_1:
0x0: {  	(tag) =	ssettag $0x1  }
0x1: {  	s0 =	stileid.u32  }
0x2: {  	s9 =	smul.u32 $0x9C40, s0  }
0x3: {  	s8 =	rddreg [dreg:$0x0];
	s2 =	simm.s32 $0x0  }
0x4: {  	[smem:$0x7FF] =	sst s2;
	s11 =	sadd.s32 $0x50E00, s8;
	s3 =	sshrl.u32 s9, $0x3  }
0x5: {  	s1 =	rddreg [dreg:$0x1];
	_ =	strace $0x8000004A;
	s3 =	sadd.s32 s11, s3  }
0x6: {  	[tilespmem:s2], [sflag:$0x4] =	stream.linear.gather [hbm4b:s3+s2], $0x190, $0x38;
	[tilespmem:$0x19200] =	vst v63  }
0x7: {  	s3 =	simm.s32 $0x4  }
0x8: {  	_ =	swait.ge [sflag:s3], $0x190  }
0x9: {  	s5 =	simm.s32 $0x190;
	s6 =	simm.s32 $0x200;
	[sflag:s3] =	ssyncset.done $0x0  }
0xa: {  	s7 =	simm.s32 $0x1;
	s4 =	sadd.s32 $0x29C00, s8;
	[sflag:s3] =	ssyncadd.s32 $0xFFFFFE70  }
0xb: {  	[tilespmem:s6], [sflag:$0x1] =	stream.indirect.gather [hbm4b:s4+s5], $0x80, s2, s5, $0xb8;
	[tilespmem:$0x19200] =	vst v63  }
0xc: {  	s10 =	smul.u32 $0x9C400, s0;
	_ =	swait.ge [sflag:s7], $0xC800  }
0xd: {  	s12 =	sadd.s32 $0xA3C000, s8;
	s13 =	sadd.s32 $0x190, s9;
	[sflag:s7] =	ssyncset.done $0x0  }
0xe: {  	s8 =	sadd.s32 s12, s10;
	s9 =	sshrl.u32 s13, $0x3;
	[sflag:s7] =	ssyncadd.s32 $0xFFFF3800  }
0xf: {  	[hbm4b:s8+s2] =	stream.linear.scatter [tilespmem:s6], [sflag:$0x2], $0xC800, $0x38;
	[tilespmem:$0x19200] =	vst v63  }
0x10: {  	s9 =	sadd.s32 s11, s9  }
0x11: {  	[tilespmem:s2], [sflag:$0x4] =	stream.linear.gather [hbm4b:s9+s2], $0x190, $0x38;
	[tilespmem:$0x19200] =	vst v63  }
0x12: {  	_ =	swait.ge [sflag:s3], $0x190  }
0x13: {  	[sflag:s3] =	ssyncset.done $0x0  }
0x14: {  	s9 =	simm.s32 $0xCA00;
	[sflag:s3] =	ssyncadd.s32 $0xFFFFFE70  }
0x15: {  	[tilespmem:s9], [sflag:$0x1] =	stream.indirect.gather [hbm4b:s4+s5], $0x80, s2, s5, $0xb8;
	[tilespmem:$0x19200] =	vst v63  }
0x16: {  	_ =	swait.ge [sflag:s7], $0xC800  }
0x17: {  	s28 =	sshll.u32 s13, $0x4;
	[sflag:s7] =	ssyncset.done $0x0  }
0x18: {  	s29 =	smul.u32 $0x1388, s0;
	s10 =	sadd.s32 s12, s28;
	[sflag:s7] =	ssyncadd.s32 $0xFFFF3800  }
0x19: {  	[hbm4b:s10+s2] =	stream.linear.scatter [tilespmem:s9], [sflag:$0x3], $0xC800, $0x38;
	[tilespmem:$0x19200] =	vst v63  }
0x1a: {  	s10 =	simm.s32 $0x2  }
0x1b: {  	s11 =	sadd.s32 s29, s11;
	_ =	swait.ge [sflag:s10], $0xC800  }
0x1c: {  	s30 =	sadd.s32 $0x96, s11;
	[sflag:s10] =	ssyncset.done $0x0  }
0x1d: {  	s11 =	sadd.s32 $0xFFFFFFCE, s30;
	[sflag:s10] =	ssyncadd.s32 $0xFFFF3800  }
0x1e: {  	[tilespmem:s2], [sflag:$0x4] =	stream.linear.gather [hbm4b:s11+s2], $0x190, $0x38;
	[tilespmem:$0x19200] =	vst v63  }
0x1f: {  	_ =	swait.ge [sflag:s3], $0x190  }
0x20: {  	[sflag:s3] =	ssyncset.done $0x0  }
0x21: {  	[sflag:s3] =	ssyncadd.s32 $0xFFFFFE70  }
0x22: {  	[tilespmem:s6], [sflag:$0x1] =	stream.indirect.gather [hbm4b:s4+s5], $0x80, s2, s5, $0xb8;
	[tilespmem:$0x19200] =	vst v63  }
0x23: {  	_ =	swait.ge [sflag:s7], $0xC800  }
0x24: {  	s14 =	sadd.s32 $0x0, s8;
	[sflag:s7] =	ssyncset.done $0x0  }
0x25: {  	s31 =	sadd.s32 $0x3200, s14;
	s11 =	simm.s32 $0x3;
	[sflag:s7] =	ssyncadd.s32 $0xFFFF3800  }
0x26: {  	[hbm4b:s31+s2] =	stream.linear.scatter [tilespmem:s6], [sflag:$0x2], $0xC800, $0x38;
	[tilespmem:$0x19200] =	vst v63  }
0x27: {  	_ =	swait.ge [sflag:s11], $0xC800  }
0x28: {  	[sflag:s11] =	ssyncset.done $0x0  }
0x29: {  	[sflag:s11] =	ssyncadd.s32 $0xFFFF3800  }
0x2a: {  	[tilespmem:s2], [sflag:$0x4] =	stream.linear.gather [hbm4b:s30+s2], $0x190, $0x38;
	[tilespmem:$0x19200] =	vst v63  }
0x2b: {  	_ =	swait.ge [sflag:s3], $0x190  }
0x2c: {  	[sflag:s3] =	ssyncset.done $0x0  }
0x2d: {  	[sflag:s3] =	ssyncadd.s32 $0xFFFFFE70  }
0x2e: {  	[tilespmem:s9], [sflag:$0x1] =	stream.indirect.gather [hbm4b:s4+s5], $0x80, s2, s5, $0xb8;
	[tilespmem:$0x19200] =	vst v63  }
0x2f: {  	_ =	swait.ge [sflag:s7], $0xC800  }
0x30: {  	s12 =	simm.s32 $0x3200;
	[sflag:s7] =	ssyncset.done $0x0  }
0x31: {  	s14 =	sadd.s32 $0x4B00, s14;
	s13 =	sadd.s32 $0x64, s30;
	[sflag:s7] =	ssyncadd.s32 $0xFFFF3800  }
.LBB2_1:
0x32: {  	[hbm4b:s14+s2] =	stream.linear.scatter [tilespmem:s9], [sflag:$0x3], $0xC800, $0x38;
	[tilespmem:$0x19200] =	vst v63  }
0x33: {  	s14 =	smov.u32 s12  }
0x34: {  	p0 =	sne.s32 s12, $0x96000;
	s12 =	sadd.s32 $0x3200, s12;
	_ =	swait.ge [sflag:s10], $0xC800  }
0x35: {  	[sflag:s10] =	ssyncset.done $0x0  }
0x36: {  	s15 =	sadd.s32 $0xFFFFFFCE, s13;
	[sflag:s10] =	ssyncadd.s32 $0xFFFF3800  }
0x37: {  	[tilespmem:s2], [sflag:$0x4] =	stream.linear.gather [hbm4b:s15+s2], $0x190, $0x38;
	[tilespmem:$0x19200] =	vst v63  }
0x38: {  	_ =	swait.ge [sflag:s3], $0x190  }
0x39: {  	[sflag:s3] =	ssyncset.done $0x0  }
0x3a: {  	[sflag:s3] =	ssyncadd.s32 $0xFFFFFE70  }
0x3b: {  	[tilespmem:s6], [sflag:$0x1] =	stream.indirect.gather [hbm4b:s4+s5], $0x80, s2, s5, $0xb8;
	[tilespmem:$0x19200] =	vst v63  }
0x3c: {  	_ =	swait.ge [sflag:s7], $0xC800  }
0x3d: {  	s14 =	sadd.s32 s14, s8;
	[sflag:s7] =	ssyncset.done $0x0  }
0x3e: {  	s15 =	sadd.s32 $0x3200, s14;
	[sflag:s7] =	ssyncadd.s32 $0xFFFF3800  }
0x3f: {  	[hbm4b:s15+s2] =	stream.linear.scatter [tilespmem:s6], [sflag:$0x2], $0xC800, $0x38;
	[tilespmem:$0x19200] =	vst v63  }
0x40: {  	_ =	swait.ge [sflag:s11], $0xC800  }
0x41: {  	[sflag:s11] =	ssyncset.done $0x0  }
0x42: {  	[sflag:s11] =	ssyncadd.s32 $0xFFFF3800  }
0x43: {  	[tilespmem:s2], [sflag:$0x4] =	stream.linear.gather [hbm4b:s13+s2], $0x190, $0x38;
	[tilespmem:$0x19200] =	vst v63  }
0x44: {  	_ =	swait.ge [sflag:s3], $0x190  }
0x45: {  	[sflag:s3] =	ssyncset.done $0x0  }
.Ltmp0:
0x46: {  	[sflag:s3] =	ssyncadd.s32 $0xFFFFFE70;
	(pc) =	sbr.rel @p0 .LBB2_1-.Ltmp0, $4  }
0x47: {  	[tilespmem:s9], [sflag:$0x1] =	stream.indirect.gather [hbm4b:s4+s5], $0x80, s2, s5, $0xb8;
	[tilespmem:$0x19200] =	vst v63  }
0x48: {  	_ =	swait.ge [sflag:s7], $0xC800  }
0x49: {  	[sflag:s7] =	ssyncset.done $0x0  }
0x4a: {  	s14 =	sadd.s32 $0x4B00, s14;
	s13 =	sadd.s32 $0x64, s13;
	[sflag:s7] =	ssyncadd.s32 $0xFFFF3800  }
0x4b: {  	[hbm4b:s14+s2] =	stream.linear.scatter [tilespmem:s9], [sflag:$0x3], $0xC800, $0x38;
	[tilespmem:$0x19200] =	vst v63  }
0x4c: {  	s30 =	simm.s32 $0x2  }
0x4d: {  	_ =	swait.ge [sflag:s30], $0xC800  }
0x4e: {  	[sflag:s30] =	ssyncset.done $0x0  }
0x4f: {  	s31 =	simm.s32 $0x3;
	[sflag:s30] =	ssyncadd.s32 $0xFFFF3800  }
0x50: {  	_ =	swait.ge [sflag:s31], $0xC800  }
0x51: {  	[sflag:s31] =	ssyncset.done $0x0  }
0x52: {  	[sflag:s31] =	ssyncadd.s32 $0xFFFF3800  }
0x53: {  	_ =	sfence.sel $0x180000  }
0x54: {  	[bflag:$0x0] =	sbarrier.arrive $0xFFFF  }
0x55: {  	p0 =	sne.s32 s0, $0x0;
	_ =	strace $0x9000004A  }
0x56: {  	s0 =	sadd.s32 @!p0 $0x100000, s1;
	[bflag:$0x2] =	sbarrier.arrive $0xFFFF  }
0x57: {  	[sflag:s0] =	ssyncadd.tile.s32 @!p0 $0x1;
	_ =	shalt  }
.Lfunc_end2:
_tile_overlayer_lowered:
.L_overlay_start_2:
0x58: {  	(tag) =	ssettag $0x2  }
0x59: {  	s0 =	rddreg [dreg:$0x0];
	s2 =	stileid.u32  }
0x5a: {  	s1 =	rddreg [dreg:$0x1];
	p0 =	sne.s32 s2, $0x0  }
0x5b: {  	s3 =	rddreg [dreg:$0x2];
	[bflag:$0x3] =	sbarrier.arrive $0xFFFF;
	s2 =	simm.s32 @!p0 $0x1C04  }
0x5c: {  	[timem:s3], [sflag:s2] =	dma.local @!p0 [hbm:s0], s1  }
0x5d: {  	s0 =	simm.s32 @!p0 $0x4  }
0x5e: {  	_ =	swait.ge @!p0 [sflag:s0], s1  }
0x5f: {  	s1 =	ssub.s32 @!p0 $0x0, s1;
	[sflag:s0] =	ssyncset.done @!p0 $0x0  }
0x60: {  	[sflag:s0] =	ssyncadd.s32 @!p0 s1  }
0x61: {  	[bflag:$0x3] =	sbarrier.arrive $0xFFFF  }
0x62: {  	_ =	shalt  }

// kernel: kernel.13.cloned.1.call-start
scs
__scs_entry_jumppad:
0x0: {  	(pc) =	sbr.rel $0x88, $3  }
0x1: {  	(tag) =	ssettag $0x0;
	lr =	simm.s32 $0x1  }
0x2: {  	[smem:$0x3F94] =	sst lr;
	_ =	strace $0xD0000000  }
0x3: {  	_ = 	snop  }
0x4: {  	_ = 	snop  }
0x5: {  	_ = 	snop  }
0x6: {  	_ = 	snop  }
0x7: {  	_ = 	snop  }
__scs_overlays_trampoline_lowered:
0x8: {  	[smem:$0x3FA3] =	sst s0  }
0x9: {  	[smem:$0x3FA4] =	sst s1  }
0xa: {  	[smem:$0x3FA5] =	sst s2  }
0xb: {  	[smem:$0x3FA6] =	sst s3  }
0xc: {  	[smem:$0x3FA7] =	sst s4  }
0xd: {  	[smem:$0x3FA8] =	sst s5  }
0xe: {  	[smem:$0x3FA9] =	sst s6  }
0xf: {  	[smem:$0x3FAA] =	sst s7  }
0x10: {  	[smem:$0x3FAB] =	sst s8  }
0x11: {  	[smem:$0x3FAC] =	sst s9;
	s0 =	simm.s32 @!p0 $0x0  }
0x12: {  	s1 =	sld [smem:$0x3F92];
	s0 =	simm.s32 @p0 $0x1  }
0x13: {  	[smem:$0x3FAD] =	sst s0;
	s0 =	simm.s32 @!p1 $0x0  }
0x14: {  	s2 =	sld [smem:$0x3F91];
	s0 =	simm.s32 @p1 $0x1  }
0x15: {  	[smem:$0x3FAE] =	sst s0;
	s0 =	simm.s32 @!p2 $0x0  }
0x16: {  	s3 =	sld [smem:$0x3FDB];
	s0 =	simm.s32 @p2 $0x1  }
0x17: {  	s4 =	simm.s32 $0x1BF5;
	[smem:$0x3FB0] =	sst s0  }
0x18: {  	s0 =	sld [smem:$0x3F93];
	_ =	swait.ge [sflag:s4], $0x0  }
0x19: {  	s7 =	sld [smem:$0x3F94]  }
0x1a: {  	s8 =	sadd.s32 $0xFFFFE003, lr  }
0x1b: {  	s9 =	sadd.s32 $0xFFFFFEF7, lr;
	s5 =	simm.s32 $0xFFFFFFFF;
	p2 =	slt.u32 s8, $0xFFFFF086  }
0x1c: {  	p1 =	slt.u32 s9, $0xF7A;
	s5 =	simm.s32 @!p2 $0x0  }
0x1d: {  	s5 =	simm.s32 @p1 $0x1;
	p0 =	seq.s32 s7, s2  }
0x1e: {  	s7 =	smul.u32 @!p0 $0xF7A, s2;
	p2 =	seq.s32 @!p0 s5, $0x0  }
0x1f: {  	s9 =	smul.u32 $0xF7A, s1;
	s8 =	simm.s32 @!p0 $0x1BF5;
	p2 =	por !p2, p0  }
0x20: {  	[sflag:s8] =	ssyncset.s32 @!p0 $0xFFFFF086;
	s6 =	sadd.s32 @!p0 s3, s7;
	s7 =	simm.s32 @!p0 $0x108  }
0x21: {  	s3 =	sadd.s32 s3, s9;
	s6 =	sadd.s32 @!p0 $0x88, s6;
	s7 =	simm.s32 @p2 $0x1082  }
0x22: {  	[simem:s7], [sflag:s8] =	dma.local @!p0 [hbm:s6], $0xF7A  }
0x23: {  	s9 =	sor.u32 $0xD0000000, s2;
	s6 =	simm.s32 $0x108;
	_ =	swait.ge @!p0 [sflag:s8], $0x0  }
0x24: {  	s3 =	sadd.s32 $0x88, s3;
	s6 =	simm.s32 @!p1 $0x1082;
	[sflag:s4] =	ssyncset.s32 $0xFFFFF086  }
0x25: {  	[simem:s6], [sflag:s4] =	dma.local [hbm:s3], $0xF7A  }
0x26: {  	[smem:$0x3F94] =	sst s1;
	(tag) =	ssettag s2;
	_ =	strace s9  }
0x27: {  	s1 =	sld [smem:$0x3FA4]  }
0x28: {  	s2 =	sld [smem:$0x3FA5]  }
0x29: {  	s4 =	sld [smem:$0x3FA7]  }
0x2a: {  	p0 =	seq.s32 s5, $0x0;
	s5 =	sld [smem:$0x3FA8]  }
0x2b: {  	s6 =	sld [smem:$0x3FA9]  }
0x2c: {  	s7 =	sld [smem:$0x3FAA]  }
0x2d: {  	s3 =	simm.s32 $0x108;
	s8 =	sld [smem:$0x3FAB]  }
0x2e: {  	s3 =	simm.s32 @!p0 $0x1082;
	s9 =	sld [smem:$0x3FAC]  }
0x2f: {  	lr =	sadd.s32 s0, s3;
	s0 =	sld [smem:$0x3FA3]  }
0x30: {  	s3 =	sld [smem:$0x3FA6]  }
0x31: {  	[smem:$0x3FAF] =	sst s10  }
0x32: {  	s10 =	sld [smem:$0x3FAD];
	_ =	sdelay $0x3  }
0x33: {  	p0 =	seq.s32 s10, $0x1;
	s10 =	sld [smem:$0x3FAF];
	_ =	sdelay $0x3  }
0x34: {  	[smem:$0x3FAF] =	sst s10  }
0x35: {  	s10 =	sld [smem:$0x3FAE];
	_ =	sdelay $0x3  }
0x36: {  	p1 =	seq.s32 s10, $0x1;
	s10 =	sld [smem:$0x3FAF];
	_ =	sdelay $0x3  }
0x37: {  	[smem:$0x3FAF] =	sst s10  }
0x38: {  	s10 =	sld [smem:$0x3FB0]  }
0x39: {  	_ = 	snop;
	(pc) =	sbr.ind lr, $3  }
0x3a: {  	_ = 	snop  }
0x3b: {  	_ = 	snop  }
0x3c: {  	p2 =	seq.s32 s10, $0x1;
	s10 =	sld [smem:$0x3FAF]  }
0x3d: {  	_ =	shalt  }
0x3e: {  	_ =	shalt  }
0x3f: {  	_ =	shalt  }
0x40: {  	_ =	shalt  }
0x41: {  	_ =	shalt  }
0x42: {  	_ =	shalt  }
0x43: {  	_ =	shalt  }
0x44: {  	_ =	shalt  }
0x45: {  	_ =	shalt  }
0x46: {  	_ =	shalt  }
0x47: {  	_ =	shalt  }
0x48: {  	_ =	shalt  }
0x49: {  	_ =	shalt  }
0x4a: {  	_ =	shalt  }
0x4b: {  	_ =	shalt  }
0x4c: {  	_ =	shalt  }
0x4d: {  	_ =	shalt  }
0x4e: {  	_ =	shalt  }
0x4f: {  	_ =	shalt  }
0x50: {  	_ =	shalt  }
0x51: {  	_ =	shalt  }
0x52: {  	_ =	shalt  }
0x53: {  	_ =	shalt  }
0x54: {  	_ =	shalt  }
0x55: {  	_ =	shalt  }
0x56: {  	_ =	shalt  }
0x57: {  	_ =	shalt  }
0x58: {  	_ =	shalt  }
0x59: {  	_ =	shalt  }
0x5a: {  	_ =	shalt  }
0x5b: {  	_ =	shalt  }
0x5c: {  	_ =	shalt  }
0x5d: {  	_ =	shalt  }
0x5e: {  	_ =	shalt  }
0x5f: {  	_ =	shalt  }
0x60: {  	_ =	shalt  }
0x61: {  	_ =	shalt  }
0x62: {  	_ =	shalt  }
0x63: {  	_ =	shalt  }
0x64: {  	_ =	shalt  }
0x65: {  	_ =	shalt  }
0x66: {  	_ =	shalt  }
0x67: {  	_ =	shalt  }
0x68: {  	_ =	shalt  }
0x69: {  	_ =	shalt  }
0x6a: {  	_ =	shalt  }
0x6b: {  	_ =	shalt  }
0x6c: {  	_ =	shalt  }
0x6d: {  	_ =	shalt  }
0x6e: {  	_ =	shalt  }
0x6f: {  	_ =	shalt  }
0x70: {  	_ =	shalt  }
0x71: {  	_ =	shalt  }
0x72: {  	_ =	shalt  }
0x73: {  	_ =	shalt  }
0x74: {  	_ =	shalt  }
0x75: {  	_ =	shalt  }
0x76: {  	_ =	shalt  }
0x77: {  	_ =	shalt  }
0x78: {  	_ =	shalt  }
0x79: {  	_ =	shalt  }
0x7a: {  	_ =	shalt  }
0x7b: {  	_ =	shalt  }
0x7c: {  	_ =	shalt  }
0x7d: {  	_ =	shalt  }
0x7e: {  	_ =	shalt  }
0x7f: {  	_ =	shalt  }
0x80: {  	_ =	shalt  }
0x81: {  	_ =	shalt  }
0x82: {  	_ =	shalt  }
0x83: {  	_ =	shalt  }
0x84: {  	_ =	shalt  }
0x85: {  	_ =	shalt  }
0x86: {  	_ =	shalt  }
0x87: {  	_ =	shalt  }
.Lfunc_end0:
.L_simem_size_0:
called_computation.1_lowered:
.L_overlay_start_0:
0x88: {  	s0 =	sld [smem:$0x3FD9]  }
0x89: {  	s1 =	sld [smem:$0x3FFE];
	_ =	sdelay $0x3  }
0x8a: {  	s0 =	sadd.s32 s1, s0  }
0x8b: {  	[smem:$0x3FBB] =	sst s0  }
0x8c: {  	_ = 	snop  }
0x8d: {  	(tm) =	ssettm $0x1  }
0x8e: {  	s15 =	sld [smem:$0x3FFB];
	_ =	sdelay $0x3  }
0x8f: {  	_ =	strace s15  }
0x90: {  	s0 =	sld [smem:$0x3FFC];
	_ =	sdelay $0x3  }
0x91: {  	_ =	strace s0  }
0x92: {  	s0 =	sld [smem:$0x3FFD];
	_ =	sdelay $0x3  }
0x93: {  	_ =	strace s0  }
0x94: {  	_ =	strace $0x8FFFFFFF  }
0x95: {  	s16 =	sld [smem:$0x3FDB];
	_ =	sdelay $0x1  }
0x96: {  	s17 =	simm.s32 $_scs_section_size  }
0x97: {  	s2 =	simm.s32 $_size__tile_overlayer_lowered;
	s3 =	simm.s32 $_tile_overlayer_lowered  }
0x98: {  	s20 =	simm.s32 $0x1BFF;
	s19 =	sshll.u32 s3, $0x1;
	s0 =	sadd.s32 s17, s16  }
0x99: {  	s4 =	simm.s32 $0x0;
	s18 =	sshll.u32 s2, $0x1;
	s2 =	sadd.s32 s19, s0  }
0x9a: {  	[timem:s4], [sflag:s20] =	dma.local [hbm:s2], s18  }
0x9b: {  	_ =	swait.ge [sflag:s20], s18  }
0x9c: {  	s1 =	ssub.s32 $0x0, s18;
	[sflag:s20] =	ssyncset.done $0x0  }
0x9d: {  	[sflag:s20] =	ssyncadd.s32 s1;
	_ =	sdelay $0x1  }
0x9e: {  	s21 =	simm.s32 $0x1B8B  }
0x9f: {  	_ =	swait.ge [sflag:s21], $0x1  }
0xa0: {  	[sflag:s21] =	ssyncset.done $0x0  }
0xa1: {  	s23 =	simm.s32 $0x1B8E;
	s22 =	sld [smem:$0x3FFE];
	[sflag:s21] =	ssyncadd.s32 $0xFFFFFFFF  }
0xa2: {  	s24 =	simm.s32 $execute0_lowered;
	[smem:$0x3FD2] =	sst s23  }
0xa3: {  	s2 =	sshll.u32 s24, $0x1;
	_ =	strace $0x80000046;
	[dreg:$0x1] =	wrdreg $0xFFFFFFFF  }
0xa4: {  	s25 =	simm.s32 $_size_execute0_lowered;
	s0 =	sadd.s32 s0, s2;
	[dreg:$0x0] =	wrdreg $0x0  }
0xa5: {  	s2 =	sshll.u32 s25, $0x1;
	[dreg:$0x2] =	wrdreg s0  }
0xa6: {  	[dreg:$0x3] =	wrdreg s2  }
0xa7: {  	[dreg:$0x4] =	wrdreg $0xC0  }
0xa8: {  	_ =	task [dreg:s4], $0x5FFFF  }
0xa9: {  	[dreg:$0x1] =	wrdreg $0xFFFFFFFF  }
0xaa: {  	[dreg:$0x0] =	wrdreg $0x60  }
0xab: {  	[dreg:$0x2] =	wrdreg s22  }
0xac: {  	[dreg:$0x3] =	wrdreg $0xA  }
0xad: {  	_ =	task.clear_ibuf [dreg:s4], $0x4FFFF;
	_ =	strace $0x90000046  }
0xae: {  	s26 =	simm.s32 $0xA;
	_ =	strace $0x80000048  }
0xaf: {  	_ =	swait.ge [sflag:s26], $0x1  }
0xb0: {  	[sflag:s26] =	ssyncadd.s32 $0xFFFFFFFF  }
0xb1: {  	_ =	strace $0x90000048  }
0xb2: {  	_ =	sfence  }
0xb3: {  	s28 =	sld [smem:$0x0];
	_ =	sdelay $0x1  }
0xb4: {  	s29 =	srdreg.scid  }
0xb5: {  	s30 =	sshll.u32 s29, $0xD;
	s31 =	sshrl.u32 s29, $0x2  }
0xb6: {  	s1 =	sand.u32 $0x1, s29;
	s2 =	sand.u32 $0x4000, s30;
	s0 =	sadd.s32 s31, s28  }
0xb7: {  	s1 =	sor.u32 s2, s1;
	s0 =	sshll.u32 s0, $0x11  }
0xb8: {  	s0 =	sor.u32 s0, s1  }
0xb9: {  	s0 =	sadd.s32 $0x8F2B, s0  }
0xba: {  	[sflag:s0] =	ssyncadd.remote.s32 $0x1  }
0xbb: {  	_ =	sfence.sel $0xFFFF  }
0xbc: {  	[dreg:$0x0] =	wrdreg $0xFFFFFFFF;
	(pc) =	sbr.abs _section_cstart, $3  }
0xbd: {  	[dreg:$0x1] =	wrdreg $0xFFFFFFFF  }
0xbe: {  	_ =	task.clear_ibuf [dreg:s4], $0x2FFFF;
	_ =	strace $0x9FFFFFFF  }
0xbf: {  	(tm) =	ssettm $0x7FFFFFFF  }
tec
execute0_lowered:
.L_overlay_start_1:
0x0: {  	(tag) =	ssettag $0x1  }
0x1: {  	s0 =	stileid.u32  }
0x2: {  	s3 =	smul.u32 $0x9C40, s0  }
0x3: {  	s8 =	rddreg [dreg:$0x0]  }
0x4: {  	s2 =	simm.s32 $0x0;
	s11 =	sadd.s32 $0x50E00, s8;
	s3 =	sshrl.u32 s3, $0x3  }
0x5: {  	[smem:$0x7FF] =	sst s2;
	s9 =	sadd.s32 s11, s3  }
0x6: {  	s1 =	rddreg [dreg:$0x1];
	_ =	strace $0x80000047;
	s3 =	sadd.s32 $0x13880, s9  }
0x7: {  	[tilespmem:s2], [sflag:$0x4] =	stream.linear.gather [hbm4b:s3+s2], $0x190, $0x38;
	[tilespmem:$0x19200] =	vst v63  }
0x8: {  	s3 =	simm.s32 $0x4  }
0x9: {  	s5 =	simm.s32 $0x190;
	_ =	swait.ge [sflag:s3], $0x190  }
0xa: {  	s6 =	simm.s32 $0x200;
	s7 =	simm.s32 $0x1;
	[sflag:s3] =	ssyncset.done $0x0  }
0xb: {  	s4 =	sadd.s32 $0x29C00, s8;
	s10 =	smul.u32 $0x9C400, s0;
	[sflag:s3] =	ssyncadd.s32 $0xFFFFFE70  }
0xc: {  	[tilespmem:s6], [sflag:$0x1] =	stream.indirect.gather [hbm4b:s4+s5], $0x80, s2, s5, $0xb8;
	[tilespmem:$0x19200] =	vst v63  }
0xd: {  	_ =	swait.ge [sflag:s7], $0xC800  }
0xe: {  	s8 =	sadd.s32 s10, s8;
	[sflag:s7] =	ssyncset.done $0x0  }
0xf: {  	s8 =	sadd.s32 $0x78000, s8;
	[sflag:s7] =	ssyncadd.s32 $0xFFFF3800  }
0x10: {  	[hbm4b:s8+s2] =	stream.linear.scatter [tilespmem:s6], [sflag:$0x2], $0xC800, $0x38;
	[tilespmem:$0x19200] =	vst v63  }
0x11: {  	s9 =	sadd.s32 $0x138B2, s9  }
0x12: {  	[tilespmem:s2], [sflag:$0x4] =	stream.linear.gather [hbm4b:s9+s2], $0x190, $0x38;
	[tilespmem:$0x19200] =	vst v63  }
0x13: {  	_ =	swait.ge [sflag:s3], $0x190  }
0x14: {  	[sflag:s3] =	ssyncset.done $0x0  }
0x15: {  	s9 =	simm.s32 $0xCA00;
	[sflag:s3] =	ssyncadd.s32 $0xFFFFFE70  }
0x16: {  	[tilespmem:s9], [sflag:$0x1] =	stream.indirect.gather [hbm4b:s4+s5], $0x80, s2, s5, $0xb8;
	[tilespmem:$0x19200] =	vst v63  }
0x17: {  	_ =	swait.ge [sflag:s7], $0xC800  }
0x18: {  	s12 =	smul.u32 $0x1388, s0;
	[sflag:s7] =	ssyncset.done $0x0  }
0x19: {  	s10 =	simm.s32 $0x2;
	s30 =	sadd.s32 $0x1900, s8;
	[sflag:s7] =	ssyncadd.s32 $0xFFFF3800  }
0x1a: {  	[hbm4b:s30+s2] =	stream.linear.scatter [tilespmem:s9], [sflag:$0x3], $0xC800, $0x38;
	[tilespmem:$0x19200] =	vst v63  }
0x1b: {  	s11 =	sadd.s32 s12, s11;
	_ =	swait.ge [sflag:s10], $0xC800  }
0x1c: {  	s13 =	sadd.s32 $0x13916, s11;
	[sflag:s10] =	ssyncset.done $0x0  }
0x1d: {  	s11 =	sadd.s32 $0xFFFFFFCE, s13;
	[sflag:s10] =	ssyncadd.s32 $0xFFFF3800  }
0x1e: {  	[tilespmem:s2], [sflag:$0x4] =	stream.linear.gather [hbm4b:s11+s2], $0x190, $0x38;
	[tilespmem:$0x19200] =	vst v63  }
0x1f: {  	_ =	swait.ge [sflag:s3], $0x190  }
0x20: {  	[sflag:s3] =	ssyncset.done $0x0  }
0x21: {  	[sflag:s3] =	ssyncadd.s32 $0xFFFFFE70  }
0x22: {  	[tilespmem:s6], [sflag:$0x1] =	stream.indirect.gather [hbm4b:s4+s5], $0x80, s2, s5, $0xb8;
	[tilespmem:$0x19200] =	vst v63  }
0x23: {  	_ =	swait.ge [sflag:s7], $0xC800  }
0x24: {  	s14 =	sadd.s32 $0x0, s8;
	[sflag:s7] =	ssyncset.done $0x0  }
0x25: {  	s31 =	sadd.s32 $0x3200, s14;
	s11 =	simm.s32 $0x3;
	[sflag:s7] =	ssyncadd.s32 $0xFFFF3800  }
0x26: {  	[hbm4b:s31+s2] =	stream.linear.scatter [tilespmem:s6], [sflag:$0x2], $0xC800, $0x38;
	[tilespmem:$0x19200] =	vst v63  }
0x27: {  	_ =	swait.ge [sflag:s11], $0xC800  }
0x28: {  	[sflag:s11] =	ssyncset.done $0x0  }
0x29: {  	[sflag:s11] =	ssyncadd.s32 $0xFFFF3800  }
0x2a: {  	[tilespmem:s2], [sflag:$0x4] =	stream.linear.gather [hbm4b:s13+s2], $0x190, $0x38;
	[tilespmem:$0x19200] =	vst v63  }
0x2b: {  	_ =	swait.ge [sflag:s3], $0x190  }
0x2c: {  	[sflag:s3] =	ssyncset.done $0x0  }
0x2d: {  	[sflag:s3] =	ssyncadd.s32 $0xFFFFFE70  }
0x2e: {  	[tilespmem:s9], [sflag:$0x1] =	stream.indirect.gather [hbm4b:s4+s5], $0x80, s2, s5, $0xb8;
	[tilespmem:$0x19200] =	vst v63  }
0x2f: {  	_ =	swait.ge [sflag:s7], $0xC800  }
0x30: {  	s12 =	simm.s32 $0x3200;
	[sflag:s7] =	ssyncset.done $0x0  }
0x31: {  	s14 =	sadd.s32 $0x4B00, s14;
	s13 =	sadd.s32 $0x64, s13;
	[sflag:s7] =	ssyncadd.s32 $0xFFFF3800  }
.LBB2_1:
0x32: {  	[hbm4b:s14+s2] =	stream.linear.scatter [tilespmem:s9], [sflag:$0x3], $0xC800, $0x38;
	[tilespmem:$0x19200] =	vst v63  }
0x33: {  	s14 =	smov.u32 s12  }
0x34: {  	p0 =	sne.s32 s12, $0x96000;
	s12 =	sadd.s32 $0x3200, s12;
	_ =	swait.ge [sflag:s10], $0xC800  }
0x35: {  	[sflag:s10] =	ssyncset.done $0x0  }
0x36: {  	s15 =	sadd.s32 $0xFFFFFFCE, s13;
	[sflag:s10] =	ssyncadd.s32 $0xFFFF3800  }
0x37: {  	[tilespmem:s2], [sflag:$0x4] =	stream.linear.gather [hbm4b:s15+s2], $0x190, $0x38;
	[tilespmem:$0x19200] =	vst v63  }
0x38: {  	_ =	swait.ge [sflag:s3], $0x190  }
0x39: {  	[sflag:s3] =	ssyncset.done $0x0  }
0x3a: {  	[sflag:s3] =	ssyncadd.s32 $0xFFFFFE70  }
0x3b: {  	[tilespmem:s6], [sflag:$0x1] =	stream.indirect.gather [hbm4b:s4+s5], $0x80, s2, s5, $0xb8;
	[tilespmem:$0x19200] =	vst v63  }
0x3c: {  	_ =	swait.ge [sflag:s7], $0xC800  }
0x3d: {  	s14 =	sadd.s32 s14, s8;
	[sflag:s7] =	ssyncset.done $0x0  }
0x3e: {  	s15 =	sadd.s32 $0x3200, s14;
	[sflag:s7] =	ssyncadd.s32 $0xFFFF3800  }
0x3f: {  	[hbm4b:s15+s2] =	stream.linear.scatter [tilespmem:s6], [sflag:$0x2], $0xC800, $0x38;
	[tilespmem:$0x19200] =	vst v63  }
0x40: {  	_ =	swait.ge [sflag:s11], $0xC800  }
0x41: {  	[sflag:s11] =	ssyncset.done $0x0  }
0x42: {  	[sflag:s11] =	ssyncadd.s32 $0xFFFF3800  }
0x43: {  	[tilespmem:s2], [sflag:$0x4] =	stream.linear.gather [hbm4b:s13+s2], $0x190, $0x38;
	[tilespmem:$0x19200] =	vst v63  }
0x44: {  	_ =	swait.ge [sflag:s3], $0x190  }
0x45: {  	[sflag:s3] =	ssyncset.done $0x0  }
.Ltmp0:
0x46: {  	[sflag:s3] =	ssyncadd.s32 $0xFFFFFE70;
	(pc) =	sbr.rel @p0 .LBB2_1-.Ltmp0, $4  }
0x47: {  	[tilespmem:s9], [sflag:$0x1] =	stream.indirect.gather [hbm4b:s4+s5], $0x80, s2, s5, $0xb8;
	[tilespmem:$0x19200] =	vst v63  }
0x48: {  	_ =	swait.ge [sflag:s7], $0xC800  }
0x49: {  	[sflag:s7] =	ssyncset.done $0x0  }
0x4a: {  	s14 =	sadd.s32 $0x4B00, s14;
	s13 =	sadd.s32 $0x64, s13;
	[sflag:s7] =	ssyncadd.s32 $0xFFFF3800  }
0x4b: {  	[hbm4b:s14+s2] =	stream.linear.scatter [tilespmem:s9], [sflag:$0x3], $0xC800, $0x38;
	[tilespmem:$0x19200] =	vst v63  }
0x4c: {  	s30 =	simm.s32 $0x2  }
0x4d: {  	_ =	swait.ge [sflag:s30], $0xC800  }
0x4e: {  	[sflag:s30] =	ssyncset.done $0x0  }
0x4f: {  	s31 =	simm.s32 $0x3;
	[sflag:s30] =	ssyncadd.s32 $0xFFFF3800  }
0x50: {  	_ =	swait.ge [sflag:s31], $0xC800  }
0x51: {  	[sflag:s31] =	ssyncset.done $0x0  }
0x52: {  	[sflag:s31] =	ssyncadd.s32 $0xFFFF3800  }
0x53: {  	_ =	sfence.sel $0x180000  }
0x54: {  	[bflag:$0x0] =	sbarrier.arrive $0xFFFF  }
0x55: {  	p0 =	sne.s32 s0, $0x0;
	_ =	strace $0x90000047  }
0x56: {  	s0 =	sadd.s32 @!p0 $0x100000, s1;
	[bflag:$0x2] =	sbarrier.arrive $0xFFFF  }
0x57: {  	[sflag:s0] =	ssyncadd.tile.s32 @!p0 $0x1;
	_ =	shalt  }
.Lfunc_end2:
_tile_overlayer_lowered:
.L_overlay_start_2:
0x58: {  	(tag) =	ssettag $0x2  }
0x59: {  	s0 =	rddreg [dreg:$0x0];
	s2 =	stileid.u32  }
0x5a: {  	s1 =	rddreg [dreg:$0x1];
	p0 =	sne.s32 s2, $0x0  }
0x5b: {  	s3 =	rddreg [dreg:$0x2];
	[bflag:$0x3] =	sbarrier.arrive $0xFFFF;
	s2 =	simm.s32 @!p0 $0x1C04  }
0x5c: {  	[timem:s3], [sflag:s2] =	dma.local @!p0 [hbm:s0], s1  }
0x5d: {  	s0 =	simm.s32 @!p0 $0x4  }
0x5e: {  	_ =	swait.ge @!p0 [sflag:s0], s1  }
0x5f: {  	s1 =	ssub.s32 @!p0 $0x0, s1;
	[sflag:s0] =	ssyncset.done @!p0 $0x0  }
0x60: {  	[sflag:s0] =	ssyncadd.s32 @!p0 s1  }
0x61: {  	[bflag:$0x3] =	sbarrier.arrive $0xFFFF  }
0x62: {  	_ =	shalt  }

// kernel: kernel.16.cloned.1.call-start
scs
__scs_entry_jumppad:
0x0: {  	(pc) =	sbr.rel $0x88, $3  }
0x1: {  	(tag) =	ssettag $0x0;
	lr =	simm.s32 $0x1  }
0x2: {  	[smem:$0x3F94] =	sst lr;
	_ =	strace $0xD0000000  }
0x3: {  	_ = 	snop  }
0x4: {  	_ = 	snop  }
0x5: {  	_ = 	snop  }
0x6: {  	_ = 	snop  }
0x7: {  	_ = 	snop  }
__scs_overlays_trampoline_lowered:
0x8: {  	[smem:$0x3FA3] =	sst s0  }
0x9: {  	[smem:$0x3FA4] =	sst s1  }
0xa: {  	[smem:$0x3FA5] =	sst s2  }
0xb: {  	[smem:$0x3FA6] =	sst s3  }
0xc: {  	[smem:$0x3FA7] =	sst s4  }
0xd: {  	[smem:$0x3FA8] =	sst s5  }
0xe: {  	[smem:$0x3FA9] =	sst s6  }
0xf: {  	[smem:$0x3FAA] =	sst s7  }
0x10: {  	[smem:$0x3FAB] =	sst s8  }
0x11: {  	[smem:$0x3FAC] =	sst s9;
	s0 =	simm.s32 @!p0 $0x0  }
0x12: {  	s1 =	sld [smem:$0x3F92];
	s0 =	simm.s32 @p0 $0x1  }
0x13: {  	[smem:$0x3FAD] =	sst s0;
	s0 =	simm.s32 @!p1 $0x0  }
0x14: {  	s2 =	sld [smem:$0x3F91];
	s0 =	simm.s32 @p1 $0x1  }
0x15: {  	[smem:$0x3FAE] =	sst s0;
	s0 =	simm.s32 @!p2 $0x0  }
0x16: {  	s3 =	sld [smem:$0x3FDB];
	s0 =	simm.s32 @p2 $0x1  }
0x17: {  	s4 =	simm.s32 $0x1BF5;
	[smem:$0x3FB0] =	sst s0  }
0x18: {  	s0 =	sld [smem:$0x3F93];
	_ =	swait.ge [sflag:s4], $0x0  }
0x19: {  	s7 =	sld [smem:$0x3F94]  }
0x1a: {  	s8 =	sadd.s32 $0xFFFFE003, lr  }
0x1b: {  	s9 =	sadd.s32 $0xFFFFFEF7, lr;
	s5 =	simm.s32 $0xFFFFFFFF;
	p2 =	slt.u32 s8, $0xFFFFF086  }
0x1c: {  	p1 =	slt.u32 s9, $0xF7A;
	s5 =	simm.s32 @!p2 $0x0  }
0x1d: {  	s5 =	simm.s32 @p1 $0x1;
	p0 =	seq.s32 s7, s2  }
0x1e: {  	s7 =	smul.u32 @!p0 $0xF7A, s2;
	p2 =	seq.s32 @!p0 s5, $0x0  }
0x1f: {  	s9 =	smul.u32 $0xF7A, s1;
	s8 =	simm.s32 @!p0 $0x1BF5;
	p2 =	por !p2, p0  }
0x20: {  	[sflag:s8] =	ssyncset.s32 @!p0 $0xFFFFF086;
	s6 =	sadd.s32 @!p0 s3, s7;
	s7 =	simm.s32 @!p0 $0x108  }
0x21: {  	s3 =	sadd.s32 s3, s9;
	s6 =	sadd.s32 @!p0 $0x88, s6;
	s7 =	simm.s32 @p2 $0x1082  }
0x22: {  	[simem:s7], [sflag:s8] =	dma.local @!p0 [hbm:s6], $0xF7A  }
0x23: {  	s9 =	sor.u32 $0xD0000000, s2;
	s6 =	simm.s32 $0x108;
	_ =	swait.ge @!p0 [sflag:s8], $0x0  }
0x24: {  	s3 =	sadd.s32 $0x88, s3;
	s6 =	simm.s32 @!p1 $0x1082;
	[sflag:s4] =	ssyncset.s32 $0xFFFFF086  }
0x25: {  	[simem:s6], [sflag:s4] =	dma.local [hbm:s3], $0xF7A  }
0x26: {  	[smem:$0x3F94] =	sst s1;
	(tag) =	ssettag s2;
	_ =	strace s9  }
0x27: {  	s1 =	sld [smem:$0x3FA4]  }
0x28: {  	s2 =	sld [smem:$0x3FA5]  }
0x29: {  	s4 =	sld [smem:$0x3FA7]  }
0x2a: {  	p0 =	seq.s32 s5, $0x0;
	s5 =	sld [smem:$0x3FA8]  }
0x2b: {  	s6 =	sld [smem:$0x3FA9]  }
0x2c: {  	s7 =	sld [smem:$0x3FAA]  }
0x2d: {  	s3 =	simm.s32 $0x108;
	s8 =	sld [smem:$0x3FAB]  }
0x2e: {  	s3 =	simm.s32 @!p0 $0x1082;
	s9 =	sld [smem:$0x3FAC]  }
0x2f: {  	lr =	sadd.s32 s0, s3;
	s0 =	sld [smem:$0x3FA3]  }
0x30: {  	s3 =	sld [smem:$0x3FA6]  }
0x31: {  	[smem:$0x3FAF] =	sst s10  }
0x32: {  	s10 =	sld [smem:$0x3FAD];
	_ =	sdelay $0x3  }
0x33: {  	p0 =	seq.s32 s10, $0x1;
	s10 =	sld [smem:$0x3FAF];
	_ =	sdelay $0x3  }
0x34: {  	[smem:$0x3FAF] =	sst s10  }
0x35: {  	s10 =	sld [smem:$0x3FAE];
	_ =	sdelay $0x3  }
0x36: {  	p1 =	seq.s32 s10, $0x1;
	s10 =	sld [smem:$0x3FAF];
	_ =	sdelay $0x3  }
0x37: {  	[smem:$0x3FAF] =	sst s10  }
0x38: {  	s10 =	sld [smem:$0x3FB0]  }
0x39: {  	_ = 	snop;
	(pc) =	sbr.ind lr, $3  }
0x3a: {  	_ = 	snop  }
0x3b: {  	_ = 	snop  }
0x3c: {  	p2 =	seq.s32 s10, $0x1;
	s10 =	sld [smem:$0x3FAF]  }
0x3d: {  	_ =	shalt  }
0x3e: {  	_ =	shalt  }
0x3f: {  	_ =	shalt  }
0x40: {  	_ =	shalt  }
0x41: {  	_ =	shalt  }
0x42: {  	_ =	shalt  }
0x43: {  	_ =	shalt  }
0x44: {  	_ =	shalt  }
0x45: {  	_ =	shalt  }
0x46: {  	_ =	shalt  }
0x47: {  	_ =	shalt  }
0x48: {  	_ =	shalt  }
0x49: {  	_ =	shalt  }
0x4a: {  	_ =	shalt  }
0x4b: {  	_ =	shalt  }
0x4c: {  	_ =	shalt  }
0x4d: {  	_ =	shalt  }
0x4e: {  	_ =	shalt  }
0x4f: {  	_ =	shalt  }
0x50: {  	_ =	shalt  }
0x51: {  	_ =	shalt  }
0x52: {  	_ =	shalt  }
0x53: {  	_ =	shalt  }
0x54: {  	_ =	shalt  }
0x55: {  	_ =	shalt  }
0x56: {  	_ =	shalt  }
0x57: {  	_ =	shalt  }
0x58: {  	_ =	shalt  }
0x59: {  	_ =	shalt  }
0x5a: {  	_ =	shalt  }
0x5b: {  	_ =	shalt  }
0x5c: {  	_ =	shalt  }
0x5d: {  	_ =	shalt  }
0x5e: {  	_ =	shalt  }
0x5f: {  	_ =	shalt  }
0x60: {  	_ =	shalt  }
0x61: {  	_ =	shalt  }
0x62: {  	_ =	shalt  }
0x63: {  	_ =	shalt  }
0x64: {  	_ =	shalt  }
0x65: {  	_ =	shalt  }
0x66: {  	_ =	shalt  }
0x67: {  	_ =	shalt  }
0x68: {  	_ =	shalt  }
0x69: {  	_ =	shalt  }
0x6a: {  	_ =	shalt  }
0x6b: {  	_ =	shalt  }
0x6c: {  	_ =	shalt  }
0x6d: {  	_ =	shalt  }
0x6e: {  	_ =	shalt  }
0x6f: {  	_ =	shalt  }
0x70: {  	_ =	shalt  }
0x71: {  	_ =	shalt  }
0x72: {  	_ =	shalt  }
0x73: {  	_ =	shalt  }
0x74: {  	_ =	shalt  }
0x75: {  	_ =	shalt  }
0x76: {  	_ =	shalt  }
0x77: {  	_ =	shalt  }
0x78: {  	_ =	shalt  }
0x79: {  	_ =	shalt  }
0x7a: {  	_ =	shalt  }
0x7b: {  	_ =	shalt  }
0x7c: {  	_ =	shalt  }
0x7d: {  	_ =	shalt  }
0x7e: {  	_ =	shalt  }
0x7f: {  	_ =	shalt  }
0x80: {  	_ =	shalt  }
0x81: {  	_ =	shalt  }
0x82: {  	_ =	shalt  }
0x83: {  	_ =	shalt  }
0x84: {  	_ =	shalt  }
0x85: {  	_ =	shalt  }
0x86: {  	_ =	shalt  }
0x87: {  	_ =	shalt  }
.Lfunc_end0:
.L_simem_size_0:
called_computation.2_lowered:
.L_overlay_start_0:
0x88: {  	s2 =	sld [smem:$0x3FD9]  }
0x89: {  	s3 =	sld [smem:$0x3FFE];
	_ =	sdelay $0x1  }
0x8a: {  	s1 =	srdreg.scid  }
0x8b: {  	s0 =	sand.u32 $0x1, s1  }
0x8c: {  	s17 =	sshll.u32 s0, $0xA;
	s2 =	sadd.s32 s3, s2  }
0x8d: {  	s2 =	sadd.s32 s2, s17  }
0x8e: {  	[smem:$0x3FBB] =	sst s2  }
0x8f: {  	_ = 	snop  }
0x90: {  	s2 =	sld [smem:$0x3FD0];
	(tm) =	ssettm $0x1  }
0x91: {  	s18 =	sld [smem:$0x3FFB];
	_ =	sdelay $0x3  }
0x92: {  	_ =	strace s18  }
0x93: {  	s3 =	sld [smem:$0x3FFC];
	_ =	sdelay $0x3  }
0x94: {  	_ =	strace s3  }
0x95: {  	s3 =	sld [smem:$0x3FFD];
	_ =	sdelay $0x3  }
0x96: {  	_ =	strace s3  }
0x97: {  	_ =	strace $0x8FFFFFFF  }
0x98: {  	s19 =	sld [smem:$0x3FDB];
	_ =	sdelay $0x1  }
0x99: {  	s4 =	simm.s32 $_scs_section_size  }
0x9a: {  	s5 =	simm.s32 $_size__tile_overlayer_lowered;
	s6 =	simm.s32 $_tile_overlayer_lowered  }
0x9b: {  	s22 =	simm.s32 $0x1BFF;
	s21 =	sshll.u32 s6, $0x1;
	s3 =	sadd.s32 s4, s19  }
0x9c: {  	s7 =	simm.s32 $0x0;
	s20 =	sshll.u32 s5, $0x1;
	s5 =	sadd.s32 s21, s3  }
0x9d: {  	[timem:s7], [sflag:s22] =	dma.local [hbm:s5], s20  }
0x9e: {  	_ =	swait.ge [sflag:s22], s20  }
0x9f: {  	s4 =	ssub.s32 $0x0, s20;
	[sflag:s22] =	ssyncset.done $0x0  }
0xa0: {  	[sflag:s22] =	ssyncadd.s32 s4;
	_ =	sdelay $0x1  }
0xa1: {  	s23 =	simm.s32 $0x1B8B  }
0xa2: {  	_ =	swait.ge [sflag:s23], $0x1  }
0xa3: {  	[sflag:s23] =	ssyncset.done $0x0  }
0xa4: {  	s25 =	simm.s32 $0x1B8E;
	s24 =	sld [smem:$0x3FFE];
	[sflag:s23] =	ssyncadd.s32 $0xFFFFFFFF  }
0xa5: {  	s26 =	simm.s32 $execute0_lowered;
	[smem:$0x3FD2] =	sst s25  }
0xa6: {  	s5 =	sshll.u32 s26, $0x1;
	_ =	strace $0x8000004C;
	[dreg:$0x1] =	wrdreg $0xFFFFFFFF  }
0xa7: {  	s28 =	simm.s32 $_size_execute0_lowered;
	s3 =	sadd.s32 s3, s5;
	[dreg:$0x0] =	wrdreg $0x0  }
0xa8: {  	s5 =	sshll.u32 s28, $0x1;
	[dreg:$0x2] =	wrdreg s3  }
0xa9: {  	[dreg:$0x3] =	wrdreg s5  }
0xaa: {  	[dreg:$0x4] =	wrdreg $0xC0  }
0xab: {  	_ =	task [dreg:s7], $0x5FFFF  }
0xac: {  	[dreg:$0x1] =	wrdreg $0xFFFFFFFF  }
0xad: {  	[dreg:$0x0] =	wrdreg $0x60  }
0xae: {  	[dreg:$0x2] =	wrdreg s24  }
0xaf: {  	[dreg:$0x3] =	wrdreg s2  }
0xb0: {  	[dreg:$0x4] =	wrdreg $0x10800  }
0xb1: {  	[dreg:$0x5] =	wrdreg $0x9  }
0xb2: {  	_ =	task.clear_ibuf [dreg:s7], $0x6FFFF;
	_ =	strace $0x9000004C  }
0xb3: {  	s29 =	simm.s32 $0x9;
	_ =	strace $0x8000004E  }
0xb4: {  	_ =	swait.ge [sflag:s29], $0x1  }
0xb5: {  	[sflag:s29] =	ssyncadd.s32 $0xFFFFFFFF  }
0xb6: {  	_ =	strace $0x9000004E  }
0xb7: {  	_ =	sfence  }
0xb8: {  	s30 =	sld [smem:$0x0];
	_ =	sdelay $0x2  }
0xb9: {  	s31 =	sshll.u32 s1, $0xD;
	s1 =	sshrl.u32 s1, $0x2  }
0xba: {  	s3 =	sand.u32 $0x4000, s31;
	s1 =	sadd.s32 s1, s30  }
0xbb: {  	s0 =	sor.u32 s3, s0;
	s1 =	sshll.u32 s1, $0x11  }
0xbc: {  	s0 =	sor.u32 s1, s0  }
0xbd: {  	s0 =	sadd.s32 $0x8F2B, s0  }
0xbe: {  	[sflag:s0] =	ssyncadd.remote.s32 $0x1  }
0xbf: {  	_ =	sfence.sel $0xFFFF  }
0xc0: {  	[dreg:$0x0] =	wrdreg $0xFFFFFFFF;
	(pc) =	sbr.abs _section_cstart, $3  }
0xc1: {  	[dreg:$0x1] =	wrdreg $0xFFFFFFFF  }
0xc2: {  	_ =	task.clear_ibuf [dreg:s7], $0x2FFFF;
	_ =	strace $0x9FFFFFFF  }
0xc3: {  	(tm) =	ssettm $0x7FFFFFFF  }
tec
execute0_lowered:
.L_overlay_start_1:
0x0: {  	(tag) =	ssettag $0x1  }
0x1: {  	s6 =	rddreg [dreg:$0x0]  }
0x2: {  	s14 =	rddreg [dreg:$0x1]  }
0x3: {  	s1 =	rddreg [dreg:$0x2]  }
0x4: {  	s0 =	rddreg [dreg:$0x3];
	s2 =	simm.s32 $0x0  }
0x5: {  	s3 =	srdreg.scid;
	s17 =	simm.s32 $0x800;
	s18 =	simm.s32 $0x7D0  }
0x6: {  	s19 =	simm.s32 $0x0;
	[smem:$0x7FF] =	sst s2;
	s8 =	sand.u32 $0x1, s3  }
0x7: {  	s3 =	stileid.u32;
	s4 =	sadd.s32 $0x29C00, s6;
	s5 =	sadd.s32 $0x278A000, s6  }
0x8: {  	s6 =	sadd.s32 $0x50E00, s6;
	_ =	strace $0x8000004D;
	s10 =	smul.u32 $0x3E80, s3  }
0x9: {  	s7 =	ssub.s32 $0x2, s8;
	s30 =	sshll.u32 s3, $0x1;
	s11 =	smul.u32 $0xFA0, s3  }
0xa: {  	s13 =	smul.u32 $0x9C40, s8;
	p0 =	sgt.u32 s3, $0x9;
	s9 =	sshrl.u32 s7, $0x1  }
0xb: {  	s12 =	sor.u32 s8, s30;
	s9 =	ssub.s32 s7, s9;
	s10 =	sshrl.u32 s10, $0x2  }
0xc: {  	s8 =	smul.u32 $0x9C40, s12;
	s15 =	sadd.s32 $0x7D0, s11;
	s31 =	sadd.s32 s13, s11  }
0xd: {  	s11 =	sadd.s32 s11, s1;
	s7 =	sadd.s32 s10, s1;
	s9 =	smax.u32 s9, $0x1  }
0xe: {  	s13 =	sadd.s32 s13, s15;
	s12 =	sshrl.u32 s31, $0x3;
	s10 =	sadd.s32 $0x7D0, s7  }
0xf: {  	s16 =	sshrl.u32 s13, $0x3;
	s12 =	sadd.s32 s14, s12;
	s13 =	sadd.s32 s15, s1  }
0x10: {  	v0 =	vimm.f32 $0.0e+00;
	s15 =	simm.s32 $0x1000;
	s14 =	sadd.s32 s14, s16;
	s16 =	simm.s32 $0x1  }
.LBB2_1:
0x11: {  	[tilespmem:s15], [sflag:$0x1] =	stream.linear.gather [hbm4b:s6+s2], $0x80, $0x38;
	[tilespmem:$0x1A48] =	vst v63  }
0x12: {  	_ =	swait.ge [sflag:s16], $0x80  }
0x13: {  	[sflag:s16] =	ssyncset.done $0x0  }
0x14: {  	[sflag:s16] =	ssyncadd.s32 $0xFFFFFF80  }
0x15: {  	s20 =	simm.s32 $0x40;
	s21 =	simm.s32 $0x0;
	v1 =	vld [tilespmem:$0x1000]  }
.LBB2_2:
0x16: {  	p1 =	sne.s32 s20, $0x1F00;
	[tilespmem:s21+$0x0] =	vst v0;
	s21 =	smov.u32 s20;
	s20 =	sadd.s32 $0x40, s20  }
.Ltmp0:
0x17: {  	(pc) =	sbr.rel @p1 .LBB2_2-.Ltmp0, $2  }
0x18: {  	_ =	sdelay $0x2  }
0x19: {  	s21 =	sshra.s32 s21, $0x2  }
0x1a: {  	[tilespmem:s21+$0x0] =	vst v0;
	s20 =	simm.s32 @!p0 $0x0;
	s21 =	simm.s32 @!p0 $0x1  }
0x1b: {  	[spmem:s7] =	stream.linear.scatter @!p0 [tilespmem:s20], [sflag:$0x1], $0x7D0, $0x38;
	[tilespmem:$0x1A48] =	vst v63  }
0x1c: {  	_ =	swait.ge @!p0 [sflag:s21], $0x7D0  }
0x1d: {  	[sflag:s21] =	ssyncset.done @!p0 $0x0  }
0x1e: {  	[sflag:s21] =	ssyncadd.s32 @!p0 $0xFFFFF830  }
0x1f: {  	[spmem:s10] =	stream.linear.scatter @!p0 [tilespmem:s20], [sflag:$0x1], $0x7D0, $0x38;
	[tilespmem:$0x1A48] =	vst v63  }
0x20: {  	_ =	swait.ge @!p0 [sflag:s21], $0x7D0  }
0x21: {  	[sflag:s21] =	ssyncset.done @!p0 $0x0  }
0x22: {  	[sflag:s21] =	ssyncadd.s32 @!p0 $0xFFFFF830  }
0x23: {  	s20 =	simm.s32 $0x0;
	s21 =	simm.s32 $0x0;
	[bflag:$0x0] =	sbarrier.arrive $0xFFFF  }
.LBB2_4:
0x24: {  	s22 =	smul.u32 $0x7D0, s21;
	_ =	sdelay $0x1  }
0x25: {  	s22 =	sadd.s32 s8, s22  }
0x26: {  	s22 =	sshrl.u32 s22, $0x3  }
0x27: {  	s23 =	sadd.s32 s4, s22  }
0x28: {  	[tilespmem:s20], [sflag:$0x1] =	stream.linear.gather [hbm4b:s23+s20], $0x7D0, $0x38;
	[tilespmem:$0x1A48] =	vst v63  }
0x29: {  	_ =	swait.ge [sflag:s16], $0x7D0  }
0x2a: {  	[sflag:s16] =	ssyncset.done $0x0  }
0x2b: {  	s22 =	sadd.s32 s5, s22;
	[sflag:s16] =	ssyncadd.s32 $0xFFFFF830  }
0x2c: {  	[tilespmem:s17], [sflag:$0x1] =	stream.linear.gather [hbm4b:s22+s20], $0x7D0, $0x38;
	[tilespmem:$0x1A48] =	vst v63  }
0x2d: {  	_ =	swait.ge [sflag:s16], $0x7D0  }
0x2e: {  	[sflag:s16] =	ssyncset.done $0x0  }
0x2f: {  	s23 =	simm.s32 $0x40;
	s22 =	simm.s32 $0x0;
	[sflag:s16] =	ssyncadd.s32 $0xFFFFF830  }
.LBB2_5:
0x30: {  	p1 =	sne.s32 s23, $0x1F00;
	v2 =	vld [tilespmem:s22+$0x0];
	_ =	sdelay $0x4  }
0x31: {  	v2 =	vsub.f32 v2, v1;
	_ =	sdelay $0x1  }
0x32: {  	v2 =	vmul.f32 $1.442695020e+00, v2;
	_ =	sdelay $0x1  }
0x33: {  	(erf) = vpow2.f32 v2;
	_ =	sdelay $0x5  }
.Ltmp1:
0x34: {  	(pc) =	sbr.rel @p1 .LBB2_5-.Ltmp1, $3  }
0x35: {  	_ =	sdelay $0x1  }
0x36: {  	v2 =	vpop (erf)  }
0x37: {  	[tilespmem:s22+$0x0] =	vst v2;
	s22 =	sshra.s32 s23, $0x2;
	s23 =	sadd.s32 $0x40, s23  }
0x38: {  	v2 =	vld [tilespmem:s22+$0x0];
	_ =	sdelay $0x4  }
0x39: {  	v2 =	vsub.f32 v2, v1;
	_ =	sdelay $0x1  }
0x3a: {  	v2 =	vmul.f32 $1.442695020e+00, v2;
	_ =	sdelay $0x1  }
0x3b: {  	(erf) = vpow2.f32 v2;
	_ =	sdelay $0x7  }
0x3c: {  	s21 =	sadd.s32 $0x1, s21  }
0x3d: {  	p1 =	sne.s32 s21, $0x14;
	v2 =	vpop (erf)  }
.Ltmp2:
0x3e: {  	[tilespmem:s22+$0x0] =	vst v2;
	(pc) =	sbr.rel @p1 .LBB2_4-.Ltmp2, $4  }
0x3f: {  	[spmem:s1] =	stream.indirect.scatter.add.f32 [tilespmem:s2], [sflag:$0x1], $0x1, s17, s18, $0xb8;
	[tilespmem:$0x1A48] =	vst v63  }
0x40: {  	_ =	swait.ge [sflag:s16], $0x7D0  }
0x41: {  	[sflag:s16] =	ssyncset.done $0x0  }
0x42: {  	[sflag:s16] =	ssyncadd.s32 $0xFFFFF830  }
0x43: {  	[bflag:$0x0] =	sbarrier.arrive $0xFFFF;
	s20 =	simm.s32 @!p0 $0x0;
	s21 =	simm.s32 @!p0 $0x1  }
0x44: {  	[tilespmem:s20], [sflag:$0x1] =	stream.linear.gather @!p0 [spmem:s11], $0x7D0, $0x38;
	[tilespmem:$0x1A48] =	vst v63  }
0x45: {  	_ =	swait.ge @!p0 [sflag:s21], $0x7D0  }
0x46: {  	[sflag:s21] =	ssyncset.done @!p0 $0x0  }
0x47: {  	[sflag:s21] =	ssyncadd.s32 @!p0 $0xFFFFF830  }
0x48: {  	[hbm4b:s12+s20] =	stream.linear.scatter @!p0 [tilespmem:s20], [sflag:$0x1], $0x7D0, $0x38;
	[tilespmem:$0x1A48] =	vst v63  }
0x49: {  	_ =	swait.ge @!p0 [sflag:s21], $0x7D0  }
0x4a: {  	[sflag:s21] =	ssyncset.done @!p0 $0x0  }
0x4b: {  	[sflag:s21] =	ssyncadd.s32 @!p0 $0xFFFFF830  }
0x4c: {  	[tilespmem:s20], [sflag:$0x1] =	stream.linear.gather @!p0 [spmem:s13], $0x7D0, $0x38;
	[tilespmem:$0x1A48] =	vst v63  }
0x4d: {  	s19 =	sadd.s32 $0x1, s19;
	_ =	swait.ge @!p0 [sflag:s21], $0x7D0  }
0x4e: {  	p1 =	sne.s32 s19, s9;
	[sflag:s21] =	ssyncset.done @!p0 $0x0  }
.Ltmp3:
0x4f: {  	[sflag:s21] =	ssyncadd.s32 @!p0 $0xFFFFF830;
	(pc) =	sbr.rel @p1 .LBB2_1-.Ltmp3, $4  }
0x50: {  	[hbm4b:s14+s20] =	stream.linear.scatter @!p0 [tilespmem:s20], [sflag:$0x1], $0x7D0, $0x38;
	[tilespmem:$0x1A48] =	vst v63  }
0x51: {  	_ =	swait.ge @!p0 [sflag:s21], $0x7D0  }
0x52: {  	[sflag:s21] =	ssyncset.done @!p0 $0x0  }
0x53: {  	[sflag:s21] =	ssyncadd.s32 @!p0 $0xFFFFF830  }
0x54: {  	_ =	sfence.sel $0x180000  }
0x55: {  	[bflag:$0x0] =	sbarrier.arrive $0xFFFF  }
0x56: {  	p0 =	sne.s32 s3, $0x0;
	_ =	strace $0x9000004D  }
0x57: {  	s0 =	sadd.s32 @!p0 $0x100000, s0;
	[bflag:$0x2] =	sbarrier.arrive $0xFFFF  }
0x58: {  	[sflag:s0] =	ssyncadd.tile.s32 @!p0 $0x1;
	_ =	shalt  }
.Lfunc_end2:
_tile_overlayer_lowered:
.L_overlay_start_2:
0x59: {  	(tag) =	ssettag $0x2  }
0x5a: {  	s0 =	rddreg [dreg:$0x0];
	s2 =	stileid.u32  }
0x5b: {  	s1 =	rddreg [dreg:$0x1];
	p0 =	sne.s32 s2, $0x0  }
0x5c: {  	s3 =	rddreg [dreg:$0x2];
	[bflag:$0x3] =	sbarrier.arrive $0xFFFF;
	s2 =	simm.s32 @!p0 $0x1C01  }
0x5d: {  	[timem:s3], [sflag:s2] =	dma.local @!p0 [hbm:s0], s1  }
0x5e: {  	s0 =	simm.s32 @!p0 $0x1  }
0x5f: {  	_ =	swait.ge @!p0 [sflag:s0], s1  }
0x60: {  	s1 =	ssub.s32 @!p0 $0x0, s1;
	[sflag:s0] =	ssyncset.done @!p0 $0x0  }
0x61: {  	[sflag:s0] =	ssyncadd.s32 @!p0 s1  }
0x62: {  	[bflag:$0x3] =	sbarrier.arrive $0xFFFF  }
0x63: {  	_ =	shalt  }

// kernel: kernel.19.cloned.1.call-start
scs
__scs_entry_jumppad:
0x0: {  	(pc) =	sbr.rel $0x88, $3  }
0x1: {  	(tag) =	ssettag $0x0;
	lr =	simm.s32 $0x1  }
0x2: {  	[smem:$0x3F94] =	sst lr;
	_ =	strace $0xD0000000  }
0x3: {  	_ = 	snop  }
0x4: {  	_ = 	snop  }
0x5: {  	_ = 	snop  }
0x6: {  	_ = 	snop  }
0x7: {  	_ = 	snop  }
__scs_overlays_trampoline_lowered:
0x8: {  	[smem:$0x3FA3] =	sst s0  }
0x9: {  	[smem:$0x3FA4] =	sst s1  }
0xa: {  	[smem:$0x3FA5] =	sst s2  }
0xb: {  	[smem:$0x3FA6] =	sst s3  }
0xc: {  	[smem:$0x3FA7] =	sst s4  }
0xd: {  	[smem:$0x3FA8] =	sst s5  }
0xe: {  	[smem:$0x3FA9] =	sst s6  }
0xf: {  	[smem:$0x3FAA] =	sst s7  }
0x10: {  	[smem:$0x3FAB] =	sst s8  }
0x11: {  	[smem:$0x3FAC] =	sst s9;
	s0 =	simm.s32 @!p0 $0x0  }
0x12: {  	s1 =	sld [smem:$0x3F92];
	s0 =	simm.s32 @p0 $0x1  }
0x13: {  	[smem:$0x3FAD] =	sst s0;
	s0 =	simm.s32 @!p1 $0x0  }
0x14: {  	s2 =	sld [smem:$0x3F91];
	s0 =	simm.s32 @p1 $0x1  }
0x15: {  	[smem:$0x3FAE] =	sst s0;
	s0 =	simm.s32 @!p2 $0x0  }
0x16: {  	s3 =	sld [smem:$0x3FDB];
	s0 =	simm.s32 @p2 $0x1  }
0x17: {  	s4 =	simm.s32 $0x1BF5;
	[smem:$0x3FB0] =	sst s0  }
0x18: {  	s0 =	sld [smem:$0x3F93];
	_ =	swait.ge [sflag:s4], $0x0  }
0x19: {  	s7 =	sld [smem:$0x3F94]  }
0x1a: {  	s8 =	sadd.s32 $0xFFFFE003, lr  }
0x1b: {  	s9 =	sadd.s32 $0xFFFFFEF7, lr;
	s5 =	simm.s32 $0xFFFFFFFF;
	p2 =	slt.u32 s8, $0xFFFFF086  }
0x1c: {  	p1 =	slt.u32 s9, $0xF7A;
	s5 =	simm.s32 @!p2 $0x0  }
0x1d: {  	s5 =	simm.s32 @p1 $0x1;
	p0 =	seq.s32 s7, s2  }
0x1e: {  	s7 =	smul.u32 @!p0 $0xF7A, s2;
	p2 =	seq.s32 @!p0 s5, $0x0  }
0x1f: {  	s9 =	smul.u32 $0xF7A, s1;
	s8 =	simm.s32 @!p0 $0x1BF5;
	p2 =	por !p2, p0  }
0x20: {  	[sflag:s8] =	ssyncset.s32 @!p0 $0xFFFFF086;
	s6 =	sadd.s32 @!p0 s3, s7;
	s7 =	simm.s32 @!p0 $0x108  }
0x21: {  	s3 =	sadd.s32 s3, s9;
	s6 =	sadd.s32 @!p0 $0x88, s6;
	s7 =	simm.s32 @p2 $0x1082  }
0x22: {  	[simem:s7], [sflag:s8] =	dma.local @!p0 [hbm:s6], $0xF7A  }
0x23: {  	s9 =	sor.u32 $0xD0000000, s2;
	s6 =	simm.s32 $0x108;
	_ =	swait.ge @!p0 [sflag:s8], $0x0  }
0x24: {  	s3 =	sadd.s32 $0x88, s3;
	s6 =	simm.s32 @!p1 $0x1082;
	[sflag:s4] =	ssyncset.s32 $0xFFFFF086  }
0x25: {  	[simem:s6], [sflag:s4] =	dma.local [hbm:s3], $0xF7A  }
0x26: {  	[smem:$0x3F94] =	sst s1;
	(tag) =	ssettag s2;
	_ =	strace s9  }
0x27: {  	s1 =	sld [smem:$0x3FA4]  }
0x28: {  	s2 =	sld [smem:$0x3FA5]  }
0x29: {  	s4 =	sld [smem:$0x3FA7]  }
0x2a: {  	p0 =	seq.s32 s5, $0x0;
	s5 =	sld [smem:$0x3FA8]  }
0x2b: {  	s6 =	sld [smem:$0x3FA9]  }
0x2c: {  	s7 =	sld [smem:$0x3FAA]  }
0x2d: {  	s3 =	simm.s32 $0x108;
	s8 =	sld [smem:$0x3FAB]  }
0x2e: {  	s3 =	simm.s32 @!p0 $0x1082;
	s9 =	sld [smem:$0x3FAC]  }
0x2f: {  	lr =	sadd.s32 s0, s3;
	s0 =	sld [smem:$0x3FA3]  }
0x30: {  	s3 =	sld [smem:$0x3FA6]  }
0x31: {  	[smem:$0x3FAF] =	sst s10  }
0x32: {  	s10 =	sld [smem:$0x3FAD];
	_ =	sdelay $0x3  }
0x33: {  	p0 =	seq.s32 s10, $0x1;
	s10 =	sld [smem:$0x3FAF];
	_ =	sdelay $0x3  }
0x34: {  	[smem:$0x3FAF] =	sst s10  }
0x35: {  	s10 =	sld [smem:$0x3FAE];
	_ =	sdelay $0x3  }
0x36: {  	p1 =	seq.s32 s10, $0x1;
	s10 =	sld [smem:$0x3FAF];
	_ =	sdelay $0x3  }
0x37: {  	[smem:$0x3FAF] =	sst s10  }
0x38: {  	s10 =	sld [smem:$0x3FB0]  }
0x39: {  	_ = 	snop;
	(pc) =	sbr.ind lr, $3  }
0x3a: {  	_ = 	snop  }
0x3b: {  	_ = 	snop  }
0x3c: {  	p2 =	seq.s32 s10, $0x1;
	s10 =	sld [smem:$0x3FAF]  }
0x3d: {  	_ =	shalt  }
0x3e: {  	_ =	shalt  }
0x3f: {  	_ =	shalt  }
0x40: {  	_ =	shalt  }
0x41: {  	_ =	shalt  }
0x42: {  	_ =	shalt  }
0x43: {  	_ =	shalt  }
0x44: {  	_ =	shalt  }
0x45: {  	_ =	shalt  }
0x46: {  	_ =	shalt  }
0x47: {  	_ =	shalt  }
0x48: {  	_ =	shalt  }
0x49: {  	_ =	shalt  }
0x4a: {  	_ =	shalt  }
0x4b: {  	_ =	shalt  }
0x4c: {  	_ =	shalt  }
0x4d: {  	_ =	shalt  }
0x4e: {  	_ =	shalt  }
0x4f: {  	_ =	shalt  }
0x50: {  	_ =	shalt  }
0x51: {  	_ =	shalt  }
0x52: {  	_ =	shalt  }
0x53: {  	_ =	shalt  }
0x54: {  	_ =	shalt  }
0x55: {  	_ =	shalt  }
0x56: {  	_ =	shalt  }
0x57: {  	_ =	shalt  }
0x58: {  	_ =	shalt  }
0x59: {  	_ =	shalt  }
0x5a: {  	_ =	shalt  }
0x5b: {  	_ =	shalt  }
0x5c: {  	_ =	shalt  }
0x5d: {  	_ =	shalt  }
0x5e: {  	_ =	shalt  }
0x5f: {  	_ =	shalt  }
0x60: {  	_ =	shalt  }
0x61: {  	_ =	shalt  }
0x62: {  	_ =	shalt  }
0x63: {  	_ =	shalt  }
0x64: {  	_ =	shalt  }
0x65: {  	_ =	shalt  }
0x66: {  	_ =	shalt  }
0x67: {  	_ =	shalt  }
0x68: {  	_ =	shalt  }
0x69: {  	_ =	shalt  }
0x6a: {  	_ =	shalt  }
0x6b: {  	_ =	shalt  }
0x6c: {  	_ =	shalt  }
0x6d: {  	_ =	shalt  }
0x6e: {  	_ =	shalt  }
0x6f: {  	_ =	shalt  }
0x70: {  	_ =	shalt  }
0x71: {  	_ =	shalt  }
0x72: {  	_ =	shalt  }
0x73: {  	_ =	shalt  }
0x74: {  	_ =	shalt  }
0x75: {  	_ =	shalt  }
0x76: {  	_ =	shalt  }
0x77: {  	_ =	shalt  }
0x78: {  	_ =	shalt  }
0x79: {  	_ =	shalt  }
0x7a: {  	_ =	shalt  }
0x7b: {  	_ =	shalt  }
0x7c: {  	_ =	shalt  }
0x7d: {  	_ =	shalt  }
0x7e: {  	_ =	shalt  }
0x7f: {  	_ =	shalt  }
0x80: {  	_ =	shalt  }
0x81: {  	_ =	shalt  }
0x82: {  	_ =	shalt  }
0x83: {  	_ =	shalt  }
0x84: {  	_ =	shalt  }
0x85: {  	_ =	shalt  }
0x86: {  	_ =	shalt  }
0x87: {  	_ =	shalt  }
.Lfunc_end0:
.L_simem_size_0:
called_computation.3_lowered:
.L_overlay_start_0:
0x88: {  	s2 =	sld [smem:$0x3FD9]  }
0x89: {  	s3 =	sld [smem:$0x3FFE];
	_ =	sdelay $0x1  }
0x8a: {  	s1 =	srdreg.scid  }
0x8b: {  	s0 =	sand.u32 $0x1, s1  }
0x8c: {  	s17 =	sshll.u32 s0, $0xA;
	s2 =	sadd.s32 s3, s2  }
0x8d: {  	s2 =	sadd.s32 s2, s17  }
0x8e: {  	[smem:$0x3FBB] =	sst s2  }
0x8f: {  	_ = 	snop  }
0x90: {  	s2 =	sld [smem:$0x3FD0];
	(tm) =	ssettm $0x1  }
0x91: {  	s18 =	sld [smem:$0x3FFB];
	_ =	sdelay $0x3  }
0x92: {  	_ =	strace s18  }
0x93: {  	s3 =	sld [smem:$0x3FFC];
	_ =	sdelay $0x3  }
0x94: {  	_ =	strace s3  }
0x95: {  	s3 =	sld [smem:$0x3FFD];
	_ =	sdelay $0x3  }
0x96: {  	_ =	strace s3  }
0x97: {  	_ =	strace $0x8FFFFFFF  }
0x98: {  	s19 =	sld [smem:$0x3FDB];
	_ =	sdelay $0x1  }
0x99: {  	s4 =	simm.s32 $_scs_section_size  }
0x9a: {  	s5 =	simm.s32 $_size__tile_overlayer_lowered;
	s6 =	simm.s32 $_tile_overlayer_lowered  }
0x9b: {  	s22 =	simm.s32 $0x1BFF;
	s21 =	sshll.u32 s6, $0x1;
	s3 =	sadd.s32 s4, s19  }
0x9c: {  	s7 =	simm.s32 $0x0;
	s20 =	sshll.u32 s5, $0x1;
	s5 =	sadd.s32 s21, s3  }
0x9d: {  	[timem:s7], [sflag:s22] =	dma.local [hbm:s5], s20  }
0x9e: {  	_ =	swait.ge [sflag:s22], s20  }
0x9f: {  	s4 =	ssub.s32 $0x0, s20;
	[sflag:s22] =	ssyncset.done $0x0  }
0xa0: {  	[sflag:s22] =	ssyncadd.s32 s4;
	_ =	sdelay $0x1  }
0xa1: {  	s23 =	simm.s32 $0x1B8B  }
0xa2: {  	_ =	swait.ge [sflag:s23], $0x1  }
0xa3: {  	[sflag:s23] =	ssyncset.done $0x0  }
0xa4: {  	s25 =	simm.s32 $0x1B8E;
	s24 =	sld [smem:$0x3FFE];
	[sflag:s23] =	ssyncadd.s32 $0xFFFFFFFF  }
0xa5: {  	s26 =	simm.s32 $execute0_lowered;
	[smem:$0x3FD2] =	sst s25  }
0xa6: {  	s5 =	sshll.u32 s26, $0x1;
	_ =	strace $0x8000004F;
	[dreg:$0x1] =	wrdreg $0xFFFFFFFF  }
0xa7: {  	s28 =	simm.s32 $_size_execute0_lowered;
	s3 =	sadd.s32 s3, s5;
	[dreg:$0x0] =	wrdreg $0x0  }
0xa8: {  	s5 =	sshll.u32 s28, $0x1;
	[dreg:$0x2] =	wrdreg s3  }
0xa9: {  	[dreg:$0x3] =	wrdreg s5  }
0xaa: {  	[dreg:$0x4] =	wrdreg $0xC0  }
0xab: {  	_ =	task [dreg:s7], $0x5FFFF  }
0xac: {  	[dreg:$0x1] =	wrdreg $0xFFFFFFFF  }
0xad: {  	[dreg:$0x0] =	wrdreg $0x60  }
0xae: {  	[dreg:$0x2] =	wrdreg s2  }
0xaf: {  	[dreg:$0x3] =	wrdreg s24  }
0xb0: {  	[dreg:$0x4] =	wrdreg $0x30000  }
0xb1: {  	[dreg:$0x5] =	wrdreg $0x9  }
0xb2: {  	_ =	task.clear_ibuf [dreg:s7], $0x6FFFF;
	_ =	strace $0x9000004F  }
0xb3: {  	s29 =	simm.s32 $0x9;
	_ =	strace $0x80000051  }
0xb4: {  	_ =	swait.ge [sflag:s29], $0x1  }
0xb5: {  	[sflag:s29] =	ssyncadd.s32 $0xFFFFFFFF  }
0xb6: {  	_ =	strace $0x90000051  }
0xb7: {  	_ =	sfence  }
0xb8: {  	s30 =	sld [smem:$0x0];
	_ =	sdelay $0x2  }
0xb9: {  	s31 =	sshll.u32 s1, $0xD;
	s1 =	sshrl.u32 s1, $0x2  }
0xba: {  	s3 =	sand.u32 $0x4000, s31;
	s1 =	sadd.s32 s1, s30  }
0xbb: {  	s0 =	sor.u32 s3, s0;
	s1 =	sshll.u32 s1, $0x11  }
0xbc: {  	s0 =	sor.u32 s1, s0  }
0xbd: {  	s0 =	sadd.s32 $0x8F2B, s0  }
0xbe: {  	[sflag:s0] =	ssyncadd.remote.s32 $0x1  }
0xbf: {  	_ =	sfence.sel $0xFFFF  }
0xc0: {  	[dreg:$0x0] =	wrdreg $0xFFFFFFFF;
	(pc) =	sbr.abs _section_cstart, $3  }
0xc1: {  	[dreg:$0x1] =	wrdreg $0xFFFFFFFF  }
0xc2: {  	_ =	task.clear_ibuf [dreg:s7], $0x2FFFF;
	_ =	strace $0x9FFFFFFF  }
0xc3: {  	(tm) =	ssettm $0x7FFFFFFF  }
tec
execute0_lowered:
.L_overlay_start_1:
0x0: {  	(tag) =	ssettag $0x1  }
0x1: {  	s4 =	rddreg [dreg:$0x0]  }
0x2: {  	s5 =	rddreg [dreg:$0x1]  }
0x3: {  	s1 =	srdreg.scid;
	s0 =	stileid.u32  }
0x4: {  	s2 =	rddreg [dreg:$0x2];
	s3 =	simm.s32 $0x0;
	s12 =	simm.s32 $0x2000  }
0x5: {  	s13 =	simm.s32 $0x7D0;
	s14 =	simm.s32 $0x2800;
	s15 =	simm.s32 $0x1  }
0x6: {  	s6 =	sand.u32 $0x1, s1;
	s7 =	smul.u32 $0x13880, s0;
	s1 =	rddreg [dreg:$0x3]  }
0x7: {  	s16 =	simm.s32 $0x0;
	[smem:$0x7FF] =	sst s3;
	s9 =	smul.u32 $0xFA0, s0  }
0x8: {  	p0 =	sgt.u32 s0, $0x9;
	s8 =	smul.u32 $0x9C40, s6;
	s6 =	ssub.s32 $0x2, s6  }
0x9: {  	_ =	strace $0x80000050;
	s30 =	sshrl.u32 s9, $0x3;
	s10 =	sshrl.u32 s6, $0x1  }
0xa: {  	s7 =	sadd.s32 s8, s7;
	s4 =	sadd.s32 s4, s30;
	s31 =	ssub.s32 s6, s10  }
0xb: {  	s6 =	sadd.s32 s9, s2;
	s10 =	simm.s32 $0x2;
	s7 =	sshrl.u32 s7, $0x3  }
0xc: {  	s11 =	sadd.s32 s7, s5;
	s5 =	sadd.s32 $0x1388, s4;
	s7 =	smax.u32 s31, $0x1  }
0xd: {  	s8 =	sadd.s32 $0x29C00, s11;
	s9 =	sadd.s32 $0x278A000, s11;
	s11 =	simm.s32 $0x1000  }
.LBB2_1:
.Ltmp0:
0xe: {  	(pc) =	sbr.rel @p0 .LBB2_5-.Ltmp0, $1  }
0xf: {  	_ =	sdelay $0x3  }
0x10: {  	s17 =	simm.s32 $0x0  }
0x11: {  	[tilespmem:s17], [sflag:$0x2] =	stream.linear.gather [hbm4b:s4+s17], $0xFA0, $0x38;
	[tilespmem:$0x39C8] =	vst v63  }
0x12: {  	_ =	swait.ge [sflag:s10], $0xFA0  }
0x13: {  	[sflag:s10] =	ssyncset.done $0x0  }
0x14: {  	[sflag:s10] =	ssyncadd.s32 $0xFFFFF060  }
0x15: {  	[tilespmem:s11], [sflag:$0x2] =	stream.linear.gather [hbm4b:s5+s17], $0xFA0, $0x38;
	[tilespmem:$0x39C8] =	vst v63  }
0x16: {  	_ =	swait.ge [sflag:s10], $0xFA0  }
0x17: {  	[sflag:s10] =	ssyncset.done $0x0  }
0x18: {  	s17 =	simm.s32 $0x0;
	[sflag:s10] =	ssyncadd.s32 $0xFFFFF060  }
0x19: {  	s18 =	simm.s32 $0x40;
	v0 =	vld [tilespmem:s17+$0x1000]  }
.LBB2_3:
0x1a: {  	p1 =	sne.s32 s18, $0x3E40;
	v1 =	vld [tilespmem:s17+$0x0];
	_ =	sdelay $0x2  }
.Ltmp1:
0x1b: {  	(pc) =	sbr.rel @p1 .LBB2_3-.Ltmp1, $4  }
0x1c: {  	_ = 	snop  }
0x1d: {  	v1 =	vadd.f32 v0, v1  }
0x1e: {  	s19 =	sshra.s32 s18, $0x2  }
0x1f: {  	s18 =	sadd.s32 $0x40, s18;
	v0 =	vld [tilespmem:s19+$0x1000];
	[tilespmem:s17+$0x0] =	vst v1;
	s17 =	smov.u32 s19  }
0x20: {  	v1 =	vld [tilespmem:s17+$0x0];
	_ =	sdelay $0x4  }
0x21: {  	v0 =	vadd.f32 v0, v1;
	_ =	sdelay $0x1  }
0x22: {  	[tilespmem:s17+$0x0] =	vst v0  }
0x23: {  	[spmem:s6] =	stream.linear.scatter [tilespmem:s3], [sflag:$0x2], $0xFA0, $0x38;
	[tilespmem:$0x39C8] =	vst v63  }
0x24: {  	_ =	swait.ge [sflag:s10], $0xFA0  }
0x25: {  	[sflag:s10] =	ssyncset.done $0x0  }
0x26: {  	[sflag:s10] =	ssyncadd.s32 $0xFFFFF060  }
.LBB2_5:
0x27: {  	[bflag:$0x0] =	sbarrier.arrive $0xFFFF;
	s17 =	sadd.s32 $0x0, s9  }
0x28: {  	[tilespmem:s12], [sflag:$0x2] =	stream.linear.gather [hbm4b:s17+s3], $0x7D0, $0x38;
	[tilespmem:$0x39C8] =	vst v63  }
0x29: {  	_ =	swait.ge [sflag:s10], $0x7D0  }
0x2a: {  	[sflag:s10] =	ssyncset.done $0x0  }
0x2b: {  	[sflag:s10] =	ssyncadd.s32 $0xFFFFF830  }
0x2c: {  	[tilespmem:s14], [sflag:$0x1] =	stream.indirect.gather [spmem:s2], $0x1, s12, s13, $0xb8;
	[tilespmem:$0x39C8] =	vst v63  }
0x2d: {  	_ =	swait.ge [sflag:s15], $0x7D0  }
0x2e: {  	[sflag:s15] =	ssyncset.done $0x0  }
0x2f: {  	s31 =	sadd.s32 $0x0, s8;
	[sflag:s15] =	ssyncadd.s32 $0xFFFFF830  }
0x30: {  	[hbm4b:s31+s3] =	stream.linear.scatter [tilespmem:s14], [sflag:$0x2], $0x7D0, $0x38;
	[tilespmem:$0x39C8] =	vst v63  }
0x31: {  	_ =	swait.ge [sflag:s10], $0x7D0  }
0x32: {  	s18 =	simm.s32 $0x1F4;
	s17 =	simm.s32 $0xFA;
	[sflag:s10] =	ssyncset.done $0x0  }
.LBB2_6:
0x33: {  	s19 =	sadd.s32 s17, s9  }
0x34: {  	[sflag:s10] =	ssyncadd.s32 $0xFFFFF830;
	s20 =	smov.u32 s18;
	s21 =	sadd.s32 $0xFA, s18  }
0x35: {  	[tilespmem:s12], [sflag:$0x2] =	stream.linear.gather [hbm4b:s19+s3], $0x7D0, $0x38;
	[tilespmem:$0x39C8] =	vst v63  }
0x36: {  	p1 =	sne.s32 s18, $0x128E;
	_ =	swait.ge [sflag:s10], $0x7D0  }
0x37: {  	[sflag:s10] =	ssyncset.done $0x0  }
0x38: {  	[sflag:s10] =	ssyncadd.s32 $0xFFFFF830  }
0x39: {  	[tilespmem:s14], [sflag:$0x1] =	stream.indirect.gather [spmem:s2], $0x1, s12, s13, $0xb8;
	[tilespmem:$0x39C8] =	vst v63  }
0x3a: {  	_ =	swait.ge [sflag:s15], $0x7D0  }
.Ltmp2:
0x3b: {  	[sflag:s15] =	ssyncset.done $0x0;
	(pc) =	sbr.rel @p1 .LBB2_6-.Ltmp2, $4  }
0x3c: {  	s18 =	sadd.s32 s17, s8;
	s17 =	smov.u32 s20;
	[sflag:s15] =	ssyncadd.s32 $0xFFFFF830  }
0x3d: {  	[hbm4b:s18+s3] =	stream.linear.scatter [tilespmem:s14], [sflag:$0x2], $0x7D0, $0x38;
	[tilespmem:$0x39C8] =	vst v63  }
0x3e: {  	_ =	swait.ge [sflag:s10], $0x7D0  }
0x3f: {  	s18 =	smov.u32 s21;
	[sflag:s10] =	ssyncset.done $0x0  }
0x40: {  	s18 =	sadd.s32 s17, s9;
	[sflag:s10] =	ssyncadd.s32 $0xFFFFF830  }
0x41: {  	[tilespmem:s12], [sflag:$0x2] =	stream.linear.gather [hbm4b:s18+s3], $0x7D0, $0x38;
	[tilespmem:$0x39C8] =	vst v63  }
0x42: {  	_ =	swait.ge [sflag:s10], $0x7D0  }
0x43: {  	[sflag:s10] =	ssyncset.done $0x0  }
0x44: {  	[sflag:s10] =	ssyncadd.s32 $0xFFFFF830  }
0x45: {  	[tilespmem:s14], [sflag:$0x1] =	stream.indirect.gather [spmem:s2], $0x1, s12, s13, $0xb8;
	[tilespmem:$0x39C8] =	vst v63  }
0x46: {  	s16 =	sadd.s32 $0x1, s16;
	_ =	swait.ge [sflag:s15], $0x7D0  }
0x47: {  	p1 =	sne.s32 s16, s7;
	[sflag:s15] =	ssyncset.done $0x0  }
.Ltmp3:
0x48: {  	s31 =	sadd.s32 s17, s8;
	[sflag:s15] =	ssyncadd.s32 $0xFFFFF830;
	(pc) =	sbr.rel @p1 .LBB2_1-.Ltmp3, $4  }
0x49: {  	[hbm4b:s31+s3] =	stream.linear.scatter [tilespmem:s14], [sflag:$0x2], $0x7D0, $0x38;
	[tilespmem:$0x39C8] =	vst v63  }
0x4a: {  	_ =	swait.ge [sflag:s10], $0x7D0  }
0x4b: {  	[sflag:s10] =	ssyncset.done $0x0  }
0x4c: {  	[sflag:s10] =	ssyncadd.s32 $0xFFFFF830  }
0x4d: {  	_ =	sfence.sel $0x180000  }
0x4e: {  	[bflag:$0x0] =	sbarrier.arrive $0xFFFF  }
0x4f: {  	p0 =	sne.s32 s0, $0x0;
	_ =	strace $0x90000050  }
0x50: {  	s0 =	sadd.s32 @!p0 $0x100000, s1;
	[bflag:$0x2] =	sbarrier.arrive $0xFFFF  }
0x51: {  	[sflag:s0] =	ssyncadd.tile.s32 @!p0 $0x1;
	_ =	shalt  }
.Lfunc_end2:
_tile_overlayer_lowered:
.L_overlay_start_2:
0x52: {  	(tag) =	ssettag $0x2  }
0x53: {  	s0 =	rddreg [dreg:$0x0];
	s2 =	stileid.u32  }
0x54: {  	s1 =	rddreg [dreg:$0x1];
	p0 =	sne.s32 s2, $0x0  }
0x55: {  	s3 =	rddreg [dreg:$0x2];
	[bflag:$0x3] =	sbarrier.arrive $0xFFFF;
	s2 =	simm.s32 @!p0 $0x1C02  }
0x56: {  	[timem:s3], [sflag:s2] =	dma.local @!p0 [hbm:s0], s1  }
0x57: {  	s0 =	simm.s32 @!p0 $0x2  }
0x58: {  	_ =	swait.ge @!p0 [sflag:s0], s1  }
0x59: {  	s1 =	ssub.s32 @!p0 $0x0, s1;
	[sflag:s0] =	ssyncset.done @!p0 $0x0  }
0x5a: {  	[sflag:s0] =	ssyncadd.s32 @!p0 s1  }
0x5b: {  	[bflag:$0x3] =	sbarrier.arrive $0xFFFF  }
0x5c: {  	_ =	shalt  }

// kernel: kernel.22.cloned.1.call-start
scs
__scs_entry_jumppad:
0x0: {  	(pc) =	sbr.rel $0x88, $3  }
0x1: {  	(tag) =	ssettag $0x0;
	lr =	simm.s32 $0x1  }
0x2: {  	[smem:$0x3F94] =	sst lr;
	_ =	strace $0xD0000000  }
0x3: {  	_ = 	snop  }
0x4: {  	_ = 	snop  }
0x5: {  	_ = 	snop  }
0x6: {  	_ = 	snop  }
0x7: {  	_ = 	snop  }
__scs_overlays_trampoline_lowered:
0x8: {  	[smem:$0x3FA3] =	sst s0  }
0x9: {  	[smem:$0x3FA4] =	sst s1  }
0xa: {  	[smem:$0x3FA5] =	sst s2  }
0xb: {  	[smem:$0x3FA6] =	sst s3  }
0xc: {  	[smem:$0x3FA7] =	sst s4  }
0xd: {  	[smem:$0x3FA8] =	sst s5  }
0xe: {  	[smem:$0x3FA9] =	sst s6  }
0xf: {  	[smem:$0x3FAA] =	sst s7  }
0x10: {  	[smem:$0x3FAB] =	sst s8  }
0x11: {  	[smem:$0x3FAC] =	sst s9;
	s0 =	simm.s32 @!p0 $0x0  }
0x12: {  	s1 =	sld [smem:$0x3F92];
	s0 =	simm.s32 @p0 $0x1  }
0x13: {  	[smem:$0x3FAD] =	sst s0;
	s0 =	simm.s32 @!p1 $0x0  }
0x14: {  	s2 =	sld [smem:$0x3F91];
	s0 =	simm.s32 @p1 $0x1  }
0x15: {  	[smem:$0x3FAE] =	sst s0;
	s0 =	simm.s32 @!p2 $0x0  }
0x16: {  	s3 =	sld [smem:$0x3FDB];
	s0 =	simm.s32 @p2 $0x1  }
0x17: {  	s4 =	simm.s32 $0x1BF5;
	[smem:$0x3FB0] =	sst s0  }
0x18: {  	s0 =	sld [smem:$0x3F93];
	_ =	swait.ge [sflag:s4], $0x0  }
0x19: {  	s7 =	sld [smem:$0x3F94]  }
0x1a: {  	s8 =	sadd.s32 $0xFFFFE003, lr  }
0x1b: {  	s9 =	sadd.s32 $0xFFFFFEF7, lr;
	s5 =	simm.s32 $0xFFFFFFFF;
	p2 =	slt.u32 s8, $0xFFFFF086  }
0x1c: {  	p1 =	slt.u32 s9, $0xF7A;
	s5 =	simm.s32 @!p2 $0x0  }
0x1d: {  	s5 =	simm.s32 @p1 $0x1;
	p0 =	seq.s32 s7, s2  }
0x1e: {  	s7 =	smul.u32 @!p0 $0xF7A, s2;
	p2 =	seq.s32 @!p0 s5, $0x0  }
0x1f: {  	s9 =	smul.u32 $0xF7A, s1;
	s8 =	simm.s32 @!p0 $0x1BF5;
	p2 =	por !p2, p0  }
0x20: {  	[sflag:s8] =	ssyncset.s32 @!p0 $0xFFFFF086;
	s6 =	sadd.s32 @!p0 s3, s7;
	s7 =	simm.s32 @!p0 $0x108  }
0x21: {  	s3 =	sadd.s32 s3, s9;
	s6 =	sadd.s32 @!p0 $0x88, s6;
	s7 =	simm.s32 @p2 $0x1082  }
0x22: {  	[simem:s7], [sflag:s8] =	dma.local @!p0 [hbm:s6], $0xF7A  }
0x23: {  	s9 =	sor.u32 $0xD0000000, s2;
	s6 =	simm.s32 $0x108;
	_ =	swait.ge @!p0 [sflag:s8], $0x0  }
0x24: {  	s3 =	sadd.s32 $0x88, s3;
	s6 =	simm.s32 @!p1 $0x1082;
	[sflag:s4] =	ssyncset.s32 $0xFFFFF086  }
0x25: {  	[simem:s6], [sflag:s4] =	dma.local [hbm:s3], $0xF7A  }
0x26: {  	[smem:$0x3F94] =	sst s1;
	(tag) =	ssettag s2;
	_ =	strace s9  }
0x27: {  	s1 =	sld [smem:$0x3FA4]  }
0x28: {  	s2 =	sld [smem:$0x3FA5]  }
0x29: {  	s4 =	sld [smem:$0x3FA7]  }
0x2a: {  	p0 =	seq.s32 s5, $0x0;
	s5 =	sld [smem:$0x3FA8]  }
0x2b: {  	s6 =	sld [smem:$0x3FA9]  }
0x2c: {  	s7 =	sld [smem:$0x3FAA]  }
0x2d: {  	s3 =	simm.s32 $0x108;
	s8 =	sld [smem:$0x3FAB]  }
0x2e: {  	s3 =	simm.s32 @!p0 $0x1082;
	s9 =	sld [smem:$0x3FAC]  }
0x2f: {  	lr =	sadd.s32 s0, s3;
	s0 =	sld [smem:$0x3FA3]  }
0x30: {  	s3 =	sld [smem:$0x3FA6]  }
0x31: {  	[smem:$0x3FAF] =	sst s10  }
0x32: {  	s10 =	sld [smem:$0x3FAD];
	_ =	sdelay $0x3  }
0x33: {  	p0 =	seq.s32 s10, $0x1;
	s10 =	sld [smem:$0x3FAF];
	_ =	sdelay $0x3  }
0x34: {  	[smem:$0x3FAF] =	sst s10  }
0x35: {  	s10 =	sld [smem:$0x3FAE];
	_ =	sdelay $0x3  }
0x36: {  	p1 =	seq.s32 s10, $0x1;
	s10 =	sld [smem:$0x3FAF];
	_ =	sdelay $0x3  }
0x37: {  	[smem:$0x3FAF] =	sst s10  }
0x38: {  	s10 =	sld [smem:$0x3FB0]  }
0x39: {  	_ = 	snop;
	(pc) =	sbr.ind lr, $3  }
0x3a: {  	_ = 	snop  }
0x3b: {  	_ = 	snop  }
0x3c: {  	p2 =	seq.s32 s10, $0x1;
	s10 =	sld [smem:$0x3FAF]  }
0x3d: {  	_ =	shalt  }
0x3e: {  	_ =	shalt  }
0x3f: {  	_ =	shalt  }
0x40: {  	_ =	shalt  }
0x41: {  	_ =	shalt  }
0x42: {  	_ =	shalt  }
0x43: {  	_ =	shalt  }
0x44: {  	_ =	shalt  }
0x45: {  	_ =	shalt  }
0x46: {  	_ =	shalt  }
0x47: {  	_ =	shalt  }
0x48: {  	_ =	shalt  }
0x49: {  	_ =	shalt  }
0x4a: {  	_ =	shalt  }
0x4b: {  	_ =	shalt  }
0x4c: {  	_ =	shalt  }
0x4d: {  	_ =	shalt  }
0x4e: {  	_ =	shalt  }
0x4f: {  	_ =	shalt  }
0x50: {  	_ =	shalt  }
0x51: {  	_ =	shalt  }
0x52: {  	_ =	shalt  }
0x53: {  	_ =	shalt  }
0x54: {  	_ =	shalt  }
0x55: {  	_ =	shalt  }
0x56: {  	_ =	shalt  }
0x57: {  	_ =	shalt  }
0x58: {  	_ =	shalt  }
0x59: {  	_ =	shalt  }
0x5a: {  	_ =	shalt  }
0x5b: {  	_ =	shalt  }
0x5c: {  	_ =	shalt  }
0x5d: {  	_ =	shalt  }
0x5e: {  	_ =	shalt  }
0x5f: {  	_ =	shalt  }
0x60: {  	_ =	shalt  }
0x61: {  	_ =	shalt  }
0x62: {  	_ =	shalt  }
0x63: {  	_ =	shalt  }
0x64: {  	_ =	shalt  }
0x65: {  	_ =	shalt  }
0x66: {  	_ =	shalt  }
0x67: {  	_ =	shalt  }
0x68: {  	_ =	shalt  }
0x69: {  	_ =	shalt  }
0x6a: {  	_ =	shalt  }
0x6b: {  	_ =	shalt  }
0x6c: {  	_ =	shalt  }
0x6d: {  	_ =	shalt  }
0x6e: {  	_ =	shalt  }
0x6f: {  	_ =	shalt  }
0x70: {  	_ =	shalt  }
0x71: {  	_ =	shalt  }
0x72: {  	_ =	shalt  }
0x73: {  	_ =	shalt  }
0x74: {  	_ =	shalt  }
0x75: {  	_ =	shalt  }
0x76: {  	_ =	shalt  }
0x77: {  	_ =	shalt  }
0x78: {  	_ =	shalt  }
0x79: {  	_ =	shalt  }
0x7a: {  	_ =	shalt  }
0x7b: {  	_ =	shalt  }
0x7c: {  	_ =	shalt  }
0x7d: {  	_ =	shalt  }
0x7e: {  	_ =	shalt  }
0x7f: {  	_ =	shalt  }
0x80: {  	_ =	shalt  }
0x81: {  	_ =	shalt  }
0x82: {  	_ =	shalt  }
0x83: {  	_ =	shalt  }
0x84: {  	_ =	shalt  }
0x85: {  	_ =	shalt  }
0x86: {  	_ =	shalt  }
0x87: {  	_ =	shalt  }
.Lfunc_end0:
.L_simem_size_0:
called_computation.4_lowered:
.L_overlay_start_0:
0x88: {  	s2 =	sld [smem:$0x3FD9]  }
0x89: {  	s3 =	sld [smem:$0x3FFE];
	_ =	sdelay $0x1  }
0x8a: {  	s1 =	srdreg.scid  }
0x8b: {  	s0 =	sand.u32 $0x1, s1  }
0x8c: {  	s17 =	sshll.u32 s0, $0xA;
	s2 =	sadd.s32 s3, s2  }
0x8d: {  	s2 =	sadd.s32 s2, s17  }
0x8e: {  	[smem:$0x3FBB] =	sst s2  }
0x8f: {  	_ = 	snop  }
0x90: {  	s2 =	sld [smem:$0x3FC8];
	(tm) =	ssettm $0x1  }
0x91: {  	s18 =	sld [smem:$0x3FFB];
	_ =	sdelay $0x3  }
0x92: {  	_ =	strace s18  }
0x93: {  	s3 =	sld [smem:$0x3FFC];
	_ =	sdelay $0x3  }
0x94: {  	_ =	strace s3  }
0x95: {  	s3 =	sld [smem:$0x3FFD];
	_ =	sdelay $0x3  }
0x96: {  	_ =	strace s3  }
0x97: {  	_ =	strace $0x8FFFFFFF  }
0x98: {  	s19 =	sld [smem:$0x3FDB];
	_ =	sdelay $0x1  }
0x99: {  	s4 =	simm.s32 $_scs_section_size  }
0x9a: {  	s5 =	simm.s32 $_size__tile_overlayer_lowered;
	s6 =	simm.s32 $_tile_overlayer_lowered  }
0x9b: {  	s22 =	simm.s32 $0x1BFF;
	s21 =	sshll.u32 s6, $0x1;
	s3 =	sadd.s32 s4, s19  }
0x9c: {  	s7 =	simm.s32 $0x0;
	s20 =	sshll.u32 s5, $0x1;
	s5 =	sadd.s32 s21, s3  }
0x9d: {  	[timem:s7], [sflag:s22] =	dma.local [hbm:s5], s20  }
0x9e: {  	_ =	swait.ge [sflag:s22], s20  }
0x9f: {  	s4 =	ssub.s32 $0x0, s20;
	[sflag:s22] =	ssyncset.done $0x0  }
0xa0: {  	[sflag:s22] =	ssyncadd.s32 s4;
	_ =	sdelay $0x1  }
0xa1: {  	s23 =	simm.s32 $0x1B8B  }
0xa2: {  	_ =	swait.ge [sflag:s23], $0x1  }
0xa3: {  	[sflag:s23] =	ssyncset.done $0x0  }
0xa4: {  	s25 =	simm.s32 $0x1B8E;
	s24 =	sld [smem:$0x3FFE];
	[sflag:s23] =	ssyncadd.s32 $0xFFFFFFFF  }
0xa5: {  	s26 =	simm.s32 $execute0_lowered;
	[smem:$0x3FD2] =	sst s25  }
0xa6: {  	s5 =	sshll.u32 s26, $0x1;
	_ =	strace $0x80000052;
	[dreg:$0x1] =	wrdreg $0xFFFFFFFF  }
0xa7: {  	s28 =	simm.s32 $_size_execute0_lowered;
	s3 =	sadd.s32 s3, s5;
	[dreg:$0x0] =	wrdreg $0x0  }
0xa8: {  	s5 =	sshll.u32 s28, $0x1;
	[dreg:$0x2] =	wrdreg s3  }
0xa9: {  	[dreg:$0x3] =	wrdreg s5  }
0xaa: {  	[dreg:$0x4] =	wrdreg $0xC0  }
0xab: {  	_ =	task [dreg:s7], $0x5FFFF  }
0xac: {  	[dreg:$0x1] =	wrdreg $0xFFFFFFFF  }
0xad: {  	[dreg:$0x0] =	wrdreg $0x60  }
0xae: {  	[dreg:$0x2] =	wrdreg s24  }
0xaf: {  	[dreg:$0x3] =	wrdreg s2  }
0xb0: {  	[dreg:$0x4] =	wrdreg $0x65000  }
0xb1: {  	[dreg:$0x5] =	wrdreg $0x9  }
0xb2: {  	_ =	task.clear_ibuf [dreg:s7], $0x6FFFF;
	_ =	strace $0x90000052  }
0xb3: {  	s29 =	simm.s32 $0x9;
	_ =	strace $0x80000054  }
0xb4: {  	_ =	swait.ge [sflag:s29], $0x1  }
0xb5: {  	[sflag:s29] =	ssyncadd.s32 $0xFFFFFFFF  }
0xb6: {  	_ =	strace $0x90000054  }
0xb7: {  	_ =	sfence  }
0xb8: {  	s30 =	sld [smem:$0x0];
	_ =	sdelay $0x2  }
0xb9: {  	s31 =	sshll.u32 s1, $0xD;
	s1 =	sshrl.u32 s1, $0x2  }
0xba: {  	s3 =	sand.u32 $0x4000, s31;
	s1 =	sadd.s32 s1, s30  }
0xbb: {  	s0 =	sor.u32 s3, s0;
	s1 =	sshll.u32 s1, $0x11  }
0xbc: {  	s0 =	sor.u32 s1, s0  }
0xbd: {  	s0 =	sadd.s32 $0x8F2B, s0  }
0xbe: {  	[sflag:s0] =	ssyncadd.remote.s32 $0x1  }
0xbf: {  	_ =	sfence.sel $0xFFFF  }
0xc0: {  	[dreg:$0x0] =	wrdreg $0xFFFFFFFF;
	(pc) =	sbr.abs _section_cstart, $3  }
0xc1: {  	[dreg:$0x1] =	wrdreg $0xFFFFFFFF  }
0xc2: {  	_ =	task.clear_ibuf [dreg:s7], $0x2FFFF;
	_ =	strace $0x9FFFFFFF  }
0xc3: {  	(tm) =	ssettm $0x7FFFFFFF  }
tec
execute0_lowered:
.L_overlay_start_1:
0x0: {  	(tag) =	ssettag $0x1  }
0x1: {  	s4 =	rddreg [dreg:$0x0]  }
0x2: {  	s17 =	rddreg [dreg:$0x1];
	s1 =	stileid.u32  }
0x3: {  	s2 =	rddreg [dreg:$0x2];
	s5 =	smul.u32 $0x4E200, s1  }
0x4: {  	s3 =	simm.s32 $0x0;
	s6 =	srdreg.scid;
	s24 =	smul.u32 $0x4E000, s1  }
0x5: {  	[smem:$0x7FF] =	sst s3;
	s13 =	smul.u32 $0x13800, s1  }
0x6: {  	s12 =	sand.u32 $0x1, s6;
	s16 =	sadd.s32 $0x29C00, s4;
	s21 =	smul.u32 $0x4E20, s1  }
0x7: {  	s0 =	rddreg [dreg:$0x3];
	s6 =	sadd.s32 $0x137400, s2;
	s14 =	smul.u32 $0x138800, s12  }
0x8: {  	p0 =	seq.s32 s1, $0xF;
	_ =	strace $0x80000053;
	s20 =	smul.u32 $0x27100, s12  }
0x9: {  	s25 =	ssub.s32 $0x2, s12;
	s23 =	smul.u32 $0x2710, s12;
	s15 =	sadd.s32 s5, s4  }
0xa: {  	s26 =	sshrl.u32 s25, $0x1;
	s5 =	sshrl.u32 s24, $0x2;
	s7 =	sadd.s32 $0x12C00, s13  }
0xb: {  	s18 =	sadd.s32 $0x6400, s13;
	s19 =	sadd.s32 $0xC800, s13;
	s10 =	ssub.s32 s25, s26  }
0xc: {  	s4 =	sadd.s32 s5, s2;
	s8 =	sadd.s32 s14, s7;
	s7 =	sadd.s32 s7, s2  }
0xd: {  	s9 =	sshrl.u32 s14, $0x3;
	s11 =	sadd.s32 s18, s2;
	s13 =	sadd.s32 s14, s13  }
0xe: {  	s18 =	sadd.s32 s14, s18;
	s22 =	sadd.s32 s14, s19;
	s12 =	sadd.s32 s19, s2  }
0xf: {  	s29 =	sadd.s32 s20, s15;
	s30 =	sadd.s32 s23, s21;
	s19 =	simm.s32 $0x6400  }
0x10: {  	s20 =	simm.s32 $0xC8;
	s21 =	simm.s32 $0x0;
	s5 =	sadd.s32 $0x12C00, s4  }
0x11: {  	s8 =	sshrl.u32 s8, $0x3;
	s9 =	sadd.s32 s16, s9;
	s10 =	smax.u32 s10, $0x1  }
0x12: {  	s13 =	sshrl.u32 s13, $0x3;
	s18 =	sshrl.u32 s18, $0x3;
	s28 =	sshrl.u32 s22, $0x3  }
0x13: {  	s31 =	sshrl.u32 s30, $0x3;
	s8 =	sadd.s32 s16, s8;
	s9 =	sadd.s32 $0x26E80, s9  }
0x14: {  	s13 =	sadd.s32 s16, s13;
	s14 =	sadd.s32 s16, s18;
	s15 =	sadd.s32 s16, s28  }
0x15: {  	v0 =	vimm.f32 $0.0e+00;
	s16 =	sadd.s32 $0x1DC6000, s29;
	s17 =	sadd.s32 s31, s17;
	s18 =	simm.s32 $0x1  }
.LBB2_1:
0x16: {  	s22 =	sand.u32 $0x1FE00, s3  }
0x17: {  	s23 =	sand.u32 $0x70, s3;
	s24 =	sshrl.u32 s22, $0x2  }
0x18: {  	s22 =	simm.s32 $0x40;
	s24 =	sor.u32 s23, s24;
	s23 =	simm.s32 $0x0  }
.LBB2_2:
0x19: {  	p1 =	sne.s32 s22, $0x18FC0  }
0x1a: {  	[tilespmem:s24+$0x0] =	vst v0;
	s23 =	sadd.s32 $0x10, s23;
	s24 =	smov.u32 s22;
	s22 =	sadd.s32 $0x40, s22  }
.Ltmp0:
0x1b: {  	(pc) =	sbr.rel @p1 .LBB2_2-.Ltmp0, $4  }
0x1c: {  	_ = 	snop  }
0x1d: {  	s24 =	sand.u32 $0x1FE00, s24  }
0x1e: {  	s25 =	sand.u32 $0x70, s23;
	s24 =	sshrl.u32 s24, $0x2  }
0x1f: {  	s24 =	sor.u32 s25, s24  }
0x20: {  	[tilespmem:s24+$0x0] =	vst v0  }
0x21: {  	[spmem:s4] =	stream.linear.scatter [tilespmem:s3], [sflag:$0x1], $0x6400, $0x38;
	[tilespmem:$0x19D80] =	vst v63  }
0x22: {  	_ =	swait.ge [sflag:s18], $0x6400  }
0x23: {  	[sflag:s18] =	ssyncset.done $0x0  }
0x24: {  	[sflag:s18] =	ssyncadd.s32 $0xFFFF9C00  }
0x25: {  	[spmem:s11] =	stream.linear.scatter [tilespmem:s3], [sflag:$0x1], $0x6400, $0x38;
	[tilespmem:$0x19D80] =	vst v63  }
0x26: {  	_ =	swait.ge [sflag:s18], $0x6400  }
0x27: {  	[sflag:s18] =	ssyncset.done $0x0  }
0x28: {  	[sflag:s18] =	ssyncadd.s32 $0xFFFF9C00  }
0x29: {  	[spmem:s12] =	stream.linear.scatter [tilespmem:s3], [sflag:$0x1], $0x6400, $0x38;
	[tilespmem:$0x19D80] =	vst v63  }
0x2a: {  	_ =	swait.ge [sflag:s18], $0x6400  }
0x2b: {  	[sflag:s18] =	ssyncset.done $0x0  }
0x2c: {  	s22 =	simm.s32 @p0 $0x0;
	[sflag:s18] =	ssyncadd.s32 $0xFFFF9C00  }
0x2d: {  	[spmem:s6] =	stream.linear.scatter @p0 [tilespmem:s22], [sflag:$0x1], $0x1400, $0x38;
	[tilespmem:$0x19D80] =	vst v63  }
0x2e: {  	s22 =	simm.s32 @p0 $0x1  }
0x2f: {  	_ =	swait.ge @p0 [sflag:s22], $0x1400  }
0x30: {  	[sflag:s22] =	ssyncset.done @p0 $0x0  }
0x31: {  	[sflag:s22] =	ssyncadd.s32 @p0 $0xFFFFEC00;
	s22 =	simm.s32 @!p0 $0x0  }
0x32: {  	[spmem:s5] =	stream.linear.scatter @!p0 [tilespmem:s22], [sflag:$0x1], $0xC00, $0x38;
	[tilespmem:$0x19D80] =	vst v63  }
0x33: {  	s22 =	simm.s32 @!p0 $0x1  }
0x34: {  	_ =	swait.ge @!p0 [sflag:s22], $0xC00  }
0x35: {  	[sflag:s22] =	ssyncset.done @!p0 $0x0  }
0x36: {  	[sflag:s22] =	ssyncadd.s32 @!p0 $0xFFFFF400  }
0x37: {  	[bflag:$0x0] =	sbarrier.arrive $0xFFFF  }
0x38: {  	[tilespmem:s3], [sflag:$0x1] =	stream.linear.gather [hbm4b:s16+s3], $0x6400, $0x38;
	[tilespmem:$0x19D80] =	vst v63  }
0x39: {  	_ =	swait.ge [sflag:s18], $0x6400  }
0x3a: {  	[sflag:s18] =	ssyncset.done $0x0  }
0x3b: {  	s31 =	sadd.s32 $0x0, s17;
	[sflag:s18] =	ssyncadd.s32 $0xFFFF9C00  }
0x3c: {  	[tilespmem:s19], [sflag:$0x1] =	stream.linear.gather [hbm4b:s31+s3], $0xC8, $0x38;
	[tilespmem:$0x19D80] =	vst v63  }
0x3d: {  	_ =	swait.ge [sflag:s18], $0xC8  }
0x3e: {  	[sflag:s18] =	ssyncset.done $0x0  }
0x3f: {  	[sflag:s18] =	ssyncadd.s32 $0xFFFFFF38  }
0x40: {  	[spmem:s2] =	stream.indirect.scatter.add.f32 [tilespmem:s3], [sflag:$0x1], $0x80, s19, s20, $0xb8;
	[tilespmem:$0x19D80] =	vst v63  }
0x41: {  	_ =	swait.ge [sflag:s18], $0x6400  }
0x42: {  	s23 =	smov.u32 s16;
	s22 =	simm.s32 $0x19;
	[sflag:s18] =	ssyncset.done $0x0  }
.LBB2_4:
0x43: {  	p1 =	sne.s32 s22, $0x4C9;
	[sflag:s18] =	ssyncadd.s32 $0xFFFF9C00;
	s23 =	sadd.s32 $0xC80, s23  }
0x44: {  	[tilespmem:s3], [sflag:$0x1] =	stream.linear.gather [hbm4b:s23+s3], $0x6400, $0x38;
	[tilespmem:$0x19D80] =	vst v63  }
0x45: {  	s24 =	smov.u32 s22;
	s22 =	sadd.s32 $0x19, s22;
	_ =	swait.ge [sflag:s18], $0x6400  }
0x46: {  	[sflag:s18] =	ssyncset.done $0x0  }
0x47: {  	s24 =	sadd.s32 s24, s17;
	[sflag:s18] =	ssyncadd.s32 $0xFFFF9C00  }
0x48: {  	[tilespmem:s19], [sflag:$0x1] =	stream.linear.gather [hbm4b:s24+s3], $0xC8, $0x38;
	[tilespmem:$0x19D80] =	vst v63  }
0x49: {  	_ =	swait.ge [sflag:s18], $0xC8  }
.Ltmp1:
0x4a: {  	[sflag:s18] =	ssyncset.done $0x0;
	(pc) =	sbr.rel @p1 .LBB2_4-.Ltmp1, $4  }
0x4b: {  	[sflag:s18] =	ssyncadd.s32 $0xFFFFFF38  }
0x4c: {  	[spmem:s2] =	stream.indirect.scatter.add.f32 [tilespmem:s3], [sflag:$0x1], $0x80, s19, s20, $0xb8;
	[tilespmem:$0x19D80] =	vst v63  }
0x4d: {  	_ =	swait.ge [sflag:s18], $0x6400  }
0x4e: {  	[sflag:s18] =	ssyncset.done $0x0  }
0x4f: {  	[sflag:s18] =	ssyncadd.s32 $0xFFFF9C00  }
0x50: {  	[bflag:$0x0] =	sbarrier.arrive $0xFFFF  }
0x51: {  	[tilespmem:s3], [sflag:$0x1] =	stream.linear.gather [spmem:s4], $0x6400, $0x38;
	[tilespmem:$0x19D80] =	vst v63  }
0x52: {  	_ =	swait.ge [sflag:s18], $0x6400  }
0x53: {  	[sflag:s18] =	ssyncset.done $0x0  }
0x54: {  	[sflag:s18] =	ssyncadd.s32 $0xFFFF9C00  }
0x55: {  	[hbm4b:s13+s3] =	stream.linear.scatter [tilespmem:s3], [sflag:$0x1], $0x6400, $0x38;
	[tilespmem:$0x19D80] =	vst v63  }
0x56: {  	_ =	swait.ge [sflag:s18], $0x6400  }
0x57: {  	[sflag:s18] =	ssyncset.done $0x0  }
0x58: {  	[sflag:s18] =	ssyncadd.s32 $0xFFFF9C00  }
0x59: {  	[tilespmem:s3], [sflag:$0x1] =	stream.linear.gather [spmem:s11], $0x6400, $0x38;
	[tilespmem:$0x19D80] =	vst v63  }
0x5a: {  	_ =	swait.ge [sflag:s18], $0x6400  }
0x5b: {  	[sflag:s18] =	ssyncset.done $0x0  }
0x5c: {  	[sflag:s18] =	ssyncadd.s32 $0xFFFF9C00  }
0x5d: {  	[hbm4b:s14+s3] =	stream.linear.scatter [tilespmem:s3], [sflag:$0x1], $0x6400, $0x38;
	[tilespmem:$0x19D80] =	vst v63  }
0x5e: {  	_ =	swait.ge [sflag:s18], $0x6400  }
0x5f: {  	[sflag:s18] =	ssyncset.done $0x0  }
0x60: {  	[sflag:s18] =	ssyncadd.s32 $0xFFFF9C00  }
0x61: {  	[tilespmem:s3], [sflag:$0x1] =	stream.linear.gather [spmem:s12], $0x6400, $0x38;
	[tilespmem:$0x19D80] =	vst v63  }
0x62: {  	_ =	swait.ge [sflag:s18], $0x6400  }
0x63: {  	[sflag:s18] =	ssyncset.done $0x0  }
0x64: {  	[sflag:s18] =	ssyncadd.s32 $0xFFFF9C00  }
0x65: {  	[hbm4b:s15+s3] =	stream.linear.scatter [tilespmem:s3], [sflag:$0x1], $0x6400, $0x38;
	[tilespmem:$0x19D80] =	vst v63  }
0x66: {  	_ =	swait.ge [sflag:s18], $0x6400  }
0x67: {  	[sflag:s18] =	ssyncset.done $0x0  }
0x68: {  	s22 =	simm.s32 @p0 $0x0;
	s23 =	simm.s32 @p0 $0x1;
	[sflag:s18] =	ssyncadd.s32 $0xFFFF9C00  }
0x69: {  	[tilespmem:s22], [sflag:$0x1] =	stream.linear.gather @p0 [spmem:s6], $0x1400, $0x38;
	[tilespmem:$0x19D80] =	vst v63  }
0x6a: {  	_ =	swait.ge @p0 [sflag:s23], $0x1400  }
0x6b: {  	[sflag:s23] =	ssyncset.done @p0 $0x0  }
0x6c: {  	[sflag:s23] =	ssyncadd.s32 @p0 $0xFFFFEC00  }
0x6d: {  	[hbm4b:s9+s22] =	stream.linear.scatter @p0 [tilespmem:s22], [sflag:$0x1], $0x1400, $0x38;
	[tilespmem:$0x19D80] =	vst v63  }
0x6e: {  	_ =	swait.ge @p0 [sflag:s23], $0x1400  }
0x6f: {  	[sflag:s23] =	ssyncset.done @p0 $0x0  }
0x70: {  	s22 =	simm.s32 @!p0 $0x0;
	[sflag:s23] =	ssyncadd.s32 @p0 $0xFFFFEC00;
	s23 =	simm.s32 @!p0 $0x1  }
0x71: {  	[tilespmem:s22], [sflag:$0x1] =	stream.linear.gather @!p0 [spmem:s7], $0xC00, $0x38;
	[tilespmem:$0x19D80] =	vst v63  }
0x72: {  	s21 =	sadd.s32 $0x1, s21;
	_ =	swait.ge @!p0 [sflag:s23], $0xC00  }
0x73: {  	p1 =	sne.s32 s21, s10;
	[sflag:s23] =	ssyncset.done @!p0 $0x0  }
.Ltmp2:
0x74: {  	[sflag:s23] =	ssyncadd.s32 @!p0 $0xFFFFF400;
	(pc) =	sbr.rel @p1 .LBB2_1-.Ltmp2, $4  }
0x75: {  	[hbm4b:s8+s22] =	stream.linear.scatter @!p0 [tilespmem:s22], [sflag:$0x1], $0xC00, $0x38;
	[tilespmem:$0x19D80] =	vst v63  }
0x76: {  	_ =	swait.ge @!p0 [sflag:s23], $0xC00  }
0x77: {  	[sflag:s23] =	ssyncset.done @!p0 $0x0  }
0x78: {  	[sflag:s23] =	ssyncadd.s32 @!p0 $0xFFFFF400  }
0x79: {  	_ =	sfence.sel $0x180000  }
0x7a: {  	[bflag:$0x0] =	sbarrier.arrive $0xFFFF  }
0x7b: {  	p0 =	sne.s32 s1, $0x0;
	_ =	strace $0x90000053  }
0x7c: {  	s0 =	sadd.s32 @!p0 $0x100000, s0;
	[bflag:$0x2] =	sbarrier.arrive $0xFFFF  }
0x7d: {  	[sflag:s0] =	ssyncadd.tile.s32 @!p0 $0x1;
	_ =	shalt  }
.Lfunc_end2:
_tile_overlayer_lowered:
.L_overlay_start_2:
0x7e: {  	(tag) =	ssettag $0x2  }
0x7f: {  	s0 =	rddreg [dreg:$0x0];
	s2 =	stileid.u32  }
0x80: {  	s1 =	rddreg [dreg:$0x1];
	p0 =	sne.s32 s2, $0x0  }
0x81: {  	s3 =	rddreg [dreg:$0x2];
	[bflag:$0x3] =	sbarrier.arrive $0xFFFF;
	s2 =	simm.s32 @!p0 $0x1C01  }
0x82: {  	[timem:s3], [sflag:s2] =	dma.local @!p0 [hbm:s0], s1  }
0x83: {  	s0 =	simm.s32 @!p0 $0x1  }
0x84: {  	_ =	swait.ge @!p0 [sflag:s0], s1  }
0x85: {  	s1 =	ssub.s32 @!p0 $0x0, s1;
	[sflag:s0] =	ssyncset.done @!p0 $0x0  }
0x86: {  	[sflag:s0] =	ssyncadd.s32 @!p0 s1  }
0x87: {  	[bflag:$0x3] =	sbarrier.arrive $0xFFFF  }
0x88: {  	_ =	shalt  }

</sc_bundles>
